<compile_context>
chip_gen: v7x
topology: tpu7x:2x2x1
jax: 0.10.2.dev20260603
libtpu: 0.0.44.dev20260713+nightly
codegen_flags: <defaults>
</compile_context>

<pallas_src>
import functools

import jax
import jax.numpy as jnp
import numpy as np
from jax.experimental import pallas as pl
from jax.experimental.pallas import tpu as pltpu

EPS = 1e-6
KNN = 20
ZC = 170
THETA_C = 64
PB = 128
N = 1024
E = KNN * PB


def _split3(a):
    h = a.astype(jnp.bfloat16)
    r = a - h.astype(jnp.float32)
    l = r.astype(jnp.bfloat16)
    l2 = (r - l.astype(jnp.float32)).astype(jnp.bfloat16)
    return h, l, l2


def _edge_body(ft_ref, ftT_ref, fti_ref, ftiT_ref, wfe_ref, wde_ref,
               oft_ref, oftT_ref, ofti_ref, oftiT_ref, oh_ref,
               *, cross, slope, cp, op, o_out):
    j = pl.program_id(1)
    ft = ft_ref[0]
    ftbT = ftT_ref[0, :, pl.ds(j * PB, PB)]
    fti = fti_ref[0]
    ftbTi = ftiT_ref[0, :, pl.ds(j * PB, PB)]

    G = jnp.dot(fti, ftbTi, preferred_element_type=jnp.float32)
    xxm = jnp.sum(fti * fti, axis=1, keepdims=True)
    xxp = jnp.sum(ftbTi * ftbTi, axis=0, keepdims=True)
    inner = -2.0 * G
    D = -xxp - inner - xxm
    iota = jax.lax.broadcasted_iota(jnp.int32, (N, PB), 0)

    def step(k, prev):
        Dm = jnp.where(D < prev, D, -jnp.inf)
        mk = jnp.max(Dm, axis=0, keepdims=True)
        cand = jnp.where(Dm == mk, iota, jnp.int32(1 << 30))
        ik = jnp.min(cand, axis=0, keepdims=True)
        oh_ref[:, pl.ds(k * PB, PB)] = (cand == ik).astype(jnp.bfloat16)
        return mk

    jax.lax.fori_loop(0, KNN, step, jnp.full((1, PB), jnp.inf, jnp.float32))

    fh, fl, fl2 = _split3(ftT_ref[0])
    OHT = oh_ref[...]
    nbrT = (jnp.dot(fh, OHT, preferred_element_type=jnp.float32)
            + jnp.dot(fl, OHT, preferred_element_type=jnp.float32)
            + jnp.dot(fl2, OHT, preferred_element_type=jnp.float32))
    ctrT = jnp.concatenate([ftbT] * KNN, axis=1)

    nb = [nbrT[d * cp:(d + 1) * cp, :] for d in range(3)]
    cb = [ctrT[d * cp:(d + 1) * cp, :] for d in range(3)]
    ps, ds_ = [], []
    for d in range(3):
        if cross:
            a, b = (d + 1) % 3, (d + 2) % 3
            cr = nb[a] * cb[b] - nb[b] * cb[a]
            e = jnp.concatenate([nb[d] - cb[d], cb[d], cr], axis=0)
        else:
            e = jnp.concatenate([nb[d] - cb[d], cb[d]], axis=0)
        ps.append(jnp.dot(wfe_ref[...], e, preferred_element_type=jnp.float32))
        ds_.append(jnp.dot(wde_ref[...], e, preferred_element_type=jnp.float32))

    dot = ps[0] * ds_[0] + ps[1] * ds_[1] + ps[2] * ds_[2]
    dsq = ds_[0] * ds_[0] + ds_[1] * ds_[1] + ds_[2] * ds_[2]
    neg = dot < 0
    scale = dot / (dsq + EPS)
    outs = []
    for d in range(3):
        o = slope * ps[d] + (1.0 - slope) * jnp.where(neg, ps[d] - scale * ds_[d], ps[d])
        acc = o[:, 0:PB]
        for k in range(1, KNN):
            acc = acc + o[:, k * PB:(k + 1) * PB]
        outs.append(acc * (1.0 / KNN))
    feat = jnp.concatenate(outs, axis=0)
    oftT_ref[0] = feat
    oft_ref[0] = jnp.transpose(feat)
    c3i = ofti_ref.shape[2]
    feat_i = jnp.stack([outs[0], outs[1], outs[2]],
                       axis=1).reshape(3 * op, PB)[0:c3i]
    oftiT_ref[0] = feat_i
    ofti_ref[0] = jnp.transpose(feat_i)


def _edge_layer(ft, ftT, fti, ftiT, wfe, wde, cross, slope, op, o_out):
    B = ft.shape[0]
    L = ft.shape[2]
    Li = fti.shape[2]
    cp = L // 3
    c3i_out = -((3 * o_out) // -64) * 64
    Ce = wfe.shape[1]
    body = functools.partial(_edge_body, cross=cross, slope=slope, cp=cp,
                             op=op, o_out=o_out)
    oft, oftT, ofti, oftiT = pl.pallas_call(
        body,
        grid=(B, N // PB),
        in_specs=[
            pl.BlockSpec((1, N, L), lambda b, j: (b, 0, 0)),
            pl.BlockSpec((1, L, N), lambda b, j: (b, 0, 0)),
            pl.BlockSpec((1, N, Li), lambda b, j: (b, 0, 0)),
            pl.BlockSpec((1, Li, N), lambda b, j: (b, 0, 0)),
            pl.BlockSpec((op, Ce), lambda b, j: (0, 0)),
            pl.BlockSpec((op, Ce), lambda b, j: (0, 0)),
        ],
        out_specs=[
            pl.BlockSpec((1, PB, 3 * op), lambda b, j: (b, j, 0)),
            pl.BlockSpec((1, 3 * op, PB), lambda b, j: (b, 0, j)),
            pl.BlockSpec((1, PB, c3i_out), lambda b, j: (b, j, 0)),
            pl.BlockSpec((1, c3i_out, PB), lambda b, j: (b, 0, j)),
        ],
        out_shape=[
            jax.ShapeDtypeStruct((B, N, 3 * op), jnp.float32),
            jax.ShapeDtypeStruct((B, 3 * op, N), jnp.float32),
            jax.ShapeDtypeStruct((B, N, c3i_out), jnp.float32),
            jax.ShapeDtypeStruct((B, c3i_out, N), jnp.float32),
        ],
        scratch_shapes=[pltpu.VMEM((N, E), jnp.bfloat16)],
    )(ft, ftT, fti, ftiT, wfe, wde)
    return oft, oftT, ofti, oftiT


def _pack_w(W, cp, op):
    O, C2 = W.shape
    C = C2 // 2
    We = jnp.zeros((op, 2 * cp), jnp.float32)
    We = We.at[:O, :C].set(W[:, :C])
    We = We.at[:O, cp:cp + C].set(W[:, C:])
    return We


def _tail_kernel(f1_ref, f2_ref, f3_ref, f4_ref,
                 wf5_ref, wd5_ref, w1f_ref, w1d_ref, w2f_ref, w2d_ref,
                 wsl_ref, wt1_ref, wt2_ref, wt3_ref, b3_ref,
                 out_ref, z_ref, t2_ref):
    j = pl.program_id(1)

    @pl.when(j == 0)
    def _():
        def vn(ps, ds_, slope):
            dot = ps[0] * ds_[0] + ps[1] * ds_[1] + ps[2] * ds_[2]
            dsq = ds_[0] * ds_[0] + ds_[1] * ds_[1] + ds_[2] * ds_[2]
            neg = dot < 0
            sc = dot / (dsq + EPS)
            return [slope * p + (1.0 - slope) * jnp.where(neg, p - sc * d, p)
                    for p, d in zip(ps, ds_)]

        xcs, p5s, d5s = [], [], []
        for d in range(3):
            xc = jnp.concatenate([
                f1_ref[0, d * 32:(d + 1) * 32, :],
                f2_ref[0, d * 32:(d + 1) * 32, :],
                f3_ref[0, d * 64:(d + 1) * 64, :],
                f4_ref[0, d * 128:(d + 1) * 128, :]], axis=0)
            xcs.append(xc)
            p5s.append(jnp.dot(wf5_ref[...], xc, preferred_element_type=jnp.float32))
            d5s.append(jnp.dot(wd5_ref[...], xc,
                               preferred_element_type=jnp.float32)[0:1])
        h5s = vn(p5s, d5s, 0.2)
        zs = [jnp.mean(h, axis=1, keepdims=True) for h in h5s]
        xx2s = [jnp.concatenate([h, jnp.broadcast_to(z, h.shape)], axis=0)
                for h, z in zip(h5s, zs)]
        p1s = [jnp.dot(w1f_ref[...], xx, preferred_element_type=jnp.float32)
               for xx in xx2s]
        d1s = [jnp.dot(w1d_ref[...], xx, preferred_element_type=jnp.float32)
               for xx in xx2s]
        z1s = vn(p1s, d1s, 0.2)
        p2s = [jnp.dot(w2f_ref[...], z1, preferred_element_type=jnp.float32)
               for z1 in z1s]
        d2s = [jnp.dot(w2d_ref[...], z1, preferred_element_type=jnp.float32)
               for z1 in z1s]
        z2s = vn(p2s, d2s, 0.2)
        z0s = [jnp.dot(wsl_ref[...], z2, preferred_element_type=jnp.float32)
               for z2 in z2s]
        xrs = []
        for k in range(3):
            xs = (xx2s[0] * z0s[k][0:1, :]
                  + xx2s[1] * z0s[k][1:2, :]
                  + xx2s[2] * z0s[k][2:3, :])
            xrs.append(xs)
        xr = jnp.concatenate(xrs, axis=0)
        t1 = jax.nn.relu(jnp.dot(wt1_ref[...], xr,
                                 preferred_element_type=jnp.float32))
        t2_ref[...] = jax.nn.relu(jnp.dot(wt2_ref[...], t1,
                                          preferred_element_type=jnp.float32))
        z_ref[0] = jnp.concatenate(
            [zs[0], zs[1], zs[2], jnp.zeros((176, 125), jnp.float32)], axis=1)

    out_ref[0] = (jnp.dot(wt3_ref[...], t2_ref[...],
                          preferred_element_type=jnp.float32)
                  + b3_ref[0, 0].reshape(-1, 1))


def _pack_tail_weights(Wf5, Wd5, Ws1f, Ws1d, Ws2f, Ws2d, Wsl, Wt1):
    def pack5(W):
        rows = W.shape[0]
        Wp = jnp.zeros((176 if rows > 1 else 8, 256), jnp.float32)
        Wp = Wp.at[:rows, 0:21].set(W[:, 0:21])
        Wp = Wp.at[:rows, 32:53].set(W[:, 21:42])
        Wp = Wp.at[:rows, 64:106].set(W[:, 42:84])
        Wp = Wp.at[:rows, 128:213].set(W[:, 84:169])
        return Wp
    def pack1(W):
        Wp = jnp.zeros((176, 352), jnp.float32)
        Wp = Wp.at[:170, 0:170].set(W[:, 0:170])
        Wp = Wp.at[:170, 176:346].set(W[:, 170:340])
        return Wp
    w2f = jnp.zeros((88, 176), jnp.float32).at[:85, :170].set(Ws2f)
    w2d = jnp.zeros((88, 176), jnp.float32).at[:85, :170].set(Ws2d)
    wsl = jnp.zeros((8, 88), jnp.float32).at[:3, :85].set(Wsl)
    i = np.arange(340)
    ir = np.where(i < 170, i, 176 + i - 170)
    newcols = (np.arange(3)[:, None] * 352 + ir[None, :]).reshape(-1)
    origcols = (i[None, :] * 3 + np.arange(3)[:, None]).reshape(-1)
    wt1 = jnp.zeros((1020, 1056), jnp.float32).at[:, newcols].set(Wt1[:, origcols])
    return (pack5(Wf5), pack5(Wd5), pack1(Ws1f), pack1(Ws1d), w2f, w2d, wsl, wt1)


def _tail_theta(f1T, f2T, f3T, f4T, packed, Wt2, Wt3, bt3):
    B = f1T.shape[0]
    wf5, wd5, w1f, w1d, w2f, w2d, wsl, wt1 = packed
    M = Wt3.shape[0]
    MB = 640
    out, zout = pl.pallas_call(
        _tail_kernel,
        grid=(B, M // MB),
        in_specs=[
            pl.BlockSpec((1, 96, N), lambda b, j: (b, 0, 0)),
            pl.BlockSpec((1, 96, N), lambda b, j: (b, 0, 0)),
            pl.BlockSpec((1, 192, N), lambda b, j: (b, 0, 0)),
            pl.BlockSpec((1, 384, N), lambda b, j: (b, 0, 0)),
            pl.BlockSpec((176, 256), lambda b, j: (0, 0)),
            pl.BlockSpec((8, 256), lambda b, j: (0, 0)),
            pl.BlockSpec((176, 352), lambda b, j: (0, 0)),
            pl.BlockSpec((176, 352), lambda b, j: (0, 0)),
            pl.BlockSpec((88, 176), lambda b, j: (0, 0)),
            pl.BlockSpec((88, 176), lambda b, j: (0, 0)),
            pl.BlockSpec((8, 88), lambda b, j: (0, 0)),
            pl.BlockSpec((1020, 1056), lambda b, j: (0, 0)),
            pl.BlockSpec((1020, 1020), lambda b, j: (0, 0)),
            pl.BlockSpec((MB, 1020), lambda b, j: (j, 0)),
            pl.BlockSpec((1, 1, MB), lambda b, j: (j, 0, 0)),
        ],
        out_specs=[
            pl.BlockSpec((1, MB, N), lambda b, j: (b, j, 0)),
            pl.BlockSpec((1, 176, 128), lambda b, j: (b, 0, 0)),
        ],
        out_shape=[
            jax.ShapeDtypeStruct((B, M, N), jnp.float32),
            jax.ShapeDtypeStruct((B, 176, 128), jnp.float32),
        ],
        scratch_shapes=[pltpu.VMEM((1020, N), jnp.float32)],
    )(f1T, f2T, f3T, f4T, wf5, wd5, w1f, w1d, w2f, w2d, wsl,
      wt1, Wt2, Wt3, bt3.reshape(M // MB, 1, MB))
    return out, zout


def kernel(x, Wf1, Wd1, Wf2, Wd2, Wf3, Wd3, Wf4, Wd4, Wf5, Wd5,
           Ws1f, Ws1d, Ws2f, Ws2d, Wsl, Wt1, Wt2, Wt3, bt3):
    B = x.shape[0]

    ft0 = jnp.zeros((B, N, 24), jnp.float32).at[:, :, (0, 8, 16)].set(x)
    ftT0 = jnp.transpose(ft0, (0, 2, 1))
    fti0 = jnp.pad(x, ((0, 0), (0, 0), (0, 5)))
    ftiT0 = jnp.transpose(fti0, (0, 2, 1))
    def pack1(W):
        We = jnp.zeros((32, 24), jnp.float32)
        We = We.at[:21, 0].set(W[:, 0])
        We = We.at[:21, 8].set(W[:, 1])
        We = We.at[:21, 16].set(W[:, 2])
        return We
    ft1, ft1T, fi1, fi1T = _edge_layer(ft0, ftT0, fti0, ftiT0, pack1(Wf1),
                                       pack1(Wd1), True, 0.0, 32, 21)

    ft2, ft2T, fi2, fi2T = _edge_layer(ft1, ft1T, fi1, fi1T,
                                       _pack_w(Wf2, 32, 32),
                                       _pack_w(Wd2, 32, 32), False, 0.0, 32, 21)
    ft3, ft3T, fi3, fi3T = _edge_layer(ft2, ft2T, fi2, fi2T,
                                       _pack_w(Wf3, 32, 64),
                                       _pack_w(Wd3, 32, 64), False, 0.0, 64, 42)
    _, ft4T, _, _ = _edge_layer(ft3, ft3T, fi3, fi3T,
                                _pack_w(Wf4, 64, 128),
                                _pack_w(Wd4, 64, 128), False, 0.0, 128, 85)

    packed = _pack_tail_weights(Wf5, Wd5, Ws1f, Ws1d, Ws2f, Ws2d, Wsl, Wt1)
    t3, zout = _tail_theta(ft1T, ft2T, ft3T, ft4T, packed, Wt2, Wt3, bt3)
    z = zout[:, :170, :3]
    theta = t3.reshape(B, THETA_C, ZC, N)
    return (z, theta)

# --- scband reference (transcript-rebuilt; emitter-appended) ---
"""Pipeline reference for scband-vnencoder-47768626266590 (READ-ONLY COPY).

The authoritative reference and input builder live on the scoring server;
editing this copy changes nothing except your own understanding.
"""

import jax, jax.numpy as jnp
import numpy as np

EPS = 1e-6
K = 20
ZC = 170
THETA_C = 64

def knn_idx(xf, k):
    inner = -2.0 * jnp.einsum('bdn,bdm->bnm', xf, xf)
    xx = jnp.sum(xf * xf, axis=1)
    neg_dist = -xx[:, :, None] - inner - xx[:, None, :]
    _, idx = jax.lax.top_k(neg_dist, k)
    return idx

def gather_edges(x, k, cross=False):
    B, C, _, N = x.shape
    xf = x.reshape(B, C * 3, N)
    idx = knn_idx(xf, k)
    xt = jnp.transpose(xf, (0, 2, 1))
    nbr = xt[jnp.arange(B)[:, None, None], idx]
    nbr = nbr.reshape(B, N, k, C, 3)
    ctr = jnp.broadcast_to(xt.reshape(B, N, 1, C, 3), (B, N, k, C, 3))
    if cross:
        cr = jnp.cross(nbr, ctr)
        feat = jnp.concatenate([nbr - ctr, ctr, cr], axis=3)
    else:
        feat = jnp.concatenate([nbr - ctr, ctr], axis=3)
    return jnp.transpose(feat, (0, 3, 4, 1, 2))

def vn_lrelu(x, Wf, Wd, slope):
    p = jnp.einsum('oc,bc...->bo...', Wf, x)
    d = jnp.einsum('oc,bc...->bo...', Wd, x)
    dot = jnp.sum(p * d, axis=2, keepdims=True)
    dsq = jnp.sum(d * d, axis=2, keepdims=True)
    return slope * p + (1.0 - slope) * jnp.where(dot >= 0, p, p - (dot / (dsq + EPS)) * d)

def vn_forward(x, Wf1, Wd1, Wf2, Wd2, Wf3, Wd3, Wf4, Wd4, Wf5, Wd5, Ws1f, Ws1d, Ws2f, Ws2d, Wsl, Wt1, Wt2, Wt3, bt3):
    B, N, _ = x.shape
    x0 = jnp.transpose(x, (0, 2, 1))[:, None, :, :]
    h = vn_lrelu(gather_edges(x0, K, cross=True), Wf1, Wd1, 0.0)
    feat1 = jnp.mean(h, axis=-1)
    h = vn_lrelu(gather_edges(feat1, K), Wf2, Wd2, 0.0)
    feat2 = jnp.mean(h, axis=-1)
    h = vn_lrelu(gather_edges(feat2, K), Wf3, Wd3, 0.0)
    feat3 = jnp.mean(h, axis=-1)
    h = vn_lrelu(gather_edges(feat3, K), Wf4, Wd4, 0.0)
    feat4 = jnp.mean(h, axis=-1)
    xc = jnp.concatenate([feat1, feat2, feat3, feat4], axis=1)
    h5 = vn_lrelu(xc, Wf5, Wd5, 0.2)
    z = jnp.mean(h5, axis=-1)
    xm = jnp.broadcast_to(z[:, :, :, None], h5.shape)
    xx2 = jnp.concatenate([h5, xm], axis=1)
    z0 = vn_lrelu(xx2, Ws1f, Ws1d, 0.2)
    z0 = vn_lrelu(z0, Ws2f, Ws2d, 0.2)
    z0 = jnp.einsum('oc,bcdn->bodn', Wsl, z0)
    x_std = jnp.einsum('bijm,bjkm->bikm', xx2, z0)
    xr = x_std.reshape(B, xx2.shape[1] * 3, N)
    t = jax.nn.relu(jnp.einsum('oc,bcn->bon', Wt1, xr))
    t = jax.nn.relu(jnp.einsum('oc,bcn->bon', Wt2, t))
    t = jnp.einsum('oc,bcn->bon', Wt3, t) + bt3[None, :, None]
    theta = t.reshape(B, THETA_C, ZC, N)
    return (z, theta)

def setup_inputs(seed: int = 0):
    key = jax.random.key(seed)
    ks = jax.random.split(key, 20)
    B, N = 2, 1024
    def w(k, o, i):
        return jax.random.normal(k, (o, i), dtype=jnp.float32) / np.sqrt(i)
    d = {}
    d['x'] = jax.random.normal(ks[0], (B, N, 3), dtype=jnp.float32)
    d['Wf1'] = w(ks[1], 21, 3); d['Wd1'] = w(ks[2], 21, 3)
    d['Wf2'] = w(ks[3], 21, 42); d['Wd2'] = w(ks[4], 21, 42)
    d['Wf3'] = w(ks[5], 42, 42); d['Wd3'] = w(ks[6], 42, 42)
    d['Wf4'] = w(ks[7], 85, 84); d['Wd4'] = w(ks[8], 85, 84)
    d['Wf5'] = w(ks[9], 170, 169); d['Wd5'] = w(ks[10], 1, 169)
    d['Ws1f'] = w(ks[11], 170, 340); d['Ws1d'] = w(ks[12], 170, 340)
    d['Ws2f'] = w(ks[13], 85, 170); d['Ws2d'] = w(ks[14], 85, 170)
    d['Wsl'] = w(ks[15], 3, 85)
    d['Wt1'] = w(ks[16], 1020, 1020)
    d['Wt2'] = w(ks[17], 1020, 1020)
    d['Wt3'] = w(ks[18], THETA_C * ZC, 1020)
    d['bt3'] = jnp.zeros((THETA_C * ZC,), dtype=jnp.float32)
    return d

def reference(x, Wf1, Wd1, Wf2, Wd2, Wf3, Wd3, Wf4, Wd4, Wf5, Wd5, Ws1f, Ws1d, Ws2f, Ws2d, Wsl, Wt1, Wt2, Wt3, bt3):
    return vn_forward(x, Wf1, Wd1, Wf2, Wd2, Wf3, Wd3, Wf4, Wd4, Wf5, Wd5, Ws1f, Ws1d, Ws2f, Ws2d, Wsl, Wt1, Wt2, Wt3, bt3)

if __name__ == "__main__":
    import jax
    _d = setup_inputs()
    print(jax.jit(kernel)(*tuple(_d.values())))

</pallas_src>

<mosaic_0001>
module attributes {stable_mosaic.version = 14 : i64} {
  func.func @_edge_body(%arg0: i32, %arg1: i32, %arg2: memref<1x1024x24xf32, #tpu.memory_space<vmem>>, %arg3: memref<1x24x1024xf32, #tpu.memory_space<vmem>>, %arg4: memref<1x1024x8xf32, #tpu.memory_space<vmem>>, %arg5: memref<1x8x1024xf32, #tpu.memory_space<vmem>>, %arg6: memref<32x24xf32, #tpu.memory_space<vmem>>, %arg7: memref<32x24xf32, #tpu.memory_space<vmem>>, %arg8: memref<1x128x96xf32, #tpu.memory_space<vmem>>, %arg9: memref<1x96x128xf32, #tpu.memory_space<vmem>>, %arg10: memref<1x128x64xf32, #tpu.memory_space<vmem>>, %arg11: memref<1x64x128xf32, #tpu.memory_space<vmem>>, %arg12: memref<1024x2560xbf16, #tpu.memory_space<vmem>>) attributes {dimension_semantics = [#tpu.dimension_semantics<arbitrary>, #tpu.dimension_semantics<arbitrary>], iteration_bounds = array<i64: 2, 8>, scalar_prefetch = 0 : i64, scratch_operands = 1 : i64, tpu.core_type = #tpu.core_type<tc>, window_params = [{transform_indices = @transform_0, window_bounds = array<i64: 1, 1024, 24>}, {transform_indices = @transform_1, window_bounds = array<i64: 1, 24, 1024>}, {transform_indices = @transform_2, window_bounds = array<i64: 1, 1024, 8>}, {transform_indices = @transform_3, window_bounds = array<i64: 1, 8, 1024>}, {pipeline_mode = #tpu.pipeline_mode<synchronous>, transform_indices = @transform_4, window_bounds = array<i64: 32, 24>}, {pipeline_mode = #tpu.pipeline_mode<synchronous>, transform_indices = @transform_5, window_bounds = array<i64: 32, 24>}, {transform_indices = @transform_6, window_bounds = array<i64: 1, 128, 96>}, {transform_indices = @transform_7, window_bounds = array<i64: 1, 96, 128>}, {transform_indices = @transform_8, window_bounds = array<i64: 1, 128, 64>}, {transform_indices = @transform_9, window_bounds = array<i64: 1, 64, 128>}]} {
    %mul3A = arith.constant 128 : i32
    %mul3A_0 = arith.muli %arg1, %mul3A : i32
    %get3A = arith.constant 0 : index
    %get3A_1 = arith.constant 0 : index
    %get3A_2 = arith.index_cast %mul3A_0 : i32 to index
    %get3A_3 = vector.load %arg3[%get3A, %get3A_1, %get3A_2] : memref<1x24x1024xf32, #tpu.memory_space<vmem>>, vector<1x24x128xf32>
    %get3A_4 = vector.shape_cast %get3A_3 : vector<1x24x128xf32> to vector<24x128xf32>
    %get3A_5 = arith.constant 0 : index
    %get3A_6 = arith.constant 0 : index
    %get3A_7 = arith.constant 0 : index
    %get3A_8 = vector.load %arg4[%get3A_5, %get3A_6, %get3A_7] : memref<1x1024x8xf32, #tpu.memory_space<vmem>>, vector<1x1024x8xf32>
    %get3A_9 = vector.shape_cast %get3A_8 : vector<1x1024x8xf32> to vector<1024x8xf32>
    %mul3A_10 = arith.constant 128 : i32
    %mul3A_11 = arith.muli %arg1, %mul3A_10 : i32
    %get3A_12 = arith.constant 0 : index
    %get3A_13 = arith.constant 0 : index
    %get3A_14 = arith.index_cast %mul3A_11 : i32 to index
    %get3A_15 = vector.load %arg5[%get3A_12, %get3A_13, %get3A_14] : memref<1x8x1024xf32, #tpu.memory_space<vmem>>, vector<1x8x128xf32>
    %get3A_16 = vector.shape_cast %get3A_15 : vector<1x8x128xf32> to vector<8x128xf32>
    %dot_general3A = arith.constant dense<0.000000e+00> : vector<1024x128xf32>
    %dot_general3A_17 = tpu.matmul %get3A_9, %get3A_16, %dot_general3A {dimension_numbers = #tpu.dot_dimension_numbers<[1], [0], [0], [1], [0, 0, 1, 1], [], []>, transpose_lhs_hint = false} : vector<1024x8xf32>, vector<8x128xf32>, vector<1024x128xf32> -> vector<1024x128xf32>
    %mul3A_18 = arith.mulf %get3A_9, %get3A_9 : vector<1024x8xf32>
    %reduce_sum3A = arith.constant dense<0.000000e+00> : vector<1024xf32>
    %reduce_sum3A_19 = vector.multi_reduction <add>, %mul3A_18, %reduce_sum3A [1] : vector<1024x8xf32> to vector<1024xf32>
    %broadcast_in_dim3A = vector.shape_cast %reduce_sum3A_19 : vector<1024xf32> to vector<1024x1xf32>
    %mul3A_20 = arith.mulf %get3A_16, %get3A_16 : vector<8x128xf32>
    %reduce_sum3A_21 = arith.constant dense<0.000000e+00> : vector<128xf32>
    %reduce_sum3A_22 = vector.multi_reduction <add>, %mul3A_20, %reduce_sum3A_21 [0] : vector<8x128xf32> to vector<128xf32>
    %broadcast_in_dim3A_23 = vector.shape_cast %reduce_sum3A_22 : vector<128xf32> to vector<1x128xf32>
    %mul3A_24 = arith.constant -2.000000e+00 : f32
    %mul3A_25 = vector.broadcast %mul3A_24 : f32 to vector<1024x128xf32>
    %mul3A_26 = arith.mulf %mul3A_25, %dot_general3A_17 : vector<1024x128xf32>
    %neg3A = arith.constant 0.000000e+00 : f32
    %neg3A_27 = vector.broadcast %neg3A : f32 to vector<1x128xf32>
    %neg3A_28 = arith.subf %neg3A_27, %broadcast_in_dim3A_23 : vector<1x128xf32>
    %sub3A = vector.broadcast %neg3A_28 : vector<1x128xf32> to vector<1024x128xf32>
    %sub3A_29 = arith.subf %sub3A, %mul3A_26 : vector<1024x128xf32>
    %sub3A_30 = vector.broadcast %broadcast_in_dim3A : vector<1024x1xf32> to vector<1024x128xf32>
    %sub3A_31 = arith.subf %sub3A_29, %sub3A_30 : vector<1024x128xf32>
    %iota3A = tpu.iota {dimensions = array<i32: 0>} : vector<1024x128xi32>
    %broadcast_in_dim3A_32 = arith.constant 0x7F800000 : f32
    %broadcast_in_dim3A_33 = vector.broadcast %broadcast_in_dim3A_32 : f32 to vector<1x128xf32>
    %scan3A = arith.constant 0 : i32
    %scan3A_34 = arith.constant 20 : i32
    %scan3A_35 = arith.addi %scan3A, %scan3A_34 : i32
    %scan3A_36 = arith.constant 1 : i32
    %scan3A_37 = scf.for %scan3A_309 = %scan3A to %scan3A_35 step %scan3A_36 iter_args(%scan3A_310 = %broadcast_in_dim3A_33) -> (vector<1x128xf32>)  : i32 {
      %lt3A_311 = vector.broadcast %scan3A_310 : vector<1x128xf32> to vector<1024x128xf32>
      %lt3A_312 = arith.cmpf olt, %sub3A_31, %lt3A_311 : vector<1024x128xf32>
      %jit3A = arith.constant 0xFF800000 : f32
      %broadcast_in_dim3A_313 = vector.broadcast %jit3A : f32 to vector<1024x128xf32>
      %select_n3A_314 = arith.select %lt3A_312, %sub3A_31, %broadcast_in_dim3A_313 : vector<1024x128xi1>, vector<1024x128xf32>
      %reduce_max3A = arith.constant dense<0xFF800000> : vector<128xf32>
      %reduce_max3A_315 = vector.multi_reduction <maximumf>, %select_n3A_314, %reduce_max3A [0] : vector<1024x128xf32> to vector<128xf32>
      %broadcast_in_dim3A_316 = vector.shape_cast %reduce_max3A_315 : vector<128xf32> to vector<1x128xf32>
      %eq3A = vector.broadcast %broadcast_in_dim3A_316 : vector<1x128xf32> to vector<1024x128xf32>
      %eq3A_317 = arith.cmpf oeq, %select_n3A_314, %eq3A : vector<1024x128xf32>
      %jit3A_318 = arith.constant 1073741824 : i32
      %broadcast_in_dim3A_319 = vector.broadcast %jit3A_318 : i32 to vector<1024x128xi32>
      %select_n3A_320 = arith.select %eq3A_317, %iota3A, %broadcast_in_dim3A_319 : vector<1024x128xi1>, vector<1024x128xi32>
      %reduce_min3A = arith.constant dense<2147483647> : vector<128xi32>
      %reduce_min3A_321 = vector.multi_reduction <minsi>, %select_n3A_320, %reduce_min3A [0] : vector<1024x128xi32> to vector<128xi32>
      %broadcast_in_dim3A_322 = vector.shape_cast %reduce_min3A_321 : vector<128xi32> to vector<1x128xi32>
      %eq3A_323 = vector.broadcast %broadcast_in_dim3A_322 : vector<1x128xi32> to vector<1024x128xi32>
      %eq3A_324 = arith.cmpi eq, %select_n3A_320, %eq3A_323 : vector<1024x128xi32>
      %convert_element_type3A_325 = arith.extui %eq3A_324 : vector<1024x128xi1> to vector<1024x128xi32>
      %convert_element_type3A_326 = arith.sitofp %convert_element_type3A_325 : vector<1024x128xi32> to vector<1024x128xf32>
      %convert_element_type3A_327 = arith.truncf %convert_element_type3A_326 : vector<1024x128xf32> to vector<1024x128xbf16>
      %mul3A_328 = arith.constant 128 : i32
      %mul3A_329 = arith.muli %scan3A_309, %mul3A_328 : i32
      %swap3A_330 = arith.constant 0 : index
      %swap3A_331 = arith.index_cast %mul3A_329 : i32 to index
      %swap3A_332 = vector.load %arg12[%swap3A_330, %swap3A_331] : memref<1024x2560xbf16, #tpu.memory_space<vmem>>, vector<1024x128xbf16>
      tpu.vector_store %arg12[%swap3A_330, %swap3A_331], %convert_element_type3A_327 {strides = array<i32>} : memref<1024x2560xbf16, #tpu.memory_space<vmem>>, vector<1024x128xbf16>,
      scf.yield %broadcast_in_dim3A_316 : vector<1x128xf32>
    }
    %scan3A_38 = arith.constant 20 : i32
    %get3A_39 = arith.constant 0 : index
    %get3A_40 = arith.constant 0 : index
    %get3A_41 = arith.constant 0 : index
    %get3A_42 = vector.load %arg3[%get3A_39, %get3A_40, %get3A_41] : memref<1x24x1024xf32, #tpu.memory_space<vmem>>, vector<1x24x1024xf32>
    %get3A_43 = vector.shape_cast %get3A_42 : vector<1x24x1024xf32> to vector<24x1024xf32>
    %convert_element_type3A = arith.truncf %get3A_43 : vector<24x1024xf32> to vector<24x1024xbf16>
    %convert_element_type3A_44 = arith.extf %convert_element_type3A : vector<24x1024xbf16> to vector<24x1024xf32>
    %sub3A_45 = arith.subf %get3A_43, %convert_element_type3A_44 : vector<24x1024xf32>
    %convert_element_type3A_46 = arith.truncf %sub3A_45 : vector<24x1024xf32> to vector<24x1024xbf16>
    %convert_element_type3A_47 = arith.extf %convert_element_type3A_46 : vector<24x1024xbf16> to vector<24x1024xf32>
    %sub3A_48 = arith.subf %sub3A_45, %convert_element_type3A_47 : vector<24x1024xf32>
    %convert_element_type3A_49 = arith.truncf %sub3A_48 : vector<24x1024xf32> to vector<24x1024xbf16>
    %get3A_50 = arith.constant 0 : index
    %get3A_51 = arith.constant 0 : index
    %get3A_52 = vector.load %arg12[%get3A_50, %get3A_51] : memref<1024x2560xbf16, #tpu.memory_space<vmem>>, vector<1024x2560xbf16>
    %dot_general3A_53 = arith.constant dense<0.000000e+00> : vector<24x2560xf32>
    %dot_general3A_54 = tpu.matmul %convert_element_type3A, %get3A_52, %dot_general3A_53 {dimension_numbers = #tpu.dot_dimension_numbers<[1], [0], [0], [1], [0, 0, 1, 1], [], []>, transpose_lhs_hint = false} : vector<24x1024xbf16>, vector<1024x2560xbf16>, vector<24x2560xf32> -> vector<24x2560xf32>
    %dot_general3A_55 = arith.constant dense<0.000000e+00> : vector<24x2560xf32>
    %dot_general3A_56 = tpu.matmul %convert_element_type3A_46, %get3A_52, %dot_general3A_55 {dimension_numbers = #tpu.dot_dimension_numbers<[1], [0], [0], [1], [0, 0, 1, 1], [], []>, transpose_lhs_hint = false} : vector<24x1024xbf16>, vector<1024x2560xbf16>, vector<24x2560xf32> -> vector<24x2560xf32>
    %add3A = arith.addf %dot_general3A_54, %dot_general3A_56 : vector<24x2560xf32>
    %dot_general3A_57 = arith.constant dense<0.000000e+00> : vector<24x2560xf32>
    %dot_general3A_58 = tpu.matmul %convert_element_type3A_49, %get3A_52, %dot_general3A_57 {dimension_numbers = #tpu.dot_dimension_numbers<[1], [0], [0], [1], [0, 0, 1, 1], [], []>, transpose_lhs_hint = false} : vector<24x1024xbf16>, vector<1024x2560xbf16>, vector<24x2560xf32> -> vector<24x2560xf32>
    %add3A_59 = arith.addf %add3A, %dot_general3A_58 : vector<24x2560xf32>
    %concatenate3A = tpu.concatenate %get3A_4, %get3A_4, %get3A_4, %get3A_4, %get3A_4, %get3A_4, %get3A_4, %get3A_4, %get3A_4, %get3A_4, %get3A_4, %get3A_4, %get3A_4, %get3A_4, %get3A_4, %get3A_4, %get3A_4, %get3A_4, %get3A_4, %get3A_4 in 1 : vector<24x128xf32>, vector<24x128xf32>, vector<24x128xf32>, vector<24x128xf32>, vector<24x128xf32>, vector<24x128xf32>, vector<24x128xf32>, vector<24x128xf32>, vector<24x128xf32>, vector<24x128xf32>, vector<24x128xf32>, vector<24x128xf32>, vector<24x128xf32>, vector<24x128xf32>, vector<24x128xf32>, vector<24x128xf32>, vector<24x128xf32>, vector<24x128xf32>, vector<24x128xf32>, vector<24x128xf32> -> vector<24x2560xf32>
    %slice3A = vector.extract_strided_slice %add3A_59 {offsets = [0, 0], sizes = [8, 2560], strides = [1, 1]} : vector<24x2560xf32> to vector<8x2560xf32>
    %slice3A_60 = vector.extract_strided_slice %add3A_59 {offsets = [8, 0], sizes = [8, 2560], strides = [1, 1]} : vector<24x2560xf32> to vector<8x2560xf32>
    %slice3A_61 = vector.extract_strided_slice %add3A_59 {offsets = [16, 0], sizes = [8, 2560], strides = [1, 1]} : vector<24x2560xf32> to vector<8x2560xf32>
    %slice3A_62 = vector.extract_strided_slice %concatenate3A {offsets = [0, 0], sizes = [8, 2560], strides = [1, 1]} : vector<24x2560xf32> to vector<8x2560xf32>
    %slice3A_63 = vector.extract_strided_slice %concatenate3A {offsets = [8, 0], sizes = [8, 2560], strides = [1, 1]} : vector<24x2560xf32> to vector<8x2560xf32>
    %slice3A_64 = vector.extract_strided_slice %concatenate3A {offsets = [16, 0], sizes = [8, 2560], strides = [1, 1]} : vector<24x2560xf32> to vector<8x2560xf32>
    %mul3A_65 = arith.mulf %slice3A_60, %slice3A_64 : vector<8x2560xf32>
    %mul3A_66 = arith.mulf %slice3A_61, %slice3A_63 : vector<8x2560xf32>
    %sub3A_67 = arith.subf %mul3A_65, %mul3A_66 : vector<8x2560xf32>
    %sub3A_68 = arith.subf %slice3A, %slice3A_62 : vector<8x2560xf32>
    %concatenate3A_69 = tpu.concatenate %sub3A_68, %slice3A_62, %sub3A_67 in 0 : vector<8x2560xf32>, vector<8x2560xf32>, vector<8x2560xf32> -> vector<24x2560xf32>
    %get3A_70 = arith.constant 0 : index
    %get3A_71 = arith.constant 0 : index
    %get3A_72 = vector.load %arg6[%get3A_70, %get3A_71] : memref<32x24xf32, #tpu.memory_space<vmem>>, vector<32x24xf32>
    %dot_general3A_73 = arith.constant dense<0.000000e+00> : vector<32x2560xf32>
    %dot_general3A_74 = tpu.matmul %get3A_72, %concatenate3A_69, %dot_general3A_73 {dimension_numbers = #tpu.dot_dimension_numbers<[1], [0], [0], [1], [0, 0, 1, 1], [], []>, transpose_lhs_hint = false} : vector<32x24xf32>, vector<24x2560xf32>, vector<32x2560xf32> -> vector<32x2560xf32>
    %get3A_75 = arith.constant 0 : index
    %get3A_76 = arith.constant 0 : index
    %get3A_77 = vector.load %arg7[%get3A_75, %get3A_76] : memref<32x24xf32, #tpu.memory_space<vmem>>, vector<32x24xf32>
    %dot_general3A_78 = arith.constant dense<0.000000e+00> : vector<32x2560xf32>
    %dot_general3A_79 = tpu.matmul %get3A_77, %concatenate3A_69, %dot_general3A_78 {dimension_numbers = #tpu.dot_dimension_numbers<[1], [0], [0], [1], [0, 0, 1, 1], [], []>, transpose_lhs_hint = false} : vector<32x24xf32>, vector<24x2560xf32>, vector<32x2560xf32> -> vector<32x2560xf32>
    %mul3A_80 = arith.mulf %slice3A_61, %slice3A_62 : vector<8x2560xf32>
    %mul3A_81 = arith.mulf %slice3A, %slice3A_64 : vector<8x2560xf32>
    %sub3A_82 = arith.subf %mul3A_80, %mul3A_81 : vector<8x2560xf32>
    %sub3A_83 = arith.subf %slice3A_60, %slice3A_63 : vector<8x2560xf32>
    %concatenate3A_84 = tpu.concatenate %sub3A_83, %slice3A_63, %sub3A_82 in 0 : vector<8x2560xf32>, vector<8x2560xf32>, vector<8x2560xf32> -> vector<24x2560xf32>
    %get3A_85 = arith.constant 0 : index
    %get3A_86 = arith.constant 0 : index
    %get3A_87 = vector.load %arg6[%get3A_85, %get3A_86] : memref<32x24xf32, #tpu.memory_space<vmem>>, vector<32x24xf32>
    %dot_general3A_88 = arith.constant dense<0.000000e+00> : vector<32x2560xf32>
    %dot_general3A_89 = tpu.matmul %get3A_87, %concatenate3A_84, %dot_general3A_88 {dimension_numbers = #tpu.dot_dimension_numbers<[1], [0], [0], [1], [0, 0, 1, 1], [], []>, transpose_lhs_hint = false} : vector<32x24xf32>, vector<24x2560xf32>, vector<32x2560xf32> -> vector<32x2560xf32>
    %get3A_90 = arith.constant 0 : index
    %get3A_91 = arith.constant 0 : index
    %get3A_92 = vector.load %arg7[%get3A_90, %get3A_91] : memref<32x24xf32, #tpu.memory_space<vmem>>, vector<32x24xf32>
    %dot_general3A_93 = arith.constant dense<0.000000e+00> : vector<32x2560xf32>
    %dot_general3A_94 = tpu.matmul %get3A_92, %concatenate3A_84, %dot_general3A_93 {dimension_numbers = #tpu.dot_dimension_numbers<[1], [0], [0], [1], [0, 0, 1, 1], [], []>, transpose_lhs_hint = false} : vector<32x24xf32>, vector<24x2560xf32>, vector<32x2560xf32> -> vector<32x2560xf32>
    %mul3A_95 = arith.mulf %slice3A, %slice3A_63 : vector<8x2560xf32>
    %mul3A_96 = arith.mulf %slice3A_60, %slice3A_62 : vector<8x2560xf32>
    %sub3A_97 = arith.subf %mul3A_95, %mul3A_96 : vector<8x2560xf32>
    %sub3A_98 = arith.subf %slice3A_61, %slice3A_64 : vector<8x2560xf32>
    %concatenate3A_99 = tpu.concatenate %sub3A_98, %slice3A_64, %sub3A_97 in 0 : vector<8x2560xf32>, vector<8x2560xf32>, vector<8x2560xf32> -> vector<24x2560xf32>
    %get3A_100 = arith.constant 0 : index
    %get3A_101 = arith.constant 0 : index
    %get3A_102 = vector.load %arg6[%get3A_100, %get3A_101] : memref<32x24xf32, #tpu.memory_space<vmem>>, vector<32x24xf32>
    %dot_general3A_103 = arith.constant dense<0.000000e+00> : vector<32x2560xf32>
    %dot_general3A_104 = tpu.matmul %get3A_102, %concatenate3A_99, %dot_general3A_103 {dimension_numbers = #tpu.dot_dimension_numbers<[1], [0], [0], [1], [0, 0, 1, 1], [], []>, transpose_lhs_hint = false} : vector<32x24xf32>, vector<24x2560xf32>, vector<32x2560xf32> -> vector<32x2560xf32>
    %get3A_105 = arith.constant 0 : index
    %get3A_106 = arith.constant 0 : index
    %get3A_107 = vector.load %arg7[%get3A_105, %get3A_106] : memref<32x24xf32, #tpu.memory_space<vmem>>, vector<32x24xf32>
    %dot_general3A_108 = arith.constant dense<0.000000e+00> : vector<32x2560xf32>
    %dot_general3A_109 = tpu.matmul %get3A_107, %concatenate3A_99, %dot_general3A_108 {dimension_numbers = #tpu.dot_dimension_numbers<[1], [0], [0], [1], [0, 0, 1, 1], [], []>, transpose_lhs_hint = false} : vector<32x24xf32>, vector<24x2560xf32>, vector<32x2560xf32> -> vector<32x2560xf32>
    %mul3A_110 = arith.mulf %dot_general3A_74, %dot_general3A_79 : vector<32x2560xf32>
    %mul3A_111 = arith.mulf %dot_general3A_89, %dot_general3A_94 : vector<32x2560xf32>
    %add3A_112 = arith.addf %mul3A_110, %mul3A_111 : vector<32x2560xf32>
    %mul3A_113 = arith.mulf %dot_general3A_104, %dot_general3A_109 : vector<32x2560xf32>
    %add3A_114 = arith.addf %add3A_112, %mul3A_113 : vector<32x2560xf32>
    %mul3A_115 = arith.mulf %dot_general3A_79, %dot_general3A_79 : vector<32x2560xf32>
    %mul3A_116 = arith.mulf %dot_general3A_94, %dot_general3A_94 : vector<32x2560xf32>
    %add3A_117 = arith.addf %mul3A_115, %mul3A_116 : vector<32x2560xf32>
    %mul3A_118 = arith.mulf %dot_general3A_109, %dot_general3A_109 : vector<32x2560xf32>
    %add3A_119 = arith.addf %add3A_117, %mul3A_118 : vector<32x2560xf32>
    %lt3A = arith.constant 0.000000e+00 : f32
    %lt3A_120 = vector.broadcast %lt3A : f32 to vector<32x2560xf32>
    %lt3A_121 = arith.cmpf olt, %add3A_114, %lt3A_120 : vector<32x2560xf32>
    %add3A_122 = arith.constant 9.99999997E-7 : f32
    %add3A_123 = vector.broadcast %add3A_122 : f32 to vector<32x2560xf32>
    %add3A_124 = arith.addf %add3A_119, %add3A_123 : vector<32x2560xf32>
    %div3A = arith.divf %add3A_114, %add3A_124 : vector<32x2560xf32>
    %mul3A_125 = arith.constant 0.000000e+00 : f32
    %mul3A_126 = vector.broadcast %mul3A_125 : f32 to vector<32x2560xf32>
    %mul3A_127 = arith.mulf %mul3A_126, %dot_general3A_74 : vector<32x2560xf32>
    %mul3A_128 = arith.mulf %div3A, %dot_general3A_79 : vector<32x2560xf32>
    %sub3A_129 = arith.subf %dot_general3A_74, %mul3A_128 : vector<32x2560xf32>
    %select_n3A = arith.select %lt3A_121, %sub3A_129, %dot_general3A_74 : vector<32x2560xi1>, vector<32x2560xf32>
    %mul3A_130 = arith.constant 1.000000e+00 : f32
    %mul3A_131 = vector.broadcast %mul3A_130 : f32 to vector<32x2560xf32>
    %mul3A_132 = arith.mulf %mul3A_131, %select_n3A : vector<32x2560xf32>
    %add3A_133 = arith.addf %mul3A_127, %mul3A_132 : vector<32x2560xf32>
    %slice3A_134 = vector.extract_strided_slice %add3A_133 {offsets = [0, 0], sizes = [32, 128], strides = [1, 1]} : vector<32x2560xf32> to vector<32x128xf32>
    %slice3A_135 = vector.extract_strided_slice %add3A_133 {offsets = [0, 128], sizes = [32, 128], strides = [1, 1]} : vector<32x2560xf32> to vector<32x128xf32>
    %add3A_136 = arith.addf %slice3A_134, %slice3A_135 : vector<32x128xf32>
    %slice3A_137 = vector.extract_strided_slice %add3A_133 {offsets = [0, 256], sizes = [32, 128], strides = [1, 1]} : vector<32x2560xf32> to vector<32x128xf32>
    %add3A_138 = arith.addf %add3A_136, %slice3A_137 : vector<32x128xf32>
    %slice3A_139 = vector.extract_strided_slice %add3A_133 {offsets = [0, 384], sizes = [32, 128], strides = [1, 1]} : vector<32x2560xf32> to vector<32x128xf32>
    %add3A_140 = arith.addf %add3A_138, %slice3A_139 : vector<32x128xf32>
    %slice3A_141 = vector.extract_strided_slice %add3A_133 {offsets = [0, 512], sizes = [32, 128], strides = [1, 1]} : vector<32x2560xf32> to vector<32x128xf32>
    %add3A_142 = arith.addf %add3A_140, %slice3A_141 : vector<32x128xf32>
    %slice3A_143 = vector.extract_strided_slice %add3A_133 {offsets = [0, 640], sizes = [32, 128], strides = [1, 1]} : vector<32x2560xf32> to vector<32x128xf32>
    %add3A_144 = arith.addf %add3A_142, %slice3A_143 : vector<32x128xf32>
    %slice3A_145 = vector.extract_strided_slice %add3A_133 {offsets = [0, 768], sizes = [32, 128], strides = [1, 1]} : vector<32x2560xf32> to vector<32x128xf32>
    %add3A_146 = arith.addf %add3A_144, %slice3A_145 : vector<32x128xf32>
    %slice3A_147 = vector.extract_strided_slice %add3A_133 {offsets = [0, 896], sizes = [32, 128], strides = [1, 1]} : vector<32x2560xf32> to vector<32x128xf32>
    %add3A_148 = arith.addf %add3A_146, %slice3A_147 : vector<32x128xf32>
    %slice3A_149 = vector.extract_strided_slice %add3A_133 {offsets = [0, 1024], sizes = [32, 128], strides = [1, 1]} : vector<32x2560xf32> to vector<32x128xf32>
    %add3A_150 = arith.addf %add3A_148, %slice3A_149 : vector<32x128xf32>
    %slice3A_151 = vector.extract_strided_slice %add3A_133 {offsets = [0, 1152], sizes = [32, 128], strides = [1, 1]} : vector<32x2560xf32> to vector<32x128xf32>
    %add3A_152 = arith.addf %add3A_150, %slice3A_151 : vector<32x128xf32>
    %slice3A_153 = vector.extract_strided_slice %add3A_133 {offsets = [0, 1280], sizes = [32, 128], strides = [1, 1]} : vector<32x2560xf32> to vector<32x128xf32>
    %add3A_154 = arith.addf %add3A_152, %slice3A_153 : vector<32x128xf32>
    %slice3A_155 = vector.extract_strided_slice %add3A_133 {offsets = [0, 1408], sizes = [32, 128], strides = [1, 1]} : vector<32x2560xf32> to vector<32x128xf32>
    %add3A_156 = arith.addf %add3A_154, %slice3A_155 : vector<32x128xf32>
    %slice3A_157 = vector.extract_strided_slice %add3A_133 {offsets = [0, 1536], sizes = [32, 128], strides = [1, 1]} : vector<32x2560xf32> to vector<32x128xf32>
    %add3A_158 = arith.addf %add3A_156, %slice3A_157 : vector<32x128xf32>
    %slice3A_159 = vector.extract_strided_slice %add3A_133 {offsets = [0, 1664], sizes = [32, 128], strides = [1, 1]} : vector<32x2560xf32> to vector<32x128xf32>
    %add3A_160 = arith.addf %add3A_158, %slice3A_159 : vector<32x128xf32>
    %slice3A_161 = vector.extract_strided_slice %add3A_133 {offsets = [0, 1792], sizes = [32, 128], strides = [1, 1]} : vector<32x2560xf32> to vector<32x128xf32>
    %add3A_162 = arith.addf %add3A_160, %slice3A_161 : vector<32x128xf32>
    %slice3A_163 = vector.extract_strided_slice %add3A_133 {offsets = [0, 1920], sizes = [32, 128], strides = [1, 1]} : vector<32x2560xf32> to vector<32x128xf32>
    %add3A_164 = arith.addf %add3A_162, %slice3A_163 : vector<32x128xf32>
    %slice3A_165 = vector.extract_strided_slice %add3A_133 {offsets = [0, 2048], sizes = [32, 128], strides = [1, 1]} : vector<32x2560xf32> to vector<32x128xf32>
    %add3A_166 = arith.addf %add3A_164, %slice3A_165 : vector<32x128xf32>
    %slice3A_167 = vector.extract_strided_slice %add3A_133 {offsets = [0, 2176], sizes = [32, 128], strides = [1, 1]} : vector<32x2560xf32> to vector<32x128xf32>
    %add3A_168 = arith.addf %add3A_166, %slice3A_167 : vector<32x128xf32>
    %slice3A_169 = vector.extract_strided_slice %add3A_133 {offsets = [0, 2304], sizes = [32, 128], strides = [1, 1]} : vector<32x2560xf32> to vector<32x128xf32>
    %add3A_170 = arith.addf %add3A_168, %slice3A_169 : vector<32x128xf32>
    %slice3A_171 = vector.extract_strided_slice %add3A_133 {offsets = [0, 2432], sizes = [32, 128], strides = [1, 1]} : vector<32x2560xf32> to vector<32x128xf32>
    %add3A_172 = arith.addf %add3A_170, %slice3A_171 : vector<32x128xf32>
    %mul3A_173 = arith.constant 5.000000e-02 : f32
    %mul3A_174 = vector.broadcast %mul3A_173 : f32 to vector<32x128xf32>
    %mul3A_175 = arith.mulf %add3A_172, %mul3A_174 : vector<32x128xf32>
    %mul3A_176 = arith.constant 0.000000e+00 : f32
    %mul3A_177 = vector.broadcast %mul3A_176 : f32 to vector<32x2560xf32>
    %mul3A_178 = arith.mulf %mul3A_177, %dot_general3A_89 : vector<32x2560xf32>
    %mul3A_179 = arith.mulf %div3A, %dot_general3A_94 : vector<32x2560xf32>
    %sub3A_180 = arith.subf %dot_general3A_89, %mul3A_179 : vector<32x2560xf32>
    %select_n3A_181 = arith.select %lt3A_121, %sub3A_180, %dot_general3A_89 : vector<32x2560xi1>, vector<32x2560xf32>
    %mul3A_182 = arith.constant 1.000000e+00 : f32
    %mul3A_183 = vector.broadcast %mul3A_182 : f32 to vector<32x2560xf32>
    %mul3A_184 = arith.mulf %mul3A_183, %select_n3A_181 : vector<32x2560xf32>
    %add3A_185 = arith.addf %mul3A_178, %mul3A_184 : vector<32x2560xf32>
    %slice3A_186 = vector.extract_strided_slice %add3A_185 {offsets = [0, 0], sizes = [32, 128], strides = [1, 1]} : vector<32x2560xf32> to vector<32x128xf32>
    %slice3A_187 = vector.extract_strided_slice %add3A_185 {offsets = [0, 128], sizes = [32, 128], strides = [1, 1]} : vector<32x2560xf32> to vector<32x128xf32>
    %add3A_188 = arith.addf %slice3A_186, %slice3A_187 : vector<32x128xf32>
    %slice3A_189 = vector.extract_strided_slice %add3A_185 {offsets = [0, 256], sizes = [32, 128], strides = [1, 1]} : vector<32x2560xf32> to vector<32x128xf32>
    %add3A_190 = arith.addf %add3A_188, %slice3A_189 : vector<32x128xf32>
    %slice3A_191 = vector.extract_strided_slice %add3A_185 {offsets = [0, 384], sizes = [32, 128], strides = [1, 1]} : vector<32x2560xf32> to vector<32x128xf32>
    %add3A_192 = arith.addf %add3A_190, %slice3A_191 : vector<32x128xf32>
    %slice3A_193 = vector.extract_strided_slice %add3A_185 {offsets = [0, 512], sizes = [32, 128], strides = [1, 1]} : vector<32x2560xf32> to vector<32x128xf32>
    %add3A_194 = arith.addf %add3A_192, %slice3A_193 : vector<32x128xf32>
    %slice3A_195 = vector.extract_strided_slice %add3A_185 {offsets = [0, 640], sizes = [32, 128], strides = [1, 1]} : vector<32x2560xf32> to vector<32x128xf32>
    %add3A_196 = arith.addf %add3A_194, %slice3A_195 : vector<32x128xf32>
    %slice3A_197 = vector.extract_strided_slice %add3A_185 {offsets = [0, 768], sizes = [32, 128], strides = [1, 1]} : vector<32x2560xf32> to vector<32x128xf32>
    %add3A_198 = arith.addf %add3A_196, %slice3A_197 : vector<32x128xf32>
    %slice3A_199 = vector.extract_strided_slice %add3A_185 {offsets = [0, 896], sizes = [32, 128], strides = [1, 1]} : vector<32x2560xf32> to vector<32x128xf32>
    %add3A_200 = arith.addf %add3A_198, %slice3A_199 : vector<32x128xf32>
    %slice3A_201 = vector.extract_strided_slice %add3A_185 {offsets = [0, 1024], sizes = [32, 128], strides = [1, 1]} : vector<32x2560xf32> to vector<32x128xf32>
    %add3A_202 = arith.addf %add3A_200, %slice3A_201 : vector<32x128xf32>
    %slice3A_203 = vector.extract_strided_slice %add3A_185 {offsets = [0, 1152], sizes = [32, 128], strides = [1, 1]} : vector<32x2560xf32> to vector<32x128xf32>
    %add3A_204 = arith.addf %add3A_202, %slice3A_203 : vector<32x128xf32>
    %slice3A_205 = vector.extract_strided_slice %add3A_185 {offsets = [0, 1280], sizes = [32, 128], strides = [1, 1]} : vector<32x2560xf32> to vector<32x128xf32>
    %add3A_206 = arith.addf %add3A_204, %slice3A_205 : vector<32x128xf32>
    %slice3A_207 = vector.extract_strided_slice %add3A_185 {offsets = [0, 1408], sizes = [32, 128], strides = [1, 1]} : vector<32x2560xf32> to vector<32x128xf32>
    %add3A_208 = arith.addf %add3A_206, %slice3A_207 : vector<32x128xf32>
    %slice3A_209 = vector.extract_strided_slice %add3A_185 {offsets = [0, 1536], sizes = [32, 128], strides = [1, 1]} : vector<32x2560xf32> to vector<32x128xf32>
    %add3A_210 = arith.addf %add3A_208, %slice3A_209 : vector<32x128xf32>
    %slice3A_211 = vector.extract_strided_slice %add3A_185 {offsets = [0, 1664], sizes = [32, 128], strides = [1, 1]} : vector<32x2560xf32> to vector<32x128xf32>
    %add3A_212 = arith.addf %add3A_210, %slice3A_211 : vector<32x128xf32>
    %slice3A_213 = vector.extract_strided_slice %add3A_185 {offsets = [0, 1792], sizes = [32, 128], strides = [1, 1]} : vector<32x2560xf32> to vector<32x128xf32>
    %add3A_214 = arith.addf %add3A_212, %slice3A_213 : vector<32x128xf32>
    %slice3A_215 = vector.extract_strided_slice %add3A_185 {offsets = [0, 1920], sizes = [32, 128], strides = [1, 1]} : vector<32x2560xf32> to vector<32x128xf32>
    %add3A_216 = arith.addf %add3A_214, %slice3A_215 : vector<32x128xf32>
    %slice3A_217 = vector.extract_strided_slice %add3A_185 {offsets = [0, 2048], sizes = [32, 128], strides = [1, 1]} : vector<32x2560xf32> to vector<32x128xf32>
    %add3A_218 = arith.addf %add3A_216, %slice3A_217 : vector<32x128xf32>
    %slice3A_219 = vector.extract_strided_slice %add3A_185 {offsets = [0, 2176], sizes = [32, 128], strides = [1, 1]} : vector<32x2560xf32> to vector<32x128xf32>
    %add3A_220 = arith.addf %add3A_218, %slice3A_219 : vector<32x128xf32>
    %slice3A_221 = vector.extract_strided_slice %add3A_185 {offsets = [0, 2304], sizes = [32, 128], strides = [1, 1]} : vector<32x2560xf32> to vector<32x128xf32>
    %add3A_222 = arith.addf %add3A_220, %slice3A_221 : vector<32x128xf32>
    %slice3A_223 = vector.extract_strided_slice %add3A_185 {offsets = [0, 2432], sizes = [32, 128], strides = [1, 1]} : vector<32x2560xf32> to vector<32x128xf32>
    %add3A_224 = arith.addf %add3A_222, %slice3A_223 : vector<32x128xf32>
    %mul3A_225 = arith.constant 5.000000e-02 : f32
    %mul3A_226 = vector.broadcast %mul3A_225 : f32 to vector<32x128xf32>
    %mul3A_227 = arith.mulf %add3A_224, %mul3A_226 : vector<32x128xf32>
    %mul3A_228 = arith.constant 0.000000e+00 : f32
    %mul3A_229 = vector.broadcast %mul3A_228 : f32 to vector<32x2560xf32>
    %mul3A_230 = arith.mulf %mul3A_229, %dot_general3A_104 : vector<32x2560xf32>
    %mul3A_231 = arith.mulf %div3A, %dot_general3A_109 : vector<32x2560xf32>
    %sub3A_232 = arith.subf %dot_general3A_104, %mul3A_231 : vector<32x2560xf32>
    %select_n3A_233 = arith.select %lt3A_121, %sub3A_232, %dot_general3A_104 : vector<32x2560xi1>, vector<32x2560xf32>
    %mul3A_234 = arith.constant 1.000000e+00 : f32
    %mul3A_235 = vector.broadcast %mul3A_234 : f32 to vector<32x2560xf32>
    %mul3A_236 = arith.mulf %mul3A_235, %select_n3A_233 : vector<32x2560xf32>
    %add3A_237 = arith.addf %mul3A_230, %mul3A_236 : vector<32x2560xf32>
    %slice3A_238 = vector.extract_strided_slice %add3A_237 {offsets = [0, 0], sizes = [32, 128], strides = [1, 1]} : vector<32x2560xf32> to vector<32x128xf32>
    %slice3A_239 = vector.extract_strided_slice %add3A_237 {offsets = [0, 128], sizes = [32, 128], strides = [1, 1]} : vector<32x2560xf32> to vector<32x128xf32>
    %add3A_240 = arith.addf %slice3A_238, %slice3A_239 : vector<32x128xf32>
    %slice3A_241 = vector.extract_strided_slice %add3A_237 {offsets = [0, 256], sizes = [32, 128], strides = [1, 1]} : vector<32x2560xf32> to vector<32x128xf32>
    %add3A_242 = arith.addf %add3A_240, %slice3A_241 : vector<32x128xf32>
    %slice3A_243 = vector.extract_strided_slice %add3A_237 {offsets = [0, 384], sizes = [32, 128], strides = [1, 1]} : vector<32x2560xf32> to vector<32x128xf32>
    %add3A_244 = arith.addf %add3A_242, %slice3A_243 : vector<32x128xf32>
    %slice3A_245 = vector.extract_strided_slice %add3A_237 {offsets = [0, 512], sizes = [32, 128], strides = [1, 1]} : vector<32x2560xf32> to vector<32x128xf32>
    %add3A_246 = arith.addf %add3A_244, %slice3A_245 : vector<32x128xf32>
    %slice3A_247 = vector.extract_strided_slice %add3A_237 {offsets = [0, 640], sizes = [32, 128], strides = [1, 1]} : vector<32x2560xf32> to vector<32x128xf32>
    %add3A_248 = arith.addf %add3A_246, %slice3A_247 : vector<32x128xf32>
    %slice3A_249 = vector.extract_strided_slice %add3A_237 {offsets = [0, 768], sizes = [32, 128], strides = [1, 1]} : vector<32x2560xf32> to vector<32x128xf32>
    %add3A_250 = arith.addf %add3A_248, %slice3A_249 : vector<32x128xf32>
    %slice3A_251 = vector.extract_strided_slice %add3A_237 {offsets = [0, 896], sizes = [32, 128], strides = [1, 1]} : vector<32x2560xf32> to vector<32x128xf32>
    %add3A_252 = arith.addf %add3A_250, %slice3A_251 : vector<32x128xf32>
    %slice3A_253 = vector.extract_strided_slice %add3A_237 {offsets = [0, 1024], sizes = [32, 128], strides = [1, 1]} : vector<32x2560xf32> to vector<32x128xf32>
    %add3A_254 = arith.addf %add3A_252, %slice3A_253 : vector<32x128xf32>
    %slice3A_255 = vector.extract_strided_slice %add3A_237 {offsets = [0, 1152], sizes = [32, 128], strides = [1, 1]} : vector<32x2560xf32> to vector<32x128xf32>
    %add3A_256 = arith.addf %add3A_254, %slice3A_255 : vector<32x128xf32>
    %slice3A_257 = vector.extract_strided_slice %add3A_237 {offsets = [0, 1280], sizes = [32, 128], strides = [1, 1]} : vector<32x2560xf32> to vector<32x128xf32>
    %add3A_258 = arith.addf %add3A_256, %slice3A_257 : vector<32x128xf32>
    %slice3A_259 = vector.extract_strided_slice %add3A_237 {offsets = [0, 1408], sizes = [32, 128], strides = [1, 1]} : vector<32x2560xf32> to vector<32x128xf32>
    %add3A_260 = arith.addf %add3A_258, %slice3A_259 : vector<32x128xf32>
    %slice3A_261 = vector.extract_strided_slice %add3A_237 {offsets = [0, 1536], sizes = [32, 128], strides = [1, 1]} : vector<32x2560xf32> to vector<32x128xf32>
    %add3A_262 = arith.addf %add3A_260, %slice3A_261 : vector<32x128xf32>
    %slice3A_263 = vector.extract_strided_slice %add3A_237 {offsets = [0, 1664], sizes = [32, 128], strides = [1, 1]} : vector<32x2560xf32> to vector<32x128xf32>
    %add3A_264 = arith.addf %add3A_262, %slice3A_263 : vector<32x128xf32>
    %slice3A_265 = vector.extract_strided_slice %add3A_237 {offsets = [0, 1792], sizes = [32, 128], strides = [1, 1]} : vector<32x2560xf32> to vector<32x128xf32>
    %add3A_266 = arith.addf %add3A_264, %slice3A_265 : vector<32x128xf32>
    %slice3A_267 = vector.extract_strided_slice %add3A_237 {offsets = [0, 1920], sizes = [32, 128], strides = [1, 1]} : vector<32x2560xf32> to vector<32x128xf32>
    %add3A_268 = arith.addf %add3A_266, %slice3A_267 : vector<32x128xf32>
    %slice3A_269 = vector.extract_strided_slice %add3A_237 {offsets = [0, 2048], sizes = [32, 128], strides = [1, 1]} : vector<32x2560xf32> to vector<32x128xf32>
    %add3A_270 = arith.addf %add3A_268, %slice3A_269 : vector<32x128xf32>
    %slice3A_271 = vector.extract_strided_slice %add3A_237 {offsets = [0, 2176], sizes = [32, 128], strides = [1, 1]} : vector<32x2560xf32> to vector<32x128xf32>
    %add3A_272 = arith.addf %add3A_270, %slice3A_271 : vector<32x128xf32>
    %slice3A_273 = vector.extract_strided_slice %add3A_237 {offsets = [0, 2304], sizes = [32, 128], strides = [1, 1]} : vector<32x2560xf32> to vector<32x128xf32>
    %add3A_274 = arith.addf %add3A_272, %slice3A_273 : vector<32x128xf32>
    %slice3A_275 = vector.extract_strided_slice %add3A_237 {offsets = [0, 2432], sizes = [32, 128], strides = [1, 1]} : vector<32x2560xf32> to vector<32x128xf32>
    %add3A_276 = arith.addf %add3A_274, %slice3A_275 : vector<32x128xf32>
    %mul3A_277 = arith.constant 5.000000e-02 : f32
    %mul3A_278 = vector.broadcast %mul3A_277 : f32 to vector<32x128xf32>
    %mul3A_279 = arith.mulf %add3A_276, %mul3A_278 : vector<32x128xf32>
    %concatenate3A_280 = tpu.concatenate %mul3A_175, %mul3A_227, %mul3A_279 in 0 : vector<32x128xf32>, vector<32x128xf32>, vector<32x128xf32> -> vector<96x128xf32>
    %swap3A = arith.constant 0 : index
    %swap3A_281 = arith.constant 0 : index
    %swap3A_282 = arith.constant 0 : index
    %swap3A_283 = vector.load %arg9[%swap3A, %swap3A_281, %swap3A_282] : memref<1x96x128xf32, #tpu.memory_space<vmem>>, vector<1x96x128xf32>
    %swap3A_284 = vector.shape_cast %swap3A_283 : vector<1x96x128xf32> to vector<96x128xf32>
    %swap3A_285 = vector.shape_cast %concatenate3A_280 : vector<96x128xf32> to vector<1x96x128xf32>
    tpu.vector_store %arg9[%swap3A, %swap3A_281, %swap3A_282], %swap3A_285 {strides = array<i32>} : memref<1x96x128xf32, #tpu.memory_space<vmem>>, vector<1x96x128xf32>,
    %transpose3A = tpu.transpose %concatenate3A_280, [1, 0] : vector<96x128xf32> -> vector<128x96xf32>
    %swap3A_286 = arith.constant 0 : index
    %swap3A_287 = arith.constant 0 : index
    %swap3A_288 = arith.constant 0 : index
    %swap3A_289 = vector.load %arg8[%swap3A_286, %swap3A_287, %swap3A_288] : memref<1x128x96xf32, #tpu.memory_space<vmem>>, vector<1x128x96xf32>
    %swap3A_290 = vector.shape_cast %swap3A_289 : vector<1x128x96xf32> to vector<128x96xf32>
    %swap3A_291 = vector.shape_cast %transpose3A : vector<128x96xf32> to vector<1x128x96xf32>
    tpu.vector_store %arg8[%swap3A_286, %swap3A_287, %swap3A_288], %swap3A_291 {strides = array<i32>} : memref<1x128x96xf32, #tpu.memory_space<vmem>>, vector<1x128x96xf32>,
    %stack3A = vector.shape_cast %mul3A_175 : vector<32x128xf32> to vector<32x1x128xf32>
    %stack3A_292 = vector.shape_cast %mul3A_227 : vector<32x128xf32> to vector<32x1x128xf32>
    %stack3A_293 = vector.shape_cast %mul3A_279 : vector<32x128xf32> to vector<32x1x128xf32>
    %stack3A_294 = tpu.concatenate %stack3A, %stack3A_292, %stack3A_293 in 1 : vector<32x1x128xf32>, vector<32x1x128xf32>, vector<32x1x128xf32> -> vector<32x3x128xf32>
    %reshape3A = vector.shape_cast %stack3A_294 : vector<32x3x128xf32> to vector<96x128xf32>
    %slice3A_295 = vector.extract_strided_slice %reshape3A {offsets = [0, 0], sizes = [64, 128], strides = [1, 1]} : vector<96x128xf32> to vector<64x128xf32>
    %swap3A_296 = arith.constant 0 : index
    %swap3A_297 = arith.constant 0 : index
    %swap3A_298 = arith.constant 0 : index
    %swap3A_299 = vector.load %arg11[%swap3A_296, %swap3A_297, %swap3A_298] : memref<1x64x128xf32, #tpu.memory_space<vmem>>, vector<1x64x128xf32>
    %swap3A_300 = vector.shape_cast %swap3A_299 : vector<1x64x128xf32> to vector<64x128xf32>
    %swap3A_301 = vector.shape_cast %slice3A_295 : vector<64x128xf32> to vector<1x64x128xf32>
    tpu.vector_store %arg11[%swap3A_296, %swap3A_297, %swap3A_298], %swap3A_301 {strides = array<i32>} : memref<1x64x128xf32, #tpu.memory_space<vmem>>, vector<1x64x128xf32>,
    %transpose3A_302 = tpu.transpose %slice3A_295, [1, 0] : vector<64x128xf32> -> vector<128x64xf32>
    %swap3A_303 = arith.constant 0 : index
    %swap3A_304 = arith.constant 0 : index
    %swap3A_305 = arith.constant 0 : index
    %swap3A_306 = vector.load %arg10[%swap3A_303, %swap3A_304, %swap3A_305] : memref<1x128x64xf32, #tpu.memory_space<vmem>>, vector<1x128x64xf32>
    %swap3A_307 = vector.shape_cast %swap3A_306 : vector<1x128x64xf32> to vector<128x64xf32>
    %swap3A_308 = vector.shape_cast %transpose3A_302 : vector<128x64xf32> to vector<1x128x64xf32>
    tpu.vector_store %arg10[%swap3A_303, %swap3A_304, %swap3A_305], %swap3A_308 {strides = array<i32>} : memref<1x128x64xf32, #tpu.memory_space<vmem>>, vector<1x128x64xf32>,
    return
  }
  func.func @transform_0(%arg0: i32, %arg1: i32) -> (i32, i32, i32) {
    %c0_i32 = arith.constant 0 : i32
    %c0_i32_0 = arith.constant 0 : i32
    %c0_i32_1 = arith.constant 0 : i32
    return %arg0, %c0_i32, %c0_i32_0 : i32, i32, i32
  }
  func.func @transform_1(%arg0: i32, %arg1: i32) -> (i32, i32, i32) {
    %c0_i32 = arith.constant 0 : i32
    %c0_i32_0 = arith.constant 0 : i32
    %c0_i32_1 = arith.constant 0 : i32
    return %arg0, %c0_i32, %c0_i32_0 : i32, i32, i32
  }
  func.func @transform_2(%arg0: i32, %arg1: i32) -> (i32, i32, i32) {
    %c0_i32 = arith.constant 0 : i32
    %c0_i32_0 = arith.constant 0 : i32
    %c0_i32_1 = arith.constant 0 : i32
    return %arg0, %c0_i32, %c0_i32_0 : i32, i32, i32
  }
  func.func @transform_3(%arg0: i32, %arg1: i32) -> (i32, i32, i32) {
    %c0_i32 = arith.constant 0 : i32
    %c0_i32_0 = arith.constant 0 : i32
    %c0_i32_1 = arith.constant 0 : i32
    return %arg0, %c0_i32, %c0_i32_0 : i32, i32, i32
  }
  func.func @transform_4(%arg0: i32, %arg1: i32) -> (i32, i32) {
    %c0_i32 = arith.constant 0 : i32
    %c0_i32_0 = arith.constant 0 : i32
    %c0_i32_1 = arith.constant 0 : i32
    return %c0_i32, %c0_i32_0 : i32, i32
  }
  func.func @transform_5(%arg0: i32, %arg1: i32) -> (i32, i32) {
    %c0_i32 = arith.constant 0 : i32
    %c0_i32_0 = arith.constant 0 : i32
    %c0_i32_1 = arith.constant 0 : i32
    return %c0_i32, %c0_i32_0 : i32, i32
  }
  func.func @transform_6(%arg0: i32, %arg1: i32) -> (i32, i32, i32) {
    %c0_i32 = arith.constant 0 : i32
    %c0_i32_0 = arith.constant 0 : i32
    return %arg0, %arg1, %c0_i32 : i32, i32, i32
  }
  func.func @transform_7(%arg0: i32, %arg1: i32) -> (i32, i32, i32) {
    %c0_i32 = arith.constant 0 : i32
    %c0_i32_0 = arith.constant 0 : i32
    return %arg0, %c0_i32, %arg1 : i32, i32, i32
  }
  func.func @transform_8(%arg0: i32, %arg1: i32) -> (i32, i32, i32) {
    %c0_i32 = arith.constant 0 : i32
    %c0_i32_0 = arith.constant 0 : i32
    return %arg0, %arg1, %c0_i32 : i32, i32, i32
  }
  func.func @transform_9(%arg0: i32, %arg1: i32) -> (i32, i32, i32) {
    %c0_i32 = arith.constant 0 : i32
    %c0_i32_0 = arith.constant 0 : i32
    return %arg0, %c0_i32, %arg1 : i32, i32, i32
  }
}

module attributes {stable_mosaic.version = 14 : i64} {
  func.func @_edge_body(%arg0: i32, %arg1: i32, %arg2: memref<1x1024x96xf32, #tpu.memory_space<vmem>>, %arg3: memref<1x96x1024xf32, #tpu.memory_space<vmem>>, %arg4: memref<1x1024x64xf32, #tpu.memory_space<vmem>>, %arg5: memref<1x64x1024xf32, #tpu.memory_space<vmem>>, %arg6: memref<32x64xf32, #tpu.memory_space<vmem>>, %arg7: memref<32x64xf32, #tpu.memory_space<vmem>>, %arg8: memref<1x128x96xf32, #tpu.memory_space<vmem>>, %arg9: memref<1x96x128xf32, #tpu.memory_space<vmem>>, %arg10: memref<1x128x64xf32, #tpu.memory_space<vmem>>, %arg11: memref<1x64x128xf32, #tpu.memory_space<vmem>>, %arg12: memref<1024x2560xbf16, #tpu.memory_space<vmem>>) attributes {dimension_semantics = [#tpu.dimension_semantics<arbitrary>, #tpu.dimension_semantics<arbitrary>], iteration_bounds = array<i64: 2, 8>, scalar_prefetch = 0 : i64, scratch_operands = 1 : i64, tpu.core_type = #tpu.core_type<tc>, window_params = [{transform_indices = @transform_0, window_bounds = array<i64: 1, 1024, 96>}, {transform_indices = @transform_1, window_bounds = array<i64: 1, 96, 1024>}, {transform_indices = @transform_2, window_bounds = array<i64: 1, 1024, 64>}, {transform_indices = @transform_3, window_bounds = array<i64: 1, 64, 1024>}, {pipeline_mode = #tpu.pipeline_mode<synchronous>, transform_indices = @transform_4, window_bounds = array<i64: 32, 64>}, {pipeline_mode = #tpu.pipeline_mode<synchronous>, transform_indices = @transform_5, window_bounds = array<i64: 32, 64>}, {transform_indices = @transform_6, window_bounds = array<i64: 1, 128, 96>}, {transform_indices = @transform_7, window_bounds = array<i64: 1, 96, 128>}, {transform_indices = @transform_8, window_bounds = array<i64: 1, 128, 64>}, {transform_indices = @transform_9, window_bounds = array<i64: 1, 64, 128>}]} {
    %mul3A = arith.constant 128 : i32
    %mul3A_0 = arith.muli %arg1, %mul3A : i32
    %get3A = arith.constant 0 : index
    %get3A_1 = arith.constant 0 : index
    %get3A_2 = arith.index_cast %mul3A_0 : i32 to index
    %get3A_3 = vector.load %arg3[%get3A, %get3A_1, %get3A_2] : memref<1x96x1024xf32, #tpu.memory_space<vmem>>, vector<1x96x128xf32>
    %get3A_4 = vector.shape_cast %get3A_3 : vector<1x96x128xf32> to vector<96x128xf32>
    %get3A_5 = arith.constant 0 : index
    %get3A_6 = arith.constant 0 : index
    %get3A_7 = arith.constant 0 : index
    %get3A_8 = vector.load %arg4[%get3A_5, %get3A_6, %get3A_7] : memref<1x1024x64xf32, #tpu.memory_space<vmem>>, vector<1x1024x64xf32>
    %get3A_9 = vector.shape_cast %get3A_8 : vector<1x1024x64xf32> to vector<1024x64xf32>
    %mul3A_10 = arith.constant 128 : i32
    %mul3A_11 = arith.muli %arg1, %mul3A_10 : i32
    %get3A_12 = arith.constant 0 : index
    %get3A_13 = arith.constant 0 : index
    %get3A_14 = arith.index_cast %mul3A_11 : i32 to index
    %get3A_15 = vector.load %arg5[%get3A_12, %get3A_13, %get3A_14] : memref<1x64x1024xf32, #tpu.memory_space<vmem>>, vector<1x64x128xf32>
    %get3A_16 = vector.shape_cast %get3A_15 : vector<1x64x128xf32> to vector<64x128xf32>
    %dot_general3A = arith.constant dense<0.000000e+00> : vector<1024x128xf32>
    %dot_general3A_17 = tpu.matmul %get3A_9, %get3A_16, %dot_general3A {dimension_numbers = #tpu.dot_dimension_numbers<[1], [0], [0], [1], [0, 0, 1, 1], [], []>, transpose_lhs_hint = false} : vector<1024x64xf32>, vector<64x128xf32>, vector<1024x128xf32> -> vector<1024x128xf32>
    %mul3A_18 = arith.mulf %get3A_9, %get3A_9 : vector<1024x64xf32>
    %reduce_sum3A = arith.constant dense<0.000000e+00> : vector<1024xf32>
    %reduce_sum3A_19 = vector.multi_reduction <add>, %mul3A_18, %reduce_sum3A [1] : vector<1024x64xf32> to vector<1024xf32>
    %broadcast_in_dim3A = vector.shape_cast %reduce_sum3A_19 : vector<1024xf32> to vector<1024x1xf32>
    %mul3A_20 = arith.mulf %get3A_16, %get3A_16 : vector<64x128xf32>
    %reduce_sum3A_21 = arith.constant dense<0.000000e+00> : vector<128xf32>
    %reduce_sum3A_22 = vector.multi_reduction <add>, %mul3A_20, %reduce_sum3A_21 [0] : vector<64x128xf32> to vector<128xf32>
    %broadcast_in_dim3A_23 = vector.shape_cast %reduce_sum3A_22 : vector<128xf32> to vector<1x128xf32>
    %mul3A_24 = arith.constant -2.000000e+00 : f32
    %mul3A_25 = vector.broadcast %mul3A_24 : f32 to vector<1024x128xf32>
    %mul3A_26 = arith.mulf %mul3A_25, %dot_general3A_17 : vector<1024x128xf32>
    %neg3A = arith.constant 0.000000e+00 : f32
    %neg3A_27 = vector.broadcast %neg3A : f32 to vector<1x128xf32>
    %neg3A_28 = arith.subf %neg3A_27, %broadcast_in_dim3A_23 : vector<1x128xf32>
    %sub3A = vector.broadcast %neg3A_28 : vector<1x128xf32> to vector<1024x128xf32>
    %sub3A_29 = arith.subf %sub3A, %mul3A_26 : vector<1024x128xf32>
    %sub3A_30 = vector.broadcast %broadcast_in_dim3A : vector<1024x1xf32> to vector<1024x128xf32>
    %sub3A_31 = arith.subf %sub3A_29, %sub3A_30 : vector<1024x128xf32>
    %iota3A = tpu.iota {dimensions = array<i32: 0>} : vector<1024x128xi32>
    %broadcast_in_dim3A_32 = arith.constant 0x7F800000 : f32
    %broadcast_in_dim3A_33 = vector.broadcast %broadcast_in_dim3A_32 : f32 to vector<1x128xf32>
    %scan3A = arith.constant 0 : i32
    %scan3A_34 = arith.constant 20 : i32
    %scan3A_35 = arith.addi %scan3A, %scan3A_34 : i32
    %scan3A_36 = arith.constant 1 : i32
    %scan3A_37 = scf.for %scan3A_300 = %scan3A to %scan3A_35 step %scan3A_36 iter_args(%scan3A_301 = %broadcast_in_dim3A_33) -> (vector<1x128xf32>)  : i32 {
      %lt3A_302 = vector.broadcast %scan3A_301 : vector<1x128xf32> to vector<1024x128xf32>
      %lt3A_303 = arith.cmpf olt, %sub3A_31, %lt3A_302 : vector<1024x128xf32>
      %jit3A = arith.constant 0xFF800000 : f32
      %broadcast_in_dim3A_304 = vector.broadcast %jit3A : f32 to vector<1024x128xf32>
      %select_n3A_305 = arith.select %lt3A_303, %sub3A_31, %broadcast_in_dim3A_304 : vector<1024x128xi1>, vector<1024x128xf32>
      %reduce_max3A = arith.constant dense<0xFF800000> : vector<128xf32>
      %reduce_max3A_306 = vector.multi_reduction <maximumf>, %select_n3A_305, %reduce_max3A [0] : vector<1024x128xf32> to vector<128xf32>
      %broadcast_in_dim3A_307 = vector.shape_cast %reduce_max3A_306 : vector<128xf32> to vector<1x128xf32>
      %eq3A = vector.broadcast %broadcast_in_dim3A_307 : vector<1x128xf32> to vector<1024x128xf32>
      %eq3A_308 = arith.cmpf oeq, %select_n3A_305, %eq3A : vector<1024x128xf32>
      %jit3A_309 = arith.constant 1073741824 : i32
      %broadcast_in_dim3A_310 = vector.broadcast %jit3A_309 : i32 to vector<1024x128xi32>
      %select_n3A_311 = arith.select %eq3A_308, %iota3A, %broadcast_in_dim3A_310 : vector<1024x128xi1>, vector<1024x128xi32>
      %reduce_min3A = arith.constant dense<2147483647> : vector<128xi32>
      %reduce_min3A_312 = vector.multi_reduction <minsi>, %select_n3A_311, %reduce_min3A [0] : vector<1024x128xi32> to vector<128xi32>
      %broadcast_in_dim3A_313 = vector.shape_cast %reduce_min3A_312 : vector<128xi32> to vector<1x128xi32>
      %eq3A_314 = vector.broadcast %broadcast_in_dim3A_313 : vector<1x128xi32> to vector<1024x128xi32>
      %eq3A_315 = arith.cmpi eq, %select_n3A_311, %eq3A_314 : vector<1024x128xi32>
      %convert_element_type3A_316 = arith.extui %eq3A_315 : vector<1024x128xi1> to vector<1024x128xi32>
      %convert_element_type3A_317 = arith.sitofp %convert_element_type3A_316 : vector<1024x128xi32> to vector<1024x128xf32>
      %convert_element_type3A_318 = arith.truncf %convert_element_type3A_317 : vector<1024x128xf32> to vector<1024x128xbf16>
      %mul3A_319 = arith.constant 128 : i32
      %mul3A_320 = arith.muli %scan3A_300, %mul3A_319 : i32
      %swap3A_321 = arith.constant 0 : index
      %swap3A_322 = arith.index_cast %mul3A_320 : i32 to index
      %swap3A_323 = vector.load %arg12[%swap3A_321, %swap3A_322] : memref<1024x2560xbf16, #tpu.memory_space<vmem>>, vector<1024x128xbf16>
      tpu.vector_store %arg12[%swap3A_321, %swap3A_322], %convert_element_type3A_318 {strides = array<i32>} : memref<1024x2560xbf16, #tpu.memory_space<vmem>>, vector<1024x128xbf16>,
      scf.yield %broadcast_in_dim3A_307 : vector<1x128xf32>
    }
    %scan3A_38 = arith.constant 20 : i32
    %get3A_39 = arith.constant 0 : index
    %get3A_40 = arith.constant 0 : index
    %get3A_41 = arith.constant 0 : index
    %get3A_42 = vector.load %arg3[%get3A_39, %get3A_40, %get3A_41] : memref<1x96x1024xf32, #tpu.memory_space<vmem>>, vector<1x96x1024xf32>
    %get3A_43 = vector.shape_cast %get3A_42 : vector<1x96x1024xf32> to vector<96x1024xf32>
    %convert_element_type3A = arith.truncf %get3A_43 : vector<96x1024xf32> to vector<96x1024xbf16>
    %convert_element_type3A_44 = arith.extf %convert_element_type3A : vector<96x1024xbf16> to vector<96x1024xf32>
    %sub3A_45 = arith.subf %get3A_43, %convert_element_type3A_44 : vector<96x1024xf32>
    %convert_element_type3A_46 = arith.truncf %sub3A_45 : vector<96x1024xf32> to vector<96x1024xbf16>
    %convert_element_type3A_47 = arith.extf %convert_element_type3A_46 : vector<96x1024xbf16> to vector<96x1024xf32>
    %sub3A_48 = arith.subf %sub3A_45, %convert_element_type3A_47 : vector<96x1024xf32>
    %convert_element_type3A_49 = arith.truncf %sub3A_48 : vector<96x1024xf32> to vector<96x1024xbf16>
    %get3A_50 = arith.constant 0 : index
    %get3A_51 = arith.constant 0 : index
    %get3A_52 = vector.load %arg12[%get3A_50, %get3A_51] : memref<1024x2560xbf16, #tpu.memory_space<vmem>>, vector<1024x2560xbf16>
    %dot_general3A_53 = arith.constant dense<0.000000e+00> : vector<96x2560xf32>
    %dot_general3A_54 = tpu.matmul %convert_element_type3A, %get3A_52, %dot_general3A_53 {dimension_numbers = #tpu.dot_dimension_numbers<[1], [0], [0], [1], [0, 0, 1, 1], [], []>, transpose_lhs_hint = false} : vector<96x1024xbf16>, vector<1024x2560xbf16>, vector<96x2560xf32> -> vector<96x2560xf32>
    %dot_general3A_55 = arith.constant dense<0.000000e+00> : vector<96x2560xf32>
    %dot_general3A_56 = tpu.matmul %convert_element_type3A_46, %get3A_52, %dot_general3A_55 {dimension_numbers = #tpu.dot_dimension_numbers<[1], [0], [0], [1], [0, 0, 1, 1], [], []>, transpose_lhs_hint = false} : vector<96x1024xbf16>, vector<1024x2560xbf16>, vector<96x2560xf32> -> vector<96x2560xf32>
    %add3A = arith.addf %dot_general3A_54, %dot_general3A_56 : vector<96x2560xf32>
    %dot_general3A_57 = arith.constant dense<0.000000e+00> : vector<96x2560xf32>
    %dot_general3A_58 = tpu.matmul %convert_element_type3A_49, %get3A_52, %dot_general3A_57 {dimension_numbers = #tpu.dot_dimension_numbers<[1], [0], [0], [1], [0, 0, 1, 1], [], []>, transpose_lhs_hint = false} : vector<96x1024xbf16>, vector<1024x2560xbf16>, vector<96x2560xf32> -> vector<96x2560xf32>
    %add3A_59 = arith.addf %add3A, %dot_general3A_58 : vector<96x2560xf32>
    %concatenate3A = tpu.concatenate %get3A_4, %get3A_4, %get3A_4, %get3A_4, %get3A_4, %get3A_4, %get3A_4, %get3A_4, %get3A_4, %get3A_4, %get3A_4, %get3A_4, %get3A_4, %get3A_4, %get3A_4, %get3A_4, %get3A_4, %get3A_4, %get3A_4, %get3A_4 in 1 : vector<96x128xf32>, vector<96x128xf32>, vector<96x128xf32>, vector<96x128xf32>, vector<96x128xf32>, vector<96x128xf32>, vector<96x128xf32>, vector<96x128xf32>, vector<96x128xf32>, vector<96x128xf32>, vector<96x128xf32>, vector<96x128xf32>, vector<96x128xf32>, vector<96x128xf32>, vector<96x128xf32>, vector<96x128xf32>, vector<96x128xf32>, vector<96x128xf32>, vector<96x128xf32>, vector<96x128xf32> -> vector<96x2560xf32>
    %slice3A = vector.extract_strided_slice %add3A_59 {offsets = [0, 0], sizes = [32, 2560], strides = [1, 1]} : vector<96x2560xf32> to vector<32x2560xf32>
    %slice3A_60 = vector.extract_strided_slice %add3A_59 {offsets = [32, 0], sizes = [32, 2560], strides = [1, 1]} : vector<96x2560xf32> to vector<32x2560xf32>
    %slice3A_61 = vector.extract_strided_slice %add3A_59 {offsets = [64, 0], sizes = [32, 2560], strides = [1, 1]} : vector<96x2560xf32> to vector<32x2560xf32>
    %slice3A_62 = vector.extract_strided_slice %concatenate3A {offsets = [0, 0], sizes = [32, 2560], strides = [1, 1]} : vector<96x2560xf32> to vector<32x2560xf32>
    %slice3A_63 = vector.extract_strided_slice %concatenate3A {offsets = [32, 0], sizes = [32, 2560], strides = [1, 1]} : vector<96x2560xf32> to vector<32x2560xf32>
    %slice3A_64 = vector.extract_strided_slice %concatenate3A {offsets = [64, 0], sizes = [32, 2560], strides = [1, 1]} : vector<96x2560xf32> to vector<32x2560xf32>
    %sub3A_65 = arith.subf %slice3A, %slice3A_62 : vector<32x2560xf32>
    %concatenate3A_66 = tpu.concatenate %sub3A_65, %slice3A_62 in 0 : vector<32x2560xf32>, vector<32x2560xf32> -> vector<64x2560xf32>
    %get3A_67 = arith.constant 0 : index
    %get3A_68 = arith.constant 0 : index
    %get3A_69 = vector.load %arg6[%get3A_67, %get3A_68] : memref<32x64xf32, #tpu.memory_space<vmem>>, vector<32x64xf32>
    %dot_general3A_70 = arith.constant dense<0.000000e+00> : vector<32x2560xf32>
    %dot_general3A_71 = tpu.matmul %get3A_69, %concatenate3A_66, %dot_general3A_70 {dimension_numbers = #tpu.dot_dimension_numbers<[1], [0], [0], [1], [0, 0, 1, 1], [], []>, transpose_lhs_hint = false} : vector<32x64xf32>, vector<64x2560xf32>, vector<32x2560xf32> -> vector<32x2560xf32>
    %get3A_72 = arith.constant 0 : index
    %get3A_73 = arith.constant 0 : index
    %get3A_74 = vector.load %arg7[%get3A_72, %get3A_73] : memref<32x64xf32, #tpu.memory_space<vmem>>, vector<32x64xf32>
    %dot_general3A_75 = arith.constant dense<0.000000e+00> : vector<32x2560xf32>
    %dot_general3A_76 = tpu.matmul %get3A_74, %concatenate3A_66, %dot_general3A_75 {dimension_numbers = #tpu.dot_dimension_numbers<[1], [0], [0], [1], [0, 0, 1, 1], [], []>, transpose_lhs_hint = false} : vector<32x64xf32>, vector<64x2560xf32>, vector<32x2560xf32> -> vector<32x2560xf32>
    %sub3A_77 = arith.subf %slice3A_60, %slice3A_63 : vector<32x2560xf32>
    %concatenate3A_78 = tpu.concatenate %sub3A_77, %slice3A_63 in 0 : vector<32x2560xf32>, vector<32x2560xf32> -> vector<64x2560xf32>
    %get3A_79 = arith.constant 0 : index
    %get3A_80 = arith.constant 0 : index
    %get3A_81 = vector.load %arg6[%get3A_79, %get3A_80] : memref<32x64xf32, #tpu.memory_space<vmem>>, vector<32x64xf32>
    %dot_general3A_82 = arith.constant dense<0.000000e+00> : vector<32x2560xf32>
    %dot_general3A_83 = tpu.matmul %get3A_81, %concatenate3A_78, %dot_general3A_82 {dimension_numbers = #tpu.dot_dimension_numbers<[1], [0], [0], [1], [0, 0, 1, 1], [], []>, transpose_lhs_hint = false} : vector<32x64xf32>, vector<64x2560xf32>, vector<32x2560xf32> -> vector<32x2560xf32>
    %get3A_84 = arith.constant 0 : index
    %get3A_85 = arith.constant 0 : index
    %get3A_86 = vector.load %arg7[%get3A_84, %get3A_85] : memref<32x64xf32, #tpu.memory_space<vmem>>, vector<32x64xf32>
    %dot_general3A_87 = arith.constant dense<0.000000e+00> : vector<32x2560xf32>
    %dot_general3A_88 = tpu.matmul %get3A_86, %concatenate3A_78, %dot_general3A_87 {dimension_numbers = #tpu.dot_dimension_numbers<[1], [0], [0], [1], [0, 0, 1, 1], [], []>, transpose_lhs_hint = false} : vector<32x64xf32>, vector<64x2560xf32>, vector<32x2560xf32> -> vector<32x2560xf32>
    %sub3A_89 = arith.subf %slice3A_61, %slice3A_64 : vector<32x2560xf32>
    %concatenate3A_90 = tpu.concatenate %sub3A_89, %slice3A_64 in 0 : vector<32x2560xf32>, vector<32x2560xf32> -> vector<64x2560xf32>
    %get3A_91 = arith.constant 0 : index
    %get3A_92 = arith.constant 0 : index
    %get3A_93 = vector.load %arg6[%get3A_91, %get3A_92] : memref<32x64xf32, #tpu.memory_space<vmem>>, vector<32x64xf32>
    %dot_general3A_94 = arith.constant dense<0.000000e+00> : vector<32x2560xf32>
    %dot_general3A_95 = tpu.matmul %get3A_93, %concatenate3A_90, %dot_general3A_94 {dimension_numbers = #tpu.dot_dimension_numbers<[1], [0], [0], [1], [0, 0, 1, 1], [], []>, transpose_lhs_hint = false} : vector<32x64xf32>, vector<64x2560xf32>, vector<32x2560xf32> -> vector<32x2560xf32>
    %get3A_96 = arith.constant 0 : index
    %get3A_97 = arith.constant 0 : index
    %get3A_98 = vector.load %arg7[%get3A_96, %get3A_97] : memref<32x64xf32, #tpu.memory_space<vmem>>, vector<32x64xf32>
    %dot_general3A_99 = arith.constant dense<0.000000e+00> : vector<32x2560xf32>
    %dot_general3A_100 = tpu.matmul %get3A_98, %concatenate3A_90, %dot_general3A_99 {dimension_numbers = #tpu.dot_dimension_numbers<[1], [0], [0], [1], [0, 0, 1, 1], [], []>, transpose_lhs_hint = false} : vector<32x64xf32>, vector<64x2560xf32>, vector<32x2560xf32> -> vector<32x2560xf32>
    %mul3A_101 = arith.mulf %dot_general3A_71, %dot_general3A_76 : vector<32x2560xf32>
    %mul3A_102 = arith.mulf %dot_general3A_83, %dot_general3A_88 : vector<32x2560xf32>
    %add3A_103 = arith.addf %mul3A_101, %mul3A_102 : vector<32x2560xf32>
    %mul3A_104 = arith.mulf %dot_general3A_95, %dot_general3A_100 : vector<32x2560xf32>
    %add3A_105 = arith.addf %add3A_103, %mul3A_104 : vector<32x2560xf32>
    %mul3A_106 = arith.mulf %dot_general3A_76, %dot_general3A_76 : vector<32x2560xf32>
    %mul3A_107 = arith.mulf %dot_general3A_88, %dot_general3A_88 : vector<32x2560xf32>
    %add3A_108 = arith.addf %mul3A_106, %mul3A_107 : vector<32x2560xf32>
    %mul3A_109 = arith.mulf %dot_general3A_100, %dot_general3A_100 : vector<32x2560xf32>
    %add3A_110 = arith.addf %add3A_108, %mul3A_109 : vector<32x2560xf32>
    %lt3A = arith.constant 0.000000e+00 : f32
    %lt3A_111 = vector.broadcast %lt3A : f32 to vector<32x2560xf32>
    %lt3A_112 = arith.cmpf olt, %add3A_105, %lt3A_111 : vector<32x2560xf32>
    %add3A_113 = arith.constant 9.99999997E-7 : f32
    %add3A_114 = vector.broadcast %add3A_113 : f32 to vector<32x2560xf32>
    %add3A_115 = arith.addf %add3A_110, %add3A_114 : vector<32x2560xf32>
    %div3A = arith.divf %add3A_105, %add3A_115 : vector<32x2560xf32>
    %mul3A_116 = arith.constant 0.000000e+00 : f32
    %mul3A_117 = vector.broadcast %mul3A_116 : f32 to vector<32x2560xf32>
    %mul3A_118 = arith.mulf %mul3A_117, %dot_general3A_71 : vector<32x2560xf32>
    %mul3A_119 = arith.mulf %div3A, %dot_general3A_76 : vector<32x2560xf32>
    %sub3A_120 = arith.subf %dot_general3A_71, %mul3A_119 : vector<32x2560xf32>
    %select_n3A = arith.select %lt3A_112, %sub3A_120, %dot_general3A_71 : vector<32x2560xi1>, vector<32x2560xf32>
    %mul3A_121 = arith.constant 1.000000e+00 : f32
    %mul3A_122 = vector.broadcast %mul3A_121 : f32 to vector<32x2560xf32>
    %mul3A_123 = arith.mulf %mul3A_122, %select_n3A : vector<32x2560xf32>
    %add3A_124 = arith.addf %mul3A_118, %mul3A_123 : vector<32x2560xf32>
    %slice3A_125 = vector.extract_strided_slice %add3A_124 {offsets = [0, 0], sizes = [32, 128], strides = [1, 1]} : vector<32x2560xf32> to vector<32x128xf32>
    %slice3A_126 = vector.extract_strided_slice %add3A_124 {offsets = [0, 128], sizes = [32, 128], strides = [1, 1]} : vector<32x2560xf32> to vector<32x128xf32>
    %add3A_127 = arith.addf %slice3A_125, %slice3A_126 : vector<32x128xf32>
    %slice3A_128 = vector.extract_strided_slice %add3A_124 {offsets = [0, 256], sizes = [32, 128], strides = [1, 1]} : vector<32x2560xf32> to vector<32x128xf32>
    %add3A_129 = arith.addf %add3A_127, %slice3A_128 : vector<32x128xf32>
    %slice3A_130 = vector.extract_strided_slice %add3A_124 {offsets = [0, 384], sizes = [32, 128], strides = [1, 1]} : vector<32x2560xf32> to vector<32x128xf32>
    %add3A_131 = arith.addf %add3A_129, %slice3A_130 : vector<32x128xf32>
    %slice3A_132 = vector.extract_strided_slice %add3A_124 {offsets = [0, 512], sizes = [32, 128], strides = [1, 1]} : vector<32x2560xf32> to vector<32x128xf32>
    %add3A_133 = arith.addf %add3A_131, %slice3A_132 : vector<32x128xf32>
    %slice3A_134 = vector.extract_strided_slice %add3A_124 {offsets = [0, 640], sizes = [32, 128], strides = [1, 1]} : vector<32x2560xf32> to vector<32x128xf32>
    %add3A_135 = arith.addf %add3A_133, %slice3A_134 : vector<32x128xf32>
    %slice3A_136 = vector.extract_strided_slice %add3A_124 {offsets = [0, 768], sizes = [32, 128], strides = [1, 1]} : vector<32x2560xf32> to vector<32x128xf32>
    %add3A_137 = arith.addf %add3A_135, %slice3A_136 : vector<32x128xf32>
    %slice3A_138 = vector.extract_strided_slice %add3A_124 {offsets = [0, 896], sizes = [32, 128], strides = [1, 1]} : vector<32x2560xf32> to vector<32x128xf32>
    %add3A_139 = arith.addf %add3A_137, %slice3A_138 : vector<32x128xf32>
    %slice3A_140 = vector.extract_strided_slice %add3A_124 {offsets = [0, 1024], sizes = [32, 128], strides = [1, 1]} : vector<32x2560xf32> to vector<32x128xf32>
    %add3A_141 = arith.addf %add3A_139, %slice3A_140 : vector<32x128xf32>
    %slice3A_142 = vector.extract_strided_slice %add3A_124 {offsets = [0, 1152], sizes = [32, 128], strides = [1, 1]} : vector<32x2560xf32> to vector<32x128xf32>
    %add3A_143 = arith.addf %add3A_141, %slice3A_142 : vector<32x128xf32>
    %slice3A_144 = vector.extract_strided_slice %add3A_124 {offsets = [0, 1280], sizes = [32, 128], strides = [1, 1]} : vector<32x2560xf32> to vector<32x128xf32>
    %add3A_145 = arith.addf %add3A_143, %slice3A_144 : vector<32x128xf32>
    %slice3A_146 = vector.extract_strided_slice %add3A_124 {offsets = [0, 1408], sizes = [32, 128], strides = [1, 1]} : vector<32x2560xf32> to vector<32x128xf32>
    %add3A_147 = arith.addf %add3A_145, %slice3A_146 : vector<32x128xf32>
    %slice3A_148 = vector.extract_strided_slice %add3A_124 {offsets = [0, 1536], sizes = [32, 128], strides = [1, 1]} : vector<32x2560xf32> to vector<32x128xf32>
    %add3A_149 = arith.addf %add3A_147, %slice3A_148 : vector<32x128xf32>
    %slice3A_150 = vector.extract_strided_slice %add3A_124 {offsets = [0, 1664], sizes = [32, 128], strides = [1, 1]} : vector<32x2560xf32> to vector<32x128xf32>
    %add3A_151 = arith.addf %add3A_149, %slice3A_150 : vector<32x128xf32>
    %slice3A_152 = vector.extract_strided_slice %add3A_124 {offsets = [0, 1792], sizes = [32, 128], strides = [1, 1]} : vector<32x2560xf32> to vector<32x128xf32>
    %add3A_153 = arith.addf %add3A_151, %slice3A_152 : vector<32x128xf32>
    %slice3A_154 = vector.extract_strided_slice %add3A_124 {offsets = [0, 1920], sizes = [32, 128], strides = [1, 1]} : vector<32x2560xf32> to vector<32x128xf32>
    %add3A_155 = arith.addf %add3A_153, %slice3A_154 : vector<32x128xf32>
    %slice3A_156 = vector.extract_strided_slice %add3A_124 {offsets = [0, 2048], sizes = [32, 128], strides = [1, 1]} : vector<32x2560xf32> to vector<32x128xf32>
    %add3A_157 = arith.addf %add3A_155, %slice3A_156 : vector<32x128xf32>
    %slice3A_158 = vector.extract_strided_slice %add3A_124 {offsets = [0, 2176], sizes = [32, 128], strides = [1, 1]} : vector<32x2560xf32> to vector<32x128xf32>
    %add3A_159 = arith.addf %add3A_157, %slice3A_158 : vector<32x128xf32>
    %slice3A_160 = vector.extract_strided_slice %add3A_124 {offsets = [0, 2304], sizes = [32, 128], strides = [1, 1]} : vector<32x2560xf32> to vector<32x128xf32>
    %add3A_161 = arith.addf %add3A_159, %slice3A_160 : vector<32x128xf32>
    %slice3A_162 = vector.extract_strided_slice %add3A_124 {offsets = [0, 2432], sizes = [32, 128], strides = [1, 1]} : vector<32x2560xf32> to vector<32x128xf32>
    %add3A_163 = arith.addf %add3A_161, %slice3A_162 : vector<32x128xf32>
    %mul3A_164 = arith.constant 5.000000e-02 : f32
    %mul3A_165 = vector.broadcast %mul3A_164 : f32 to vector<32x128xf32>
    %mul3A_166 = arith.mulf %add3A_163, %mul3A_165 : vector<32x128xf32>
    %mul3A_167 = arith.constant 0.000000e+00 : f32
    %mul3A_168 = vector.broadcast %mul3A_167 : f32 to vector<32x2560xf32>
    %mul3A_169 = arith.mulf %mul3A_168, %dot_general3A_83 : vector<32x2560xf32>
    %mul3A_170 = arith.mulf %div3A, %dot_general3A_88 : vector<32x2560xf32>
    %sub3A_171 = arith.subf %dot_general3A_83, %mul3A_170 : vector<32x2560xf32>
    %select_n3A_172 = arith.select %lt3A_112, %sub3A_171, %dot_general3A_83 : vector<32x2560xi1>, vector<32x2560xf32>
    %mul3A_173 = arith.constant 1.000000e+00 : f32
    %mul3A_174 = vector.broadcast %mul3A_173 : f32 to vector<32x2560xf32>
    %mul3A_175 = arith.mulf %mul3A_174, %select_n3A_172 : vector<32x2560xf32>
    %add3A_176 = arith.addf %mul3A_169, %mul3A_175 : vector<32x2560xf32>
    %slice3A_177 = vector.extract_strided_slice %add3A_176 {offsets = [0, 0], sizes = [32, 128], strides = [1, 1]} : vector<32x2560xf32> to vector<32x128xf32>
    %slice3A_178 = vector.extract_strided_slice %add3A_176 {offsets = [0, 128], sizes = [32, 128], strides = [1, 1]} : vector<32x2560xf32> to vector<32x128xf32>
    %add3A_179 = arith.addf %slice3A_177, %slice3A_178 : vector<32x128xf32>
    %slice3A_180 = vector.extract_strided_slice %add3A_176 {offsets = [0, 256], sizes = [32, 128], strides = [1, 1]} : vector<32x2560xf32> to vector<32x128xf32>
    %add3A_181 = arith.addf %add3A_179, %slice3A_180 : vector<32x128xf32>
    %slice3A_182 = vector.extract_strided_slice %add3A_176 {offsets = [0, 384], sizes = [32, 128], strides = [1, 1]} : vector<32x2560xf32> to vector<32x128xf32>
    %add3A_183 = arith.addf %add3A_181, %slice3A_182 : vector<32x128xf32>
    %slice3A_184 = vector.extract_strided_slice %add3A_176 {offsets = [0, 512], sizes = [32, 128], strides = [1, 1]} : vector<32x2560xf32> to vector<32x128xf32>
    %add3A_185 = arith.addf %add3A_183, %slice3A_184 : vector<32x128xf32>
    %slice3A_186 = vector.extract_strided_slice %add3A_176 {offsets = [0, 640], sizes = [32, 128], strides = [1, 1]} : vector<32x2560xf32> to vector<32x128xf32>
    %add3A_187 = arith.addf %add3A_185, %slice3A_186 : vector<32x128xf32>
    %slice3A_188 = vector.extract_strided_slice %add3A_176 {offsets = [0, 768], sizes = [32, 128], strides = [1, 1]} : vector<32x2560xf32> to vector<32x128xf32>
    %add3A_189 = arith.addf %add3A_187, %slice3A_188 : vector<32x128xf32>
    %slice3A_190 = vector.extract_strided_slice %add3A_176 {offsets = [0, 896], sizes = [32, 128], strides = [1, 1]} : vector<32x2560xf32> to vector<32x128xf32>
    %add3A_191 = arith.addf %add3A_189, %slice3A_190 : vector<32x128xf32>
    %slice3A_192 = vector.extract_strided_slice %add3A_176 {offsets = [0, 1024], sizes = [32, 128], strides = [1, 1]} : vector<32x2560xf32> to vector<32x128xf32>
    %add3A_193 = arith.addf %add3A_191, %slice3A_192 : vector<32x128xf32>
    %slice3A_194 = vector.extract_strided_slice %add3A_176 {offsets = [0, 1152], sizes = [32, 128], strides = [1, 1]} : vector<32x2560xf32> to vector<32x128xf32>
    %add3A_195 = arith.addf %add3A_193, %slice3A_194 : vector<32x128xf32>
    %slice3A_196 = vector.extract_strided_slice %add3A_176 {offsets = [0, 1280], sizes = [32, 128], strides = [1, 1]} : vector<32x2560xf32> to vector<32x128xf32>
    %add3A_197 = arith.addf %add3A_195, %slice3A_196 : vector<32x128xf32>
    %slice3A_198 = vector.extract_strided_slice %add3A_176 {offsets = [0, 1408], sizes = [32, 128], strides = [1, 1]} : vector<32x2560xf32> to vector<32x128xf32>
    %add3A_199 = arith.addf %add3A_197, %slice3A_198 : vector<32x128xf32>
    %slice3A_200 = vector.extract_strided_slice %add3A_176 {offsets = [0, 1536], sizes = [32, 128], strides = [1, 1]} : vector<32x2560xf32> to vector<32x128xf32>
    %add3A_201 = arith.addf %add3A_199, %slice3A_200 : vector<32x128xf32>
    %slice3A_202 = vector.extract_strided_slice %add3A_176 {offsets = [0, 1664], sizes = [32, 128], strides = [1, 1]} : vector<32x2560xf32> to vector<32x128xf32>
    %add3A_203 = arith.addf %add3A_201, %slice3A_202 : vector<32x128xf32>
    %slice3A_204 = vector.extract_strided_slice %add3A_176 {offsets = [0, 1792], sizes = [32, 128], strides = [1, 1]} : vector<32x2560xf32> to vector<32x128xf32>
    %add3A_205 = arith.addf %add3A_203, %slice3A_204 : vector<32x128xf32>
    %slice3A_206 = vector.extract_strided_slice %add3A_176 {offsets = [0, 1920], sizes = [32, 128], strides = [1, 1]} : vector<32x2560xf32> to vector<32x128xf32>
    %add3A_207 = arith.addf %add3A_205, %slice3A_206 : vector<32x128xf32>
    %slice3A_208 = vector.extract_strided_slice %add3A_176 {offsets = [0, 2048], sizes = [32, 128], strides = [1, 1]} : vector<32x2560xf32> to vector<32x128xf32>
    %add3A_209 = arith.addf %add3A_207, %slice3A_208 : vector<32x128xf32>
    %slice3A_210 = vector.extract_strided_slice %add3A_176 {offsets = [0, 2176], sizes = [32, 128], strides = [1, 1]} : vector<32x2560xf32> to vector<32x128xf32>
    %add3A_211 = arith.addf %add3A_209, %slice3A_210 : vector<32x128xf32>
    %slice3A_212 = vector.extract_strided_slice %add3A_176 {offsets = [0, 2304], sizes = [32, 128], strides = [1, 1]} : vector<32x2560xf32> to vector<32x128xf32>
    %add3A_213 = arith.addf %add3A_211, %slice3A_212 : vector<32x128xf32>
    %slice3A_214 = vector.extract_strided_slice %add3A_176 {offsets = [0, 2432], sizes = [32, 128], strides = [1, 1]} : vector<32x2560xf32> to vector<32x128xf32>
    %add3A_215 = arith.addf %add3A_213, %slice3A_214 : vector<32x128xf32>
    %mul3A_216 = arith.constant 5.000000e-02 : f32
    %mul3A_217 = vector.broadcast %mul3A_216 : f32 to vector<32x128xf32>
    %mul3A_218 = arith.mulf %add3A_215, %mul3A_217 : vector<32x128xf32>
    %mul3A_219 = arith.constant 0.000000e+00 : f32
    %mul3A_220 = vector.broadcast %mul3A_219 : f32 to vector<32x2560xf32>
    %mul3A_221 = arith.mulf %mul3A_220, %dot_general3A_95 : vector<32x2560xf32>
    %mul3A_222 = arith.mulf %div3A, %dot_general3A_100 : vector<32x2560xf32>
    %sub3A_223 = arith.subf %dot_general3A_95, %mul3A_222 : vector<32x2560xf32>
    %select_n3A_224 = arith.select %lt3A_112, %sub3A_223, %dot_general3A_95 : vector<32x2560xi1>, vector<32x2560xf32>
    %mul3A_225 = arith.constant 1.000000e+00 : f32
    %mul3A_226 = vector.broadcast %mul3A_225 : f32 to vector<32x2560xf32>
    %mul3A_227 = arith.mulf %mul3A_226, %select_n3A_224 : vector<32x2560xf32>
    %add3A_228 = arith.addf %mul3A_221, %mul3A_227 : vector<32x2560xf32>
    %slice3A_229 = vector.extract_strided_slice %add3A_228 {offsets = [0, 0], sizes = [32, 128], strides = [1, 1]} : vector<32x2560xf32> to vector<32x128xf32>
    %slice3A_230 = vector.extract_strided_slice %add3A_228 {offsets = [0, 128], sizes = [32, 128], strides = [1, 1]} : vector<32x2560xf32> to vector<32x128xf32>
    %add3A_231 = arith.addf %slice3A_229, %slice3A_230 : vector<32x128xf32>
    %slice3A_232 = vector.extract_strided_slice %add3A_228 {offsets = [0, 256], sizes = [32, 128], strides = [1, 1]} : vector<32x2560xf32> to vector<32x128xf32>
    %add3A_233 = arith.addf %add3A_231, %slice3A_232 : vector<32x128xf32>
    %slice3A_234 = vector.extract_strided_slice %add3A_228 {offsets = [0, 384], sizes = [32, 128], strides = [1, 1]} : vector<32x2560xf32> to vector<32x128xf32>
    %add3A_235 = arith.addf %add3A_233, %slice3A_234 : vector<32x128xf32>
    %slice3A_236 = vector.extract_strided_slice %add3A_228 {offsets = [0, 512], sizes = [32, 128], strides = [1, 1]} : vector<32x2560xf32> to vector<32x128xf32>
    %add3A_237 = arith.addf %add3A_235, %slice3A_236 : vector<32x128xf32>
    %slice3A_238 = vector.extract_strided_slice %add3A_228 {offsets = [0, 640], sizes = [32, 128], strides = [1, 1]} : vector<32x2560xf32> to vector<32x128xf32>
    %add3A_239 = arith.addf %add3A_237, %slice3A_238 : vector<32x128xf32>
    %slice3A_240 = vector.extract_strided_slice %add3A_228 {offsets = [0, 768], sizes = [32, 128], strides = [1, 1]} : vector<32x2560xf32> to vector<32x128xf32>
    %add3A_241 = arith.addf %add3A_239, %slice3A_240 : vector<32x128xf32>
    %slice3A_242 = vector.extract_strided_slice %add3A_228 {offsets = [0, 896], sizes = [32, 128], strides = [1, 1]} : vector<32x2560xf32> to vector<32x128xf32>
    %add3A_243 = arith.addf %add3A_241, %slice3A_242 : vector<32x128xf32>
    %slice3A_244 = vector.extract_strided_slice %add3A_228 {offsets = [0, 1024], sizes = [32, 128], strides = [1, 1]} : vector<32x2560xf32> to vector<32x128xf32>
    %add3A_245 = arith.addf %add3A_243, %slice3A_244 : vector<32x128xf32>
    %slice3A_246 = vector.extract_strided_slice %add3A_228 {offsets = [0, 1152], sizes = [32, 128], strides = [1, 1]} : vector<32x2560xf32> to vector<32x128xf32>
    %add3A_247 = arith.addf %add3A_245, %slice3A_246 : vector<32x128xf32>
    %slice3A_248 = vector.extract_strided_slice %add3A_228 {offsets = [0, 1280], sizes = [32, 128], strides = [1, 1]} : vector<32x2560xf32> to vector<32x128xf32>
    %add3A_249 = arith.addf %add3A_247, %slice3A_248 : vector<32x128xf32>
    %slice3A_250 = vector.extract_strided_slice %add3A_228 {offsets = [0, 1408], sizes = [32, 128], strides = [1, 1]} : vector<32x2560xf32> to vector<32x128xf32>
    %add3A_251 = arith.addf %add3A_249, %slice3A_250 : vector<32x128xf32>
    %slice3A_252 = vector.extract_strided_slice %add3A_228 {offsets = [0, 1536], sizes = [32, 128], strides = [1, 1]} : vector<32x2560xf32> to vector<32x128xf32>
    %add3A_253 = arith.addf %add3A_251, %slice3A_252 : vector<32x128xf32>
    %slice3A_254 = vector.extract_strided_slice %add3A_228 {offsets = [0, 1664], sizes = [32, 128], strides = [1, 1]} : vector<32x2560xf32> to vector<32x128xf32>
    %add3A_255 = arith.addf %add3A_253, %slice3A_254 : vector<32x128xf32>
    %slice3A_256 = vector.extract_strided_slice %add3A_228 {offsets = [0, 1792], sizes = [32, 128], strides = [1, 1]} : vector<32x2560xf32> to vector<32x128xf32>
    %add3A_257 = arith.addf %add3A_255, %slice3A_256 : vector<32x128xf32>
    %slice3A_258 = vector.extract_strided_slice %add3A_228 {offsets = [0, 1920], sizes = [32, 128], strides = [1, 1]} : vector<32x2560xf32> to vector<32x128xf32>
    %add3A_259 = arith.addf %add3A_257, %slice3A_258 : vector<32x128xf32>
    %slice3A_260 = vector.extract_strided_slice %add3A_228 {offsets = [0, 2048], sizes = [32, 128], strides = [1, 1]} : vector<32x2560xf32> to vector<32x128xf32>
    %add3A_261 = arith.addf %add3A_259, %slice3A_260 : vector<32x128xf32>
    %slice3A_262 = vector.extract_strided_slice %add3A_228 {offsets = [0, 2176], sizes = [32, 128], strides = [1, 1]} : vector<32x2560xf32> to vector<32x128xf32>
    %add3A_263 = arith.addf %add3A_261, %slice3A_262 : vector<32x128xf32>
    %slice3A_264 = vector.extract_strided_slice %add3A_228 {offsets = [0, 2304], sizes = [32, 128], strides = [1, 1]} : vector<32x2560xf32> to vector<32x128xf32>
    %add3A_265 = arith.addf %add3A_263, %slice3A_264 : vector<32x128xf32>
    %slice3A_266 = vector.extract_strided_slice %add3A_228 {offsets = [0, 2432], sizes = [32, 128], strides = [1, 1]} : vector<32x2560xf32> to vector<32x128xf32>
    %add3A_267 = arith.addf %add3A_265, %slice3A_266 : vector<32x128xf32>
    %mul3A_268 = arith.constant 5.000000e-02 : f32
    %mul3A_269 = vector.broadcast %mul3A_268 : f32 to vector<32x128xf32>
    %mul3A_270 = arith.mulf %add3A_267, %mul3A_269 : vector<32x128xf32>
    %concatenate3A_271 = tpu.concatenate %mul3A_166, %mul3A_218, %mul3A_270 in 0 : vector<32x128xf32>, vector<32x128xf32>, vector<32x128xf32> -> vector<96x128xf32>
    %swap3A = arith.constant 0 : index
    %swap3A_272 = arith.constant 0 : index
    %swap3A_273 = arith.constant 0 : index
    %swap3A_274 = vector.load %arg9[%swap3A, %swap3A_272, %swap3A_273] : memref<1x96x128xf32, #tpu.memory_space<vmem>>, vector<1x96x128xf32>
    %swap3A_275 = vector.shape_cast %swap3A_274 : vector<1x96x128xf32> to vector<96x128xf32>
    %swap3A_276 = vector.shape_cast %concatenate3A_271 : vector<96x128xf32> to vector<1x96x128xf32>
    tpu.vector_store %arg9[%swap3A, %swap3A_272, %swap3A_273], %swap3A_276 {strides = array<i32>} : memref<1x96x128xf32, #tpu.memory_space<vmem>>, vector<1x96x128xf32>,
    %transpose3A = tpu.transpose %concatenate3A_271, [1, 0] : vector<96x128xf32> -> vector<128x96xf32>
    %swap3A_277 = arith.constant 0 : index
    %swap3A_278 = arith.constant 0 : index
    %swap3A_279 = arith.constant 0 : index
    %swap3A_280 = vector.load %arg8[%swap3A_277, %swap3A_278, %swap3A_279] : memref<1x128x96xf32, #tpu.memory_space<vmem>>, vector<1x128x96xf32>
    %swap3A_281 = vector.shape_cast %swap3A_280 : vector<1x128x96xf32> to vector<128x96xf32>
    %swap3A_282 = vector.shape_cast %transpose3A : vector<128x96xf32> to vector<1x128x96xf32>
    tpu.vector_store %arg8[%swap3A_277, %swap3A_278, %swap3A_279], %swap3A_282 {strides = array<i32>} : memref<1x128x96xf32, #tpu.memory_space<vmem>>, vector<1x128x96xf32>,
    %stack3A = vector.shape_cast %mul3A_166 : vector<32x128xf32> to vector<32x1x128xf32>
    %stack3A_283 = vector.shape_cast %mul3A_218 : vector<32x128xf32> to vector<32x1x128xf32>
    %stack3A_284 = vector.shape_cast %mul3A_270 : vector<32x128xf32> to vector<32x1x128xf32>
    %stack3A_285 = tpu.concatenate %stack3A, %stack3A_283, %stack3A_284 in 1 : vector<32x1x128xf32>, vector<32x1x128xf32>, vector<32x1x128xf32> -> vector<32x3x128xf32>
    %reshape3A = vector.shape_cast %stack3A_285 : vector<32x3x128xf32> to vector<96x128xf32>
    %slice3A_286 = vector.extract_strided_slice %reshape3A {offsets = [0, 0], sizes = [64, 128], strides = [1, 1]} : vector<96x128xf32> to vector<64x128xf32>
    %swap3A_287 = arith.constant 0 : index
    %swap3A_288 = arith.constant 0 : index
    %swap3A_289 = arith.constant 0 : index
    %swap3A_290 = vector.load %arg11[%swap3A_287, %swap3A_288, %swap3A_289] : memref<1x64x128xf32, #tpu.memory_space<vmem>>, vector<1x64x128xf32>
    %swap3A_291 = vector.shape_cast %swap3A_290 : vector<1x64x128xf32> to vector<64x128xf32>
    %swap3A_292 = vector.shape_cast %slice3A_286 : vector<64x128xf32> to vector<1x64x128xf32>
    tpu.vector_store %arg11[%swap3A_287, %swap3A_288, %swap3A_289], %swap3A_292 {strides = array<i32>} : memref<1x64x128xf32, #tpu.memory_space<vmem>>, vector<1x64x128xf32>,
    %transpose3A_293 = tpu.transpose %slice3A_286, [1, 0] : vector<64x128xf32> -> vector<128x64xf32>
    %swap3A_294 = arith.constant 0 : index
    %swap3A_295 = arith.constant 0 : index
    %swap3A_296 = arith.constant 0 : index
    %swap3A_297 = vector.load %arg10[%swap3A_294, %swap3A_295, %swap3A_296] : memref<1x128x64xf32, #tpu.memory_space<vmem>>, vector<1x128x64xf32>
    %swap3A_298 = vector.shape_cast %swap3A_297 : vector<1x128x64xf32> to vector<128x64xf32>
    %swap3A_299 = vector.shape_cast %transpose3A_293 : vector<128x64xf32> to vector<1x128x64xf32>
    tpu.vector_store %arg10[%swap3A_294, %swap3A_295, %swap3A_296], %swap3A_299 {strides = array<i32>} : memref<1x128x64xf32, #tpu.memory_space<vmem>>, vector<1x128x64xf32>,
    return
  }
  func.func @transform_0(%arg0: i32, %arg1: i32) -> (i32, i32, i32) {
    %c0_i32 = arith.constant 0 : i32
    %c0_i32_0 = arith.constant 0 : i32
    %c0_i32_1 = arith.constant 0 : i32
    return %arg0, %c0_i32, %c0_i32_0 : i32, i32, i32
  }
  func.func @transform_1(%arg0: i32, %arg1: i32) -> (i32, i32, i32) {
    %c0_i32 = arith.constant 0 : i32
    %c0_i32_0 = arith.constant 0 : i32
    %c0_i32_1 = arith.constant 0 : i32
    return %arg0, %c0_i32, %c0_i32_0 : i32, i32, i32
  }
  func.func @transform_2(%arg0: i32, %arg1: i32) -> (i32, i32, i32) {
    %c0_i32 = arith.constant 0 : i32
    %c0_i32_0 = arith.constant 0 : i32
    %c0_i32_1 = arith.constant 0 : i32
    return %arg0, %c0_i32, %c0_i32_0 : i32, i32, i32
  }
  func.func @transform_3(%arg0: i32, %arg1: i32) -> (i32, i32, i32) {
    %c0_i32 = arith.constant 0 : i32
    %c0_i32_0 = arith.constant 0 : i32
    %c0_i32_1 = arith.constant 0 : i32
    return %arg0, %c0_i32, %c0_i32_0 : i32, i32, i32
  }
  func.func @transform_4(%arg0: i32, %arg1: i32) -> (i32, i32) {
    %c0_i32 = arith.constant 0 : i32
    %c0_i32_0 = arith.constant 0 : i32
    %c0_i32_1 = arith.constant 0 : i32
    return %c0_i32, %c0_i32_0 : i32, i32
  }
  func.func @transform_5(%arg0: i32, %arg1: i32) -> (i32, i32) {
    %c0_i32 = arith.constant 0 : i32
    %c0_i32_0 = arith.constant 0 : i32
    %c0_i32_1 = arith.constant 0 : i32
    return %c0_i32, %c0_i32_0 : i32, i32
  }
  func.func @transform_6(%arg0: i32, %arg1: i32) -> (i32, i32, i32) {
    %c0_i32 = arith.constant 0 : i32
    %c0_i32_0 = arith.constant 0 : i32
    return %arg0, %arg1, %c0_i32 : i32, i32, i32
  }
  func.func @transform_7(%arg0: i32, %arg1: i32) -> (i32, i32, i32) {
    %c0_i32 = arith.constant 0 : i32
    %c0_i32_0 = arith.constant 0 : i32
    return %arg0, %c0_i32, %arg1 : i32, i32, i32
  }
  func.func @transform_8(%arg0: i32, %arg1: i32) -> (i32, i32, i32) {
    %c0_i32 = arith.constant 0 : i32
    %c0_i32_0 = arith.constant 0 : i32
    return %arg0, %arg1, %c0_i32 : i32, i32, i32
  }
  func.func @transform_9(%arg0: i32, %arg1: i32) -> (i32, i32, i32) {
    %c0_i32 = arith.constant 0 : i32
    %c0_i32_0 = arith.constant 0 : i32
    return %arg0, %c0_i32, %arg1 : i32, i32, i32
  }
}

module attributes {stable_mosaic.version = 14 : i64} {
  func.func @_edge_body(%arg0: i32, %arg1: i32, %arg2: memref<1x1024x96xf32, #tpu.memory_space<vmem>>, %arg3: memref<1x96x1024xf32, #tpu.memory_space<vmem>>, %arg4: memref<1x1024x64xf32, #tpu.memory_space<vmem>>, %arg5: memref<1x64x1024xf32, #tpu.memory_space<vmem>>, %arg6: memref<64x64xf32, #tpu.memory_space<vmem>>, %arg7: memref<64x64xf32, #tpu.memory_space<vmem>>, %arg8: memref<1x128x192xf32, #tpu.memory_space<vmem>>, %arg9: memref<1x192x128xf32, #tpu.memory_space<vmem>>, %arg10: memref<1x128x128xf32, #tpu.memory_space<vmem>>, %arg11: memref<1x128x128xf32, #tpu.memory_space<vmem>>, %arg12: memref<1024x2560xbf16, #tpu.memory_space<vmem>>) attributes {dimension_semantics = [#tpu.dimension_semantics<arbitrary>, #tpu.dimension_semantics<arbitrary>], iteration_bounds = array<i64: 2, 8>, scalar_prefetch = 0 : i64, scratch_operands = 1 : i64, tpu.core_type = #tpu.core_type<tc>, window_params = [{transform_indices = @transform_0, window_bounds = array<i64: 1, 1024, 96>}, {transform_indices = @transform_1, window_bounds = array<i64: 1, 96, 1024>}, {transform_indices = @transform_2, window_bounds = array<i64: 1, 1024, 64>}, {transform_indices = @transform_3, window_bounds = array<i64: 1, 64, 1024>}, {pipeline_mode = #tpu.pipeline_mode<synchronous>, transform_indices = @transform_4, window_bounds = array<i64: 64, 64>}, {pipeline_mode = #tpu.pipeline_mode<synchronous>, transform_indices = @transform_5, window_bounds = array<i64: 64, 64>}, {transform_indices = @transform_6, window_bounds = array<i64: 1, 128, 192>}, {transform_indices = @transform_7, window_bounds = array<i64: 1, 192, 128>}, {transform_indices = @transform_8, window_bounds = array<i64: 1, 128, 128>}, {transform_indices = @transform_9, window_bounds = array<i64: 1, 128, 128>}]} {
    %mul3A = arith.constant 128 : i32
    %mul3A_0 = arith.muli %arg1, %mul3A : i32
    %get3A = arith.constant 0 : index
    %get3A_1 = arith.constant 0 : index
    %get3A_2 = arith.index_cast %mul3A_0 : i32 to index
    %get3A_3 = vector.load %arg3[%get3A, %get3A_1, %get3A_2] : memref<1x96x1024xf32, #tpu.memory_space<vmem>>, vector<1x96x128xf32>
    %get3A_4 = vector.shape_cast %get3A_3 : vector<1x96x128xf32> to vector<96x128xf32>
    %get3A_5 = arith.constant 0 : index
    %get3A_6 = arith.constant 0 : index
    %get3A_7 = arith.constant 0 : index
    %get3A_8 = vector.load %arg4[%get3A_5, %get3A_6, %get3A_7] : memref<1x1024x64xf32, #tpu.memory_space<vmem>>, vector<1x1024x64xf32>
    %get3A_9 = vector.shape_cast %get3A_8 : vector<1x1024x64xf32> to vector<1024x64xf32>
    %mul3A_10 = arith.constant 128 : i32
    %mul3A_11 = arith.muli %arg1, %mul3A_10 : i32
    %get3A_12 = arith.constant 0 : index
    %get3A_13 = arith.constant 0 : index
    %get3A_14 = arith.index_cast %mul3A_11 : i32 to index
    %get3A_15 = vector.load %arg5[%get3A_12, %get3A_13, %get3A_14] : memref<1x64x1024xf32, #tpu.memory_space<vmem>>, vector<1x64x128xf32>
    %get3A_16 = vector.shape_cast %get3A_15 : vector<1x64x128xf32> to vector<64x128xf32>
    %dot_general3A = arith.constant dense<0.000000e+00> : vector<1024x128xf32>
    %dot_general3A_17 = tpu.matmul %get3A_9, %get3A_16, %dot_general3A {dimension_numbers = #tpu.dot_dimension_numbers<[1], [0], [0], [1], [0, 0, 1, 1], [], []>, transpose_lhs_hint = false} : vector<1024x64xf32>, vector<64x128xf32>, vector<1024x128xf32> -> vector<1024x128xf32>
    %mul3A_18 = arith.mulf %get3A_9, %get3A_9 : vector<1024x64xf32>
    %reduce_sum3A = arith.constant dense<0.000000e+00> : vector<1024xf32>
    %reduce_sum3A_19 = vector.multi_reduction <add>, %mul3A_18, %reduce_sum3A [1] : vector<1024x64xf32> to vector<1024xf32>
    %broadcast_in_dim3A = vector.shape_cast %reduce_sum3A_19 : vector<1024xf32> to vector<1024x1xf32>
    %mul3A_20 = arith.mulf %get3A_16, %get3A_16 : vector<64x128xf32>
    %reduce_sum3A_21 = arith.constant dense<0.000000e+00> : vector<128xf32>
    %reduce_sum3A_22 = vector.multi_reduction <add>, %mul3A_20, %reduce_sum3A_21 [0] : vector<64x128xf32> to vector<128xf32>
    %broadcast_in_dim3A_23 = vector.shape_cast %reduce_sum3A_22 : vector<128xf32> to vector<1x128xf32>
    %mul3A_24 = arith.constant -2.000000e+00 : f32
    %mul3A_25 = vector.broadcast %mul3A_24 : f32 to vector<1024x128xf32>
    %mul3A_26 = arith.mulf %mul3A_25, %dot_general3A_17 : vector<1024x128xf32>
    %neg3A = arith.constant 0.000000e+00 : f32
    %neg3A_27 = vector.broadcast %neg3A : f32 to vector<1x128xf32>
    %neg3A_28 = arith.subf %neg3A_27, %broadcast_in_dim3A_23 : vector<1x128xf32>
    %sub3A = vector.broadcast %neg3A_28 : vector<1x128xf32> to vector<1024x128xf32>
    %sub3A_29 = arith.subf %sub3A, %mul3A_26 : vector<1024x128xf32>
    %sub3A_30 = vector.broadcast %broadcast_in_dim3A : vector<1024x1xf32> to vector<1024x128xf32>
    %sub3A_31 = arith.subf %sub3A_29, %sub3A_30 : vector<1024x128xf32>
    %iota3A = tpu.iota {dimensions = array<i32: 0>} : vector<1024x128xi32>
    %broadcast_in_dim3A_32 = arith.constant 0x7F800000 : f32
    %broadcast_in_dim3A_33 = vector.broadcast %broadcast_in_dim3A_32 : f32 to vector<1x128xf32>
    %scan3A = arith.constant 0 : i32
    %scan3A_34 = arith.constant 20 : i32
    %scan3A_35 = arith.addi %scan3A, %scan3A_34 : i32
    %scan3A_36 = arith.constant 1 : i32
    %scan3A_37 = scf.for %scan3A_300 = %scan3A to %scan3A_35 step %scan3A_36 iter_args(%scan3A_301 = %broadcast_in_dim3A_33) -> (vector<1x128xf32>)  : i32 {
      %lt3A_302 = vector.broadcast %scan3A_301 : vector<1x128xf32> to vector<1024x128xf32>
      %lt3A_303 = arith.cmpf olt, %sub3A_31, %lt3A_302 : vector<1024x128xf32>
      %jit3A = arith.constant 0xFF800000 : f32
      %broadcast_in_dim3A_304 = vector.broadcast %jit3A : f32 to vector<1024x128xf32>
      %select_n3A_305 = arith.select %lt3A_303, %sub3A_31, %broadcast_in_dim3A_304 : vector<1024x128xi1>, vector<1024x128xf32>
      %reduce_max3A = arith.constant dense<0xFF800000> : vector<128xf32>
      %reduce_max3A_306 = vector.multi_reduction <maximumf>, %select_n3A_305, %reduce_max3A [0] : vector<1024x128xf32> to vector<128xf32>
      %broadcast_in_dim3A_307 = vector.shape_cast %reduce_max3A_306 : vector<128xf32> to vector<1x128xf32>
      %eq3A = vector.broadcast %broadcast_in_dim3A_307 : vector<1x128xf32> to vector<1024x128xf32>
      %eq3A_308 = arith.cmpf oeq, %select_n3A_305, %eq3A : vector<1024x128xf32>
      %jit3A_309 = arith.constant 1073741824 : i32
      %broadcast_in_dim3A_310 = vector.broadcast %jit3A_309 : i32 to vector<1024x128xi32>
      %select_n3A_311 = arith.select %eq3A_308, %iota3A, %broadcast_in_dim3A_310 : vector<1024x128xi1>, vector<1024x128xi32>
      %reduce_min3A = arith.constant dense<2147483647> : vector<128xi32>
      %reduce_min3A_312 = vector.multi_reduction <minsi>, %select_n3A_311, %reduce_min3A [0] : vector<1024x128xi32> to vector<128xi32>
      %broadcast_in_dim3A_313 = vector.shape_cast %reduce_min3A_312 : vector<128xi32> to vector<1x128xi32>
      %eq3A_314 = vector.broadcast %broadcast_in_dim3A_313 : vector<1x128xi32> to vector<1024x128xi32>
      %eq3A_315 = arith.cmpi eq, %select_n3A_311, %eq3A_314 : vector<1024x128xi32>
      %convert_element_type3A_316 = arith.extui %eq3A_315 : vector<1024x128xi1> to vector<1024x128xi32>
      %convert_element_type3A_317 = arith.sitofp %convert_element_type3A_316 : vector<1024x128xi32> to vector<1024x128xf32>
      %convert_element_type3A_318 = arith.truncf %convert_element_type3A_317 : vector<1024x128xf32> to vector<1024x128xbf16>
      %mul3A_319 = arith.constant 128 : i32
      %mul3A_320 = arith.muli %scan3A_300, %mul3A_319 : i32
      %swap3A_321 = arith.constant 0 : index
      %swap3A_322 = arith.index_cast %mul3A_320 : i32 to index
      %swap3A_323 = vector.load %arg12[%swap3A_321, %swap3A_322] : memref<1024x2560xbf16, #tpu.memory_space<vmem>>, vector<1024x128xbf16>
      tpu.vector_store %arg12[%swap3A_321, %swap3A_322], %convert_element_type3A_318 {strides = array<i32>} : memref<1024x2560xbf16, #tpu.memory_space<vmem>>, vector<1024x128xbf16>,
      scf.yield %broadcast_in_dim3A_307 : vector<1x128xf32>
    }
    %scan3A_38 = arith.constant 20 : i32
    %get3A_39 = arith.constant 0 : index
    %get3A_40 = arith.constant 0 : index
    %get3A_41 = arith.constant 0 : index
    %get3A_42 = vector.load %arg3[%get3A_39, %get3A_40, %get3A_41] : memref<1x96x1024xf32, #tpu.memory_space<vmem>>, vector<1x96x1024xf32>
    %get3A_43 = vector.shape_cast %get3A_42 : vector<1x96x1024xf32> to vector<96x1024xf32>
    %convert_element_type3A = arith.truncf %get3A_43 : vector<96x1024xf32> to vector<96x1024xbf16>
    %convert_element_type3A_44 = arith.extf %convert_element_type3A : vector<96x1024xbf16> to vector<96x1024xf32>
    %sub3A_45 = arith.subf %get3A_43, %convert_element_type3A_44 : vector<96x1024xf32>
    %convert_element_type3A_46 = arith.truncf %sub3A_45 : vector<96x1024xf32> to vector<96x1024xbf16>
    %convert_element_type3A_47 = arith.extf %convert_element_type3A_46 : vector<96x1024xbf16> to vector<96x1024xf32>
    %sub3A_48 = arith.subf %sub3A_45, %convert_element_type3A_47 : vector<96x1024xf32>
    %convert_element_type3A_49 = arith.truncf %sub3A_48 : vector<96x1024xf32> to vector<96x1024xbf16>
    %get3A_50 = arith.constant 0 : index
    %get3A_51 = arith.constant 0 : index
    %get3A_52 = vector.load %arg12[%get3A_50, %get3A_51] : memref<1024x2560xbf16, #tpu.memory_space<vmem>>, vector<1024x2560xbf16>
    %dot_general3A_53 = arith.constant dense<0.000000e+00> : vector<96x2560xf32>
    %dot_general3A_54 = tpu.matmul %convert_element_type3A, %get3A_52, %dot_general3A_53 {dimension_numbers = #tpu.dot_dimension_numbers<[1], [0], [0], [1], [0, 0, 1, 1], [], []>, transpose_lhs_hint = false} : vector<96x1024xbf16>, vector<1024x2560xbf16>, vector<96x2560xf32> -> vector<96x2560xf32>
    %dot_general3A_55 = arith.constant dense<0.000000e+00> : vector<96x2560xf32>
    %dot_general3A_56 = tpu.matmul %convert_element_type3A_46, %get3A_52, %dot_general3A_55 {dimension_numbers = #tpu.dot_dimension_numbers<[1], [0], [0], [1], [0, 0, 1, 1], [], []>, transpose_lhs_hint = false} : vector<96x1024xbf16>, vector<1024x2560xbf16>, vector<96x2560xf32> -> vector<96x2560xf32>
    %add3A = arith.addf %dot_general3A_54, %dot_general3A_56 : vector<96x2560xf32>
    %dot_general3A_57 = arith.constant dense<0.000000e+00> : vector<96x2560xf32>
    %dot_general3A_58 = tpu.matmul %convert_element_type3A_49, %get3A_52, %dot_general3A_57 {dimension_numbers = #tpu.dot_dimension_numbers<[1], [0], [0], [1], [0, 0, 1, 1], [], []>, transpose_lhs_hint = false} : vector<96x1024xbf16>, vector<1024x2560xbf16>, vector<96x2560xf32> -> vector<96x2560xf32>
    %add3A_59 = arith.addf %add3A, %dot_general3A_58 : vector<96x2560xf32>
    %concatenate3A = tpu.concatenate %get3A_4, %get3A_4, %get3A_4, %get3A_4, %get3A_4, %get3A_4, %get3A_4, %get3A_4, %get3A_4, %get3A_4, %get3A_4, %get3A_4, %get3A_4, %get3A_4, %get3A_4, %get3A_4, %get3A_4, %get3A_4, %get3A_4, %get3A_4 in 1 : vector<96x128xf32>, vector<96x128xf32>, vector<96x128xf32>, vector<96x128xf32>, vector<96x128xf32>, vector<96x128xf32>, vector<96x128xf32>, vector<96x128xf32>, vector<96x128xf32>, vector<96x128xf32>, vector<96x128xf32>, vector<96x128xf32>, vector<96x128xf32>, vector<96x128xf32>, vector<96x128xf32>, vector<96x128xf32>, vector<96x128xf32>, vector<96x128xf32>, vector<96x128xf32>, vector<96x128xf32> -> vector<96x2560xf32>
    %slice3A = vector.extract_strided_slice %add3A_59 {offsets = [0, 0], sizes = [32, 2560], strides = [1, 1]} : vector<96x2560xf32> to vector<32x2560xf32>
    %slice3A_60 = vector.extract_strided_slice %add3A_59 {offsets = [32, 0], sizes = [32, 2560], strides = [1, 1]} : vector<96x2560xf32> to vector<32x2560xf32>
    %slice3A_61 = vector.extract_strided_slice %add3A_59 {offsets = [64, 0], sizes = [32, 2560], strides = [1, 1]} : vector<96x2560xf32> to vector<32x2560xf32>
    %slice3A_62 = vector.extract_strided_slice %concatenate3A {offsets = [0, 0], sizes = [32, 2560], strides = [1, 1]} : vector<96x2560xf32> to vector<32x2560xf32>
    %slice3A_63 = vector.extract_strided_slice %concatenate3A {offsets = [32, 0], sizes = [32, 2560], strides = [1, 1]} : vector<96x2560xf32> to vector<32x2560xf32>
    %slice3A_64 = vector.extract_strided_slice %concatenate3A {offsets = [64, 0], sizes = [32, 2560], strides = [1, 1]} : vector<96x2560xf32> to vector<32x2560xf32>
    %sub3A_65 = arith.subf %slice3A, %slice3A_62 : vector<32x2560xf32>
    %concatenate3A_66 = tpu.concatenate %sub3A_65, %slice3A_62 in 0 : vector<32x2560xf32>, vector<32x2560xf32> -> vector<64x2560xf32>
    %get3A_67 = arith.constant 0 : index
    %get3A_68 = arith.constant 0 : index
    %get3A_69 = vector.load %arg6[%get3A_67, %get3A_68] : memref<64x64xf32, #tpu.memory_space<vmem>>, vector<64x64xf32>
    %dot_general3A_70 = arith.constant dense<0.000000e+00> : vector<64x2560xf32>
    %dot_general3A_71 = tpu.matmul %get3A_69, %concatenate3A_66, %dot_general3A_70 {dimension_numbers = #tpu.dot_dimension_numbers<[1], [0], [0], [1], [0, 0, 1, 1], [], []>, transpose_lhs_hint = false} : vector<64x64xf32>, vector<64x2560xf32>, vector<64x2560xf32> -> vector<64x2560xf32>
    %get3A_72 = arith.constant 0 : index
    %get3A_73 = arith.constant 0 : index
    %get3A_74 = vector.load %arg7[%get3A_72, %get3A_73] : memref<64x64xf32, #tpu.memory_space<vmem>>, vector<64x64xf32>
    %dot_general3A_75 = arith.constant dense<0.000000e+00> : vector<64x2560xf32>
    %dot_general3A_76 = tpu.matmul %get3A_74, %concatenate3A_66, %dot_general3A_75 {dimension_numbers = #tpu.dot_dimension_numbers<[1], [0], [0], [1], [0, 0, 1, 1], [], []>, transpose_lhs_hint = false} : vector<64x64xf32>, vector<64x2560xf32>, vector<64x2560xf32> -> vector<64x2560xf32>
    %sub3A_77 = arith.subf %slice3A_60, %slice3A_63 : vector<32x2560xf32>
    %concatenate3A_78 = tpu.concatenate %sub3A_77, %slice3A_63 in 0 : vector<32x2560xf32>, vector<32x2560xf32> -> vector<64x2560xf32>
    %get3A_79 = arith.constant 0 : index
    %get3A_80 = arith.constant 0 : index
    %get3A_81 = vector.load %arg6[%get3A_79, %get3A_80] : memref<64x64xf32, #tpu.memory_space<vmem>>, vector<64x64xf32>
    %dot_general3A_82 = arith.constant dense<0.000000e+00> : vector<64x2560xf32>
    %dot_general3A_83 = tpu.matmul %get3A_81, %concatenate3A_78, %dot_general3A_82 {dimension_numbers = #tpu.dot_dimension_numbers<[1], [0], [0], [1], [0, 0, 1, 1], [], []>, transpose_lhs_hint = false} : vector<64x64xf32>, vector<64x2560xf32>, vector<64x2560xf32> -> vector<64x2560xf32>
    %get3A_84 = arith.constant 0 : index
    %get3A_85 = arith.constant 0 : index
    %get3A_86 = vector.load %arg7[%get3A_84, %get3A_85] : memref<64x64xf32, #tpu.memory_space<vmem>>, vector<64x64xf32>
    %dot_general3A_87 = arith.constant dense<0.000000e+00> : vector<64x2560xf32>
    %dot_general3A_88 = tpu.matmul %get3A_86, %concatenate3A_78, %dot_general3A_87 {dimension_numbers = #tpu.dot_dimension_numbers<[1], [0], [0], [1], [0, 0, 1, 1], [], []>, transpose_lhs_hint = false} : vector<64x64xf32>, vector<64x2560xf32>, vector<64x2560xf32> -> vector<64x2560xf32>
    %sub3A_89 = arith.subf %slice3A_61, %slice3A_64 : vector<32x2560xf32>
    %concatenate3A_90 = tpu.concatenate %sub3A_89, %slice3A_64 in 0 : vector<32x2560xf32>, vector<32x2560xf32> -> vector<64x2560xf32>
    %get3A_91 = arith.constant 0 : index
    %get3A_92 = arith.constant 0 : index
    %get3A_93 = vector.load %arg6[%get3A_91, %get3A_92] : memref<64x64xf32, #tpu.memory_space<vmem>>, vector<64x64xf32>
    %dot_general3A_94 = arith.constant dense<0.000000e+00> : vector<64x2560xf32>
    %dot_general3A_95 = tpu.matmul %get3A_93, %concatenate3A_90, %dot_general3A_94 {dimension_numbers = #tpu.dot_dimension_numbers<[1], [0], [0], [1], [0, 0, 1, 1], [], []>, transpose_lhs_hint = false} : vector<64x64xf32>, vector<64x2560xf32>, vector<64x2560xf32> -> vector<64x2560xf32>
    %get3A_96 = arith.constant 0 : index
    %get3A_97 = arith.constant 0 : index
    %get3A_98 = vector.load %arg7[%get3A_96, %get3A_97] : memref<64x64xf32, #tpu.memory_space<vmem>>, vector<64x64xf32>
    %dot_general3A_99 = arith.constant dense<0.000000e+00> : vector<64x2560xf32>
    %dot_general3A_100 = tpu.matmul %get3A_98, %concatenate3A_90, %dot_general3A_99 {dimension_numbers = #tpu.dot_dimension_numbers<[1], [0], [0], [1], [0, 0, 1, 1], [], []>, transpose_lhs_hint = false} : vector<64x64xf32>, vector<64x2560xf32>, vector<64x2560xf32> -> vector<64x2560xf32>
    %mul3A_101 = arith.mulf %dot_general3A_71, %dot_general3A_76 : vector<64x2560xf32>
    %mul3A_102 = arith.mulf %dot_general3A_83, %dot_general3A_88 : vector<64x2560xf32>
    %add3A_103 = arith.addf %mul3A_101, %mul3A_102 : vector<64x2560xf32>
    %mul3A_104 = arith.mulf %dot_general3A_95, %dot_general3A_100 : vector<64x2560xf32>
    %add3A_105 = arith.addf %add3A_103, %mul3A_104 : vector<64x2560xf32>
    %mul3A_106 = arith.mulf %dot_general3A_76, %dot_general3A_76 : vector<64x2560xf32>
    %mul3A_107 = arith.mulf %dot_general3A_88, %dot_general3A_88 : vector<64x2560xf32>
    %add3A_108 = arith.addf %mul3A_106, %mul3A_107 : vector<64x2560xf32>
    %mul3A_109 = arith.mulf %dot_general3A_100, %dot_general3A_100 : vector<64x2560xf32>
    %add3A_110 = arith.addf %add3A_108, %mul3A_109 : vector<64x2560xf32>
    %lt3A = arith.constant 0.000000e+00 : f32
    %lt3A_111 = vector.broadcast %lt3A : f32 to vector<64x2560xf32>
    %lt3A_112 = arith.cmpf olt, %add3A_105, %lt3A_111 : vector<64x2560xf32>
    %add3A_113 = arith.constant 9.99999997E-7 : f32
    %add3A_114 = vector.broadcast %add3A_113 : f32 to vector<64x2560xf32>
    %add3A_115 = arith.addf %add3A_110, %add3A_114 : vector<64x2560xf32>
    %div3A = arith.divf %add3A_105, %add3A_115 : vector<64x2560xf32>
    %mul3A_116 = arith.constant 0.000000e+00 : f32
    %mul3A_117 = vector.broadcast %mul3A_116 : f32 to vector<64x2560xf32>
    %mul3A_118 = arith.mulf %mul3A_117, %dot_general3A_71 : vector<64x2560xf32>
    %mul3A_119 = arith.mulf %div3A, %dot_general3A_76 : vector<64x2560xf32>
    %sub3A_120 = arith.subf %dot_general3A_71, %mul3A_119 : vector<64x2560xf32>
    %select_n3A = arith.select %lt3A_112, %sub3A_120, %dot_general3A_71 : vector<64x2560xi1>, vector<64x2560xf32>
    %mul3A_121 = arith.constant 1.000000e+00 : f32
    %mul3A_122 = vector.broadcast %mul3A_121 : f32 to vector<64x2560xf32>
    %mul3A_123 = arith.mulf %mul3A_122, %select_n3A : vector<64x2560xf32>
    %add3A_124 = arith.addf %mul3A_118, %mul3A_123 : vector<64x2560xf32>
    %slice3A_125 = vector.extract_strided_slice %add3A_124 {offsets = [0, 0], sizes = [64, 128], strides = [1, 1]} : vector<64x2560xf32> to vector<64x128xf32>
    %slice3A_126 = vector.extract_strided_slice %add3A_124 {offsets = [0, 128], sizes = [64, 128], strides = [1, 1]} : vector<64x2560xf32> to vector<64x128xf32>
    %add3A_127 = arith.addf %slice3A_125, %slice3A_126 : vector<64x128xf32>
    %slice3A_128 = vector.extract_strided_slice %add3A_124 {offsets = [0, 256], sizes = [64, 128], strides = [1, 1]} : vector<64x2560xf32> to vector<64x128xf32>
    %add3A_129 = arith.addf %add3A_127, %slice3A_128 : vector<64x128xf32>
    %slice3A_130 = vector.extract_strided_slice %add3A_124 {offsets = [0, 384], sizes = [64, 128], strides = [1, 1]} : vector<64x2560xf32> to vector<64x128xf32>
    %add3A_131 = arith.addf %add3A_129, %slice3A_130 : vector<64x128xf32>
    %slice3A_132 = vector.extract_strided_slice %add3A_124 {offsets = [0, 512], sizes = [64, 128], strides = [1, 1]} : vector<64x2560xf32> to vector<64x128xf32>
    %add3A_133 = arith.addf %add3A_131, %slice3A_132 : vector<64x128xf32>
    %slice3A_134 = vector.extract_strided_slice %add3A_124 {offsets = [0, 640], sizes = [64, 128], strides = [1, 1]} : vector<64x2560xf32> to vector<64x128xf32>
    %add3A_135 = arith.addf %add3A_133, %slice3A_134 : vector<64x128xf32>
    %slice3A_136 = vector.extract_strided_slice %add3A_124 {offsets = [0, 768], sizes = [64, 128], strides = [1, 1]} : vector<64x2560xf32> to vector<64x128xf32>
    %add3A_137 = arith.addf %add3A_135, %slice3A_136 : vector<64x128xf32>
    %slice3A_138 = vector.extract_strided_slice %add3A_124 {offsets = [0, 896], sizes = [64, 128], strides = [1, 1]} : vector<64x2560xf32> to vector<64x128xf32>
    %add3A_139 = arith.addf %add3A_137, %slice3A_138 : vector<64x128xf32>
    %slice3A_140 = vector.extract_strided_slice %add3A_124 {offsets = [0, 1024], sizes = [64, 128], strides = [1, 1]} : vector<64x2560xf32> to vector<64x128xf32>
    %add3A_141 = arith.addf %add3A_139, %slice3A_140 : vector<64x128xf32>
    %slice3A_142 = vector.extract_strided_slice %add3A_124 {offsets = [0, 1152], sizes = [64, 128], strides = [1, 1]} : vector<64x2560xf32> to vector<64x128xf32>
    %add3A_143 = arith.addf %add3A_141, %slice3A_142 : vector<64x128xf32>
    %slice3A_144 = vector.extract_strided_slice %add3A_124 {offsets = [0, 1280], sizes = [64, 128], strides = [1, 1]} : vector<64x2560xf32> to vector<64x128xf32>
    %add3A_145 = arith.addf %add3A_143, %slice3A_144 : vector<64x128xf32>
    %slice3A_146 = vector.extract_strided_slice %add3A_124 {offsets = [0, 1408], sizes = [64, 128], strides = [1, 1]} : vector<64x2560xf32> to vector<64x128xf32>
    %add3A_147 = arith.addf %add3A_145, %slice3A_146 : vector<64x128xf32>
    %slice3A_148 = vector.extract_strided_slice %add3A_124 {offsets = [0, 1536], sizes = [64, 128], strides = [1, 1]} : vector<64x2560xf32> to vector<64x128xf32>
    %add3A_149 = arith.addf %add3A_147, %slice3A_148 : vector<64x128xf32>
    %slice3A_150 = vector.extract_strided_slice %add3A_124 {offsets = [0, 1664], sizes = [64, 128], strides = [1, 1]} : vector<64x2560xf32> to vector<64x128xf32>
    %add3A_151 = arith.addf %add3A_149, %slice3A_150 : vector<64x128xf32>
    %slice3A_152 = vector.extract_strided_slice %add3A_124 {offsets = [0, 1792], sizes = [64, 128], strides = [1, 1]} : vector<64x2560xf32> to vector<64x128xf32>
    %add3A_153 = arith.addf %add3A_151, %slice3A_152 : vector<64x128xf32>
    %slice3A_154 = vector.extract_strided_slice %add3A_124 {offsets = [0, 1920], sizes = [64, 128], strides = [1, 1]} : vector<64x2560xf32> to vector<64x128xf32>
    %add3A_155 = arith.addf %add3A_153, %slice3A_154 : vector<64x128xf32>
    %slice3A_156 = vector.extract_strided_slice %add3A_124 {offsets = [0, 2048], sizes = [64, 128], strides = [1, 1]} : vector<64x2560xf32> to vector<64x128xf32>
    %add3A_157 = arith.addf %add3A_155, %slice3A_156 : vector<64x128xf32>
    %slice3A_158 = vector.extract_strided_slice %add3A_124 {offsets = [0, 2176], sizes = [64, 128], strides = [1, 1]} : vector<64x2560xf32> to vector<64x128xf32>
    %add3A_159 = arith.addf %add3A_157, %slice3A_158 : vector<64x128xf32>
    %slice3A_160 = vector.extract_strided_slice %add3A_124 {offsets = [0, 2304], sizes = [64, 128], strides = [1, 1]} : vector<64x2560xf32> to vector<64x128xf32>
    %add3A_161 = arith.addf %add3A_159, %slice3A_160 : vector<64x128xf32>
    %slice3A_162 = vector.extract_strided_slice %add3A_124 {offsets = [0, 2432], sizes = [64, 128], strides = [1, 1]} : vector<64x2560xf32> to vector<64x128xf32>
    %add3A_163 = arith.addf %add3A_161, %slice3A_162 : vector<64x128xf32>
    %mul3A_164 = arith.constant 5.000000e-02 : f32
    %mul3A_165 = vector.broadcast %mul3A_164 : f32 to vector<64x128xf32>
    %mul3A_166 = arith.mulf %add3A_163, %mul3A_165 : vector<64x128xf32>
    %mul3A_167 = arith.constant 0.000000e+00 : f32
    %mul3A_168 = vector.broadcast %mul3A_167 : f32 to vector<64x2560xf32>
    %mul3A_169 = arith.mulf %mul3A_168, %dot_general3A_83 : vector<64x2560xf32>
    %mul3A_170 = arith.mulf %div3A, %dot_general3A_88 : vector<64x2560xf32>
    %sub3A_171 = arith.subf %dot_general3A_83, %mul3A_170 : vector<64x2560xf32>
    %select_n3A_172 = arith.select %lt3A_112, %sub3A_171, %dot_general3A_83 : vector<64x2560xi1>, vector<64x2560xf32>
    %mul3A_173 = arith.constant 1.000000e+00 : f32
    %mul3A_174 = vector.broadcast %mul3A_173 : f32 to vector<64x2560xf32>
    %mul3A_175 = arith.mulf %mul3A_174, %select_n3A_172 : vector<64x2560xf32>
    %add3A_176 = arith.addf %mul3A_169, %mul3A_175 : vector<64x2560xf32>
    %slice3A_177 = vector.extract_strided_slice %add3A_176 {offsets = [0, 0], sizes = [64, 128], strides = [1, 1]} : vector<64x2560xf32> to vector<64x128xf32>
    %slice3A_178 = vector.extract_strided_slice %add3A_176 {offsets = [0, 128], sizes = [64, 128], strides = [1, 1]} : vector<64x2560xf32> to vector<64x128xf32>
    %add3A_179 = arith.addf %slice3A_177, %slice3A_178 : vector<64x128xf32>
    %slice3A_180 = vector.extract_strided_slice %add3A_176 {offsets = [0, 256], sizes = [64, 128], strides = [1, 1]} : vector<64x2560xf32> to vector<64x128xf32>
    %add3A_181 = arith.addf %add3A_179, %slice3A_180 : vector<64x128xf32>
    %slice3A_182 = vector.extract_strided_slice %add3A_176 {offsets = [0, 384], sizes = [64, 128], strides = [1, 1]} : vector<64x2560xf32> to vector<64x128xf32>
    %add3A_183 = arith.addf %add3A_181, %slice3A_182 : vector<64x128xf32>
    %slice3A_184 = vector.extract_strided_slice %add3A_176 {offsets = [0, 512], sizes = [64, 128], strides = [1, 1]} : vector<64x2560xf32> to vector<64x128xf32>
    %add3A_185 = arith.addf %add3A_183, %slice3A_184 : vector<64x128xf32>
    %slice3A_186 = vector.extract_strided_slice %add3A_176 {offsets = [0, 640], sizes = [64, 128], strides = [1, 1]} : vector<64x2560xf32> to vector<64x128xf32>
    %add3A_187 = arith.addf %add3A_185, %slice3A_186 : vector<64x128xf32>
    %slice3A_188 = vector.extract_strided_slice %add3A_176 {offsets = [0, 768], sizes = [64, 128], strides = [1, 1]} : vector<64x2560xf32> to vector<64x128xf32>
    %add3A_189 = arith.addf %add3A_187, %slice3A_188 : vector<64x128xf32>
    %slice3A_190 = vector.extract_strided_slice %add3A_176 {offsets = [0, 896], sizes = [64, 128], strides = [1, 1]} : vector<64x2560xf32> to vector<64x128xf32>
    %add3A_191 = arith.addf %add3A_189, %slice3A_190 : vector<64x128xf32>
    %slice3A_192 = vector.extract_strided_slice %add3A_176 {offsets = [0, 1024], sizes = [64, 128], strides = [1, 1]} : vector<64x2560xf32> to vector<64x128xf32>
    %add3A_193 = arith.addf %add3A_191, %slice3A_192 : vector<64x128xf32>
    %slice3A_194 = vector.extract_strided_slice %add3A_176 {offsets = [0, 1152], sizes = [64, 128], strides = [1, 1]} : vector<64x2560xf32> to vector<64x128xf32>
    %add3A_195 = arith.addf %add3A_193, %slice3A_194 : vector<64x128xf32>
    %slice3A_196 = vector.extract_strided_slice %add3A_176 {offsets = [0, 1280], sizes = [64, 128], strides = [1, 1]} : vector<64x2560xf32> to vector<64x128xf32>
    %add3A_197 = arith.addf %add3A_195, %slice3A_196 : vector<64x128xf32>
    %slice3A_198 = vector.extract_strided_slice %add3A_176 {offsets = [0, 1408], sizes = [64, 128], strides = [1, 1]} : vector<64x2560xf32> to vector<64x128xf32>
    %add3A_199 = arith.addf %add3A_197, %slice3A_198 : vector<64x128xf32>
    %slice3A_200 = vector.extract_strided_slice %add3A_176 {offsets = [0, 1536], sizes = [64, 128], strides = [1, 1]} : vector<64x2560xf32> to vector<64x128xf32>
    %add3A_201 = arith.addf %add3A_199, %slice3A_200 : vector<64x128xf32>
    %slice3A_202 = vector.extract_strided_slice %add3A_176 {offsets = [0, 1664], sizes = [64, 128], strides = [1, 1]} : vector<64x2560xf32> to vector<64x128xf32>
    %add3A_203 = arith.addf %add3A_201, %slice3A_202 : vector<64x128xf32>
    %slice3A_204 = vector.extract_strided_slice %add3A_176 {offsets = [0, 1792], sizes = [64, 128], strides = [1, 1]} : vector<64x2560xf32> to vector<64x128xf32>
    %add3A_205 = arith.addf %add3A_203, %slice3A_204 : vector<64x128xf32>
    %slice3A_206 = vector.extract_strided_slice %add3A_176 {offsets = [0, 1920], sizes = [64, 128], strides = [1, 1]} : vector<64x2560xf32> to vector<64x128xf32>
    %add3A_207 = arith.addf %add3A_205, %slice3A_206 : vector<64x128xf32>
    %slice3A_208 = vector.extract_strided_slice %add3A_176 {offsets = [0, 2048], sizes = [64, 128], strides = [1, 1]} : vector<64x2560xf32> to vector<64x128xf32>
    %add3A_209 = arith.addf %add3A_207, %slice3A_208 : vector<64x128xf32>
    %slice3A_210 = vector.extract_strided_slice %add3A_176 {offsets = [0, 2176], sizes = [64, 128], strides = [1, 1]} : vector<64x2560xf32> to vector<64x128xf32>
    %add3A_211 = arith.addf %add3A_209, %slice3A_210 : vector<64x128xf32>
    %slice3A_212 = vector.extract_strided_slice %add3A_176 {offsets = [0, 2304], sizes = [64, 128], strides = [1, 1]} : vector<64x2560xf32> to vector<64x128xf32>
    %add3A_213 = arith.addf %add3A_211, %slice3A_212 : vector<64x128xf32>
    %slice3A_214 = vector.extract_strided_slice %add3A_176 {offsets = [0, 2432], sizes = [64, 128], strides = [1, 1]} : vector<64x2560xf32> to vector<64x128xf32>
    %add3A_215 = arith.addf %add3A_213, %slice3A_214 : vector<64x128xf32>
    %mul3A_216 = arith.constant 5.000000e-02 : f32
    %mul3A_217 = vector.broadcast %mul3A_216 : f32 to vector<64x128xf32>
    %mul3A_218 = arith.mulf %add3A_215, %mul3A_217 : vector<64x128xf32>
    %mul3A_219 = arith.constant 0.000000e+00 : f32
    %mul3A_220 = vector.broadcast %mul3A_219 : f32 to vector<64x2560xf32>
    %mul3A_221 = arith.mulf %mul3A_220, %dot_general3A_95 : vector<64x2560xf32>
    %mul3A_222 = arith.mulf %div3A, %dot_general3A_100 : vector<64x2560xf32>
    %sub3A_223 = arith.subf %dot_general3A_95, %mul3A_222 : vector<64x2560xf32>
    %select_n3A_224 = arith.select %lt3A_112, %sub3A_223, %dot_general3A_95 : vector<64x2560xi1>, vector<64x2560xf32>
    %mul3A_225 = arith.constant 1.000000e+00 : f32
    %mul3A_226 = vector.broadcast %mul3A_225 : f32 to vector<64x2560xf32>
    %mul3A_227 = arith.mulf %mul3A_226, %select_n3A_224 : vector<64x2560xf32>
    %add3A_228 = arith.addf %mul3A_221, %mul3A_227 : vector<64x2560xf32>
    %slice3A_229 = vector.extract_strided_slice %add3A_228 {offsets = [0, 0], sizes = [64, 128], strides = [1, 1]} : vector<64x2560xf32> to vector<64x128xf32>
    %slice3A_230 = vector.extract_strided_slice %add3A_228 {offsets = [0, 128], sizes = [64, 128], strides = [1, 1]} : vector<64x2560xf32> to vector<64x128xf32>
    %add3A_231 = arith.addf %slice3A_229, %slice3A_230 : vector<64x128xf32>
    %slice3A_232 = vector.extract_strided_slice %add3A_228 {offsets = [0, 256], sizes = [64, 128], strides = [1, 1]} : vector<64x2560xf32> to vector<64x128xf32>
    %add3A_233 = arith.addf %add3A_231, %slice3A_232 : vector<64x128xf32>
    %slice3A_234 = vector.extract_strided_slice %add3A_228 {offsets = [0, 384], sizes = [64, 128], strides = [1, 1]} : vector<64x2560xf32> to vector<64x128xf32>
    %add3A_235 = arith.addf %add3A_233, %slice3A_234 : vector<64x128xf32>
    %slice3A_236 = vector.extract_strided_slice %add3A_228 {offsets = [0, 512], sizes = [64, 128], strides = [1, 1]} : vector<64x2560xf32> to vector<64x128xf32>
    %add3A_237 = arith.addf %add3A_235, %slice3A_236 : vector<64x128xf32>
    %slice3A_238 = vector.extract_strided_slice %add3A_228 {offsets = [0, 640], sizes = [64, 128], strides = [1, 1]} : vector<64x2560xf32> to vector<64x128xf32>
    %add3A_239 = arith.addf %add3A_237, %slice3A_238 : vector<64x128xf32>
    %slice3A_240 = vector.extract_strided_slice %add3A_228 {offsets = [0, 768], sizes = [64, 128], strides = [1, 1]} : vector<64x2560xf32> to vector<64x128xf32>
    %add3A_241 = arith.addf %add3A_239, %slice3A_240 : vector<64x128xf32>
    %slice3A_242 = vector.extract_strided_slice %add3A_228 {offsets = [0, 896], sizes = [64, 128], strides = [1, 1]} : vector<64x2560xf32> to vector<64x128xf32>
    %add3A_243 = arith.addf %add3A_241, %slice3A_242 : vector<64x128xf32>
    %slice3A_244 = vector.extract_strided_slice %add3A_228 {offsets = [0, 1024], sizes = [64, 128], strides = [1, 1]} : vector<64x2560xf32> to vector<64x128xf32>
    %add3A_245 = arith.addf %add3A_243, %slice3A_244 : vector<64x128xf32>
    %slice3A_246 = vector.extract_strided_slice %add3A_228 {offsets = [0, 1152], sizes = [64, 128], strides = [1, 1]} : vector<64x2560xf32> to vector<64x128xf32>
    %add3A_247 = arith.addf %add3A_245, %slice3A_246 : vector<64x128xf32>
    %slice3A_248 = vector.extract_strided_slice %add3A_228 {offsets = [0, 1280], sizes = [64, 128], strides = [1, 1]} : vector<64x2560xf32> to vector<64x128xf32>
    %add3A_249 = arith.addf %add3A_247, %slice3A_248 : vector<64x128xf32>
    %slice3A_250 = vector.extract_strided_slice %add3A_228 {offsets = [0, 1408], sizes = [64, 128], strides = [1, 1]} : vector<64x2560xf32> to vector<64x128xf32>
    %add3A_251 = arith.addf %add3A_249, %slice3A_250 : vector<64x128xf32>
    %slice3A_252 = vector.extract_strided_slice %add3A_228 {offsets = [0, 1536], sizes = [64, 128], strides = [1, 1]} : vector<64x2560xf32> to vector<64x128xf32>
    %add3A_253 = arith.addf %add3A_251, %slice3A_252 : vector<64x128xf32>
    %slice3A_254 = vector.extract_strided_slice %add3A_228 {offsets = [0, 1664], sizes = [64, 128], strides = [1, 1]} : vector<64x2560xf32> to vector<64x128xf32>
    %add3A_255 = arith.addf %add3A_253, %slice3A_254 : vector<64x128xf32>
    %slice3A_256 = vector.extract_strided_slice %add3A_228 {offsets = [0, 1792], sizes = [64, 128], strides = [1, 1]} : vector<64x2560xf32> to vector<64x128xf32>
    %add3A_257 = arith.addf %add3A_255, %slice3A_256 : vector<64x128xf32>
    %slice3A_258 = vector.extract_strided_slice %add3A_228 {offsets = [0, 1920], sizes = [64, 128], strides = [1, 1]} : vector<64x2560xf32> to vector<64x128xf32>
    %add3A_259 = arith.addf %add3A_257, %slice3A_258 : vector<64x128xf32>
    %slice3A_260 = vector.extract_strided_slice %add3A_228 {offsets = [0, 2048], sizes = [64, 128], strides = [1, 1]} : vector<64x2560xf32> to vector<64x128xf32>
    %add3A_261 = arith.addf %add3A_259, %slice3A_260 : vector<64x128xf32>
    %slice3A_262 = vector.extract_strided_slice %add3A_228 {offsets = [0, 2176], sizes = [64, 128], strides = [1, 1]} : vector<64x2560xf32> to vector<64x128xf32>
    %add3A_263 = arith.addf %add3A_261, %slice3A_262 : vector<64x128xf32>
    %slice3A_264 = vector.extract_strided_slice %add3A_228 {offsets = [0, 2304], sizes = [64, 128], strides = [1, 1]} : vector<64x2560xf32> to vector<64x128xf32>
    %add3A_265 = arith.addf %add3A_263, %slice3A_264 : vector<64x128xf32>
    %slice3A_266 = vector.extract_strided_slice %add3A_228 {offsets = [0, 2432], sizes = [64, 128], strides = [1, 1]} : vector<64x2560xf32> to vector<64x128xf32>
    %add3A_267 = arith.addf %add3A_265, %slice3A_266 : vector<64x128xf32>
    %mul3A_268 = arith.constant 5.000000e-02 : f32
    %mul3A_269 = vector.broadcast %mul3A_268 : f32 to vector<64x128xf32>
    %mul3A_270 = arith.mulf %add3A_267, %mul3A_269 : vector<64x128xf32>
    %concatenate3A_271 = tpu.concatenate %mul3A_166, %mul3A_218, %mul3A_270 in 0 : vector<64x128xf32>, vector<64x128xf32>, vector<64x128xf32> -> vector<192x128xf32>
    %swap3A = arith.constant 0 : index
    %swap3A_272 = arith.constant 0 : index
    %swap3A_273 = arith.constant 0 : index
    %swap3A_274 = vector.load %arg9[%swap3A, %swap3A_272, %swap3A_273] : memref<1x192x128xf32, #tpu.memory_space<vmem>>, vector<1x192x128xf32>
    %swap3A_275 = vector.shape_cast %swap3A_274 : vector<1x192x128xf32> to vector<192x128xf32>
    %swap3A_276 = vector.shape_cast %concatenate3A_271 : vector<192x128xf32> to vector<1x192x128xf32>
    tpu.vector_store %arg9[%swap3A, %swap3A_272, %swap3A_273], %swap3A_276 {strides = array<i32>} : memref<1x192x128xf32, #tpu.memory_space<vmem>>, vector<1x192x128xf32>,
    %transpose3A = tpu.transpose %concatenate3A_271, [1, 0] : vector<192x128xf32> -> vector<128x192xf32>
    %swap3A_277 = arith.constant 0 : index
    %swap3A_278 = arith.constant 0 : index
    %swap3A_279 = arith.constant 0 : index
    %swap3A_280 = vector.load %arg8[%swap3A_277, %swap3A_278, %swap3A_279] : memref<1x128x192xf32, #tpu.memory_space<vmem>>, vector<1x128x192xf32>
    %swap3A_281 = vector.shape_cast %swap3A_280 : vector<1x128x192xf32> to vector<128x192xf32>
    %swap3A_282 = vector.shape_cast %transpose3A : vector<128x192xf32> to vector<1x128x192xf32>
    tpu.vector_store %arg8[%swap3A_277, %swap3A_278, %swap3A_279], %swap3A_282 {strides = array<i32>} : memref<1x128x192xf32, #tpu.memory_space<vmem>>, vector<1x128x192xf32>,
    %stack3A = vector.shape_cast %mul3A_166 : vector<64x128xf32> to vector<64x1x128xf32>
    %stack3A_283 = vector.shape_cast %mul3A_218 : vector<64x128xf32> to vector<64x1x128xf32>
    %stack3A_284 = vector.shape_cast %mul3A_270 : vector<64x128xf32> to vector<64x1x128xf32>
    %stack3A_285 = tpu.concatenate %stack3A, %stack3A_283, %stack3A_284 in 1 : vector<64x1x128xf32>, vector<64x1x128xf32>, vector<64x1x128xf32> -> vector<64x3x128xf32>
    %reshape3A = vector.shape_cast %stack3A_285 : vector<64x3x128xf32> to vector<192x128xf32>
    %slice3A_286 = vector.extract_strided_slice %reshape3A {offsets = [0, 0], sizes = [128, 128], strides = [1, 1]} : vector<192x128xf32> to vector<128x128xf32>
    %swap3A_287 = arith.constant 0 : index
    %swap3A_288 = arith.constant 0 : index
    %swap3A_289 = arith.constant 0 : index
    %swap3A_290 = vector.load %arg11[%swap3A_287, %swap3A_288, %swap3A_289] : memref<1x128x128xf32, #tpu.memory_space<vmem>>, vector<1x128x128xf32>
    %swap3A_291 = vector.shape_cast %swap3A_290 : vector<1x128x128xf32> to vector<128x128xf32>
    %swap3A_292 = vector.shape_cast %slice3A_286 : vector<128x128xf32> to vector<1x128x128xf32>
    tpu.vector_store %arg11[%swap3A_287, %swap3A_288, %swap3A_289], %swap3A_292 {strides = array<i32>} : memref<1x128x128xf32, #tpu.memory_space<vmem>>, vector<1x128x128xf32>,
    %transpose3A_293 = tpu.transpose %slice3A_286, [1, 0] : vector<128x128xf32> -> vector<128x128xf32>
    %swap3A_294 = arith.constant 0 : index
    %swap3A_295 = arith.constant 0 : index
    %swap3A_296 = arith.constant 0 : index
    %swap3A_297 = vector.load %arg10[%swap3A_294, %swap3A_295, %swap3A_296] : memref<1x128x128xf32, #tpu.memory_space<vmem>>, vector<1x128x128xf32>
    %swap3A_298 = vector.shape_cast %swap3A_297 : vector<1x128x128xf32> to vector<128x128xf32>
    %swap3A_299 = vector.shape_cast %transpose3A_293 : vector<128x128xf32> to vector<1x128x128xf32>
    tpu.vector_store %arg10[%swap3A_294, %swap3A_295, %swap3A_296], %swap3A_299 {strides = array<i32>} : memref<1x128x128xf32, #tpu.memory_space<vmem>>, vector<1x128x128xf32>,
    return
  }
  func.func @transform_0(%arg0: i32, %arg1: i32) -> (i32, i32, i32) {
    %c0_i32 = arith.constant 0 : i32
    %c0_i32_0 = arith.constant 0 : i32
    %c0_i32_1 = arith.constant 0 : i32
    return %arg0, %c0_i32, %c0_i32_0 : i32, i32, i32
  }
  func.func @transform_1(%arg0: i32, %arg1: i32) -> (i32, i32, i32) {
    %c0_i32 = arith.constant 0 : i32
    %c0_i32_0 = arith.constant 0 : i32
    %c0_i32_1 = arith.constant 0 : i32
    return %arg0, %c0_i32, %c0_i32_0 : i32, i32, i32
  }
  func.func @transform_2(%arg0: i32, %arg1: i32) -> (i32, i32, i32) {
    %c0_i32 = arith.constant 0 : i32
    %c0_i32_0 = arith.constant 0 : i32
    %c0_i32_1 = arith.constant 0 : i32
    return %arg0, %c0_i32, %c0_i32_0 : i32, i32, i32
  }
  func.func @transform_3(%arg0: i32, %arg1: i32) -> (i32, i32, i32) {
    %c0_i32 = arith.constant 0 : i32
    %c0_i32_0 = arith.constant 0 : i32
    %c0_i32_1 = arith.constant 0 : i32
    return %arg0, %c0_i32, %c0_i32_0 : i32, i32, i32
  }
  func.func @transform_4(%arg0: i32, %arg1: i32) -> (i32, i32) {
    %c0_i32 = arith.constant 0 : i32
    %c0_i32_0 = arith.constant 0 : i32
    %c0_i32_1 = arith.constant 0 : i32
    return %c0_i32, %c0_i32_0 : i32, i32
  }
  func.func @transform_5(%arg0: i32, %arg1: i32) -> (i32, i32) {
    %c0_i32 = arith.constant 0 : i32
    %c0_i32_0 = arith.constant 0 : i32
    %c0_i32_1 = arith.constant 0 : i32
    return %c0_i32, %c0_i32_0 : i32, i32
  }
  func.func @transform_6(%arg0: i32, %arg1: i32) -> (i32, i32, i32) {
    %c0_i32 = arith.constant 0 : i32
    %c0_i32_0 = arith.constant 0 : i32
    return %arg0, %arg1, %c0_i32 : i32, i32, i32
  }
  func.func @transform_7(%arg0: i32, %arg1: i32) -> (i32, i32, i32) {
    %c0_i32 = arith.constant 0 : i32
    %c0_i32_0 = arith.constant 0 : i32
    return %arg0, %c0_i32, %arg1 : i32, i32, i32
  }
  func.func @transform_8(%arg0: i32, %arg1: i32) -> (i32, i32, i32) {
    %c0_i32 = arith.constant 0 : i32
    %c0_i32_0 = arith.constant 0 : i32
    return %arg0, %arg1, %c0_i32 : i32, i32, i32
  }
  func.func @transform_9(%arg0: i32, %arg1: i32) -> (i32, i32, i32) {
    %c0_i32 = arith.constant 0 : i32
    %c0_i32_0 = arith.constant 0 : i32
    return %arg0, %c0_i32, %arg1 : i32, i32, i32
  }
}

module attributes {stable_mosaic.version = 14 : i64} {
  func.func @_edge_body(%arg0: i32, %arg1: i32, %arg2: memref<1x1024x192xf32, #tpu.memory_space<vmem>>, %arg3: memref<1x192x1024xf32, #tpu.memory_space<vmem>>, %arg4: memref<1x1024x128xf32, #tpu.memory_space<vmem>>, %arg5: memref<1x128x1024xf32, #tpu.memory_space<vmem>>, %arg6: memref<128x128xf32, #tpu.memory_space<vmem>>, %arg7: memref<128x128xf32, #tpu.memory_space<vmem>>, %arg8: memref<1x128x384xf32, #tpu.memory_space<vmem>>, %arg9: memref<1x384x128xf32, #tpu.memory_space<vmem>>, %arg10: memref<1x128x256xf32, #tpu.memory_space<vmem>>, %arg11: memref<1x256x128xf32, #tpu.memory_space<vmem>>, %arg12: memref<1024x2560xbf16, #tpu.memory_space<vmem>>) attributes {dimension_semantics = [#tpu.dimension_semantics<arbitrary>, #tpu.dimension_semantics<arbitrary>], iteration_bounds = array<i64: 2, 8>, scalar_prefetch = 0 : i64, scratch_operands = 1 : i64, tpu.core_type = #tpu.core_type<tc>, window_params = [{transform_indices = @transform_0, window_bounds = array<i64: 1, 1024, 192>}, {transform_indices = @transform_1, window_bounds = array<i64: 1, 192, 1024>}, {transform_indices = @transform_2, window_bounds = array<i64: 1, 1024, 128>}, {transform_indices = @transform_3, window_bounds = array<i64: 1, 128, 1024>}, {pipeline_mode = #tpu.pipeline_mode<synchronous>, transform_indices = @transform_4, window_bounds = array<i64: 128, 128>}, {pipeline_mode = #tpu.pipeline_mode<synchronous>, transform_indices = @transform_5, window_bounds = array<i64: 128, 128>}, {transform_indices = @transform_6, window_bounds = array<i64: 1, 128, 384>}, {transform_indices = @transform_7, window_bounds = array<i64: 1, 384, 128>}, {transform_indices = @transform_8, window_bounds = array<i64: 1, 128, 256>}, {transform_indices = @transform_9, window_bounds = array<i64: 1, 256, 128>}]} {
    %mul3A = arith.constant 128 : i32
    %mul3A_0 = arith.muli %arg1, %mul3A : i32
    %get3A = arith.constant 0 : index
    %get3A_1 = arith.constant 0 : index
    %get3A_2 = arith.index_cast %mul3A_0 : i32 to index
    %get3A_3 = vector.load %arg3[%get3A, %get3A_1, %get3A_2] : memref<1x192x1024xf32, #tpu.memory_space<vmem>>, vector<1x192x128xf32>
    %get3A_4 = vector.shape_cast %get3A_3 : vector<1x192x128xf32> to vector<192x128xf32>
    %get3A_5 = arith.constant 0 : index
    %get3A_6 = arith.constant 0 : index
    %get3A_7 = arith.constant 0 : index
    %get3A_8 = vector.load %arg4[%get3A_5, %get3A_6, %get3A_7] : memref<1x1024x128xf32, #tpu.memory_space<vmem>>, vector<1x1024x128xf32>
    %get3A_9 = vector.shape_cast %get3A_8 : vector<1x1024x128xf32> to vector<1024x128xf32>
    %mul3A_10 = arith.constant 128 : i32
    %mul3A_11 = arith.muli %arg1, %mul3A_10 : i32
    %get3A_12 = arith.constant 0 : index
    %get3A_13 = arith.constant 0 : index
    %get3A_14 = arith.index_cast %mul3A_11 : i32 to index
    %get3A_15 = vector.load %arg5[%get3A_12, %get3A_13, %get3A_14] : memref<1x128x1024xf32, #tpu.memory_space<vmem>>, vector<1x128x128xf32>
    %get3A_16 = vector.shape_cast %get3A_15 : vector<1x128x128xf32> to vector<128x128xf32>
    %dot_general3A = arith.constant dense<0.000000e+00> : vector<1024x128xf32>
    %dot_general3A_17 = tpu.matmul %get3A_9, %get3A_16, %dot_general3A {dimension_numbers = #tpu.dot_dimension_numbers<[1], [0], [0], [1], [0, 0, 1, 1], [], []>, transpose_lhs_hint = false} : vector<1024x128xf32>, vector<128x128xf32>, vector<1024x128xf32> -> vector<1024x128xf32>
    %mul3A_18 = arith.mulf %get3A_9, %get3A_9 : vector<1024x128xf32>
    %reduce_sum3A = arith.constant dense<0.000000e+00> : vector<1024xf32>
    %reduce_sum3A_19 = vector.multi_reduction <add>, %mul3A_18, %reduce_sum3A [1] : vector<1024x128xf32> to vector<1024xf32>
    %broadcast_in_dim3A = vector.shape_cast %reduce_sum3A_19 : vector<1024xf32> to vector<1024x1xf32>
    %mul3A_20 = arith.mulf %get3A_16, %get3A_16 : vector<128x128xf32>
    %reduce_sum3A_21 = arith.constant dense<0.000000e+00> : vector<128xf32>
    %reduce_sum3A_22 = vector.multi_reduction <add>, %mul3A_20, %reduce_sum3A_21 [0] : vector<128x128xf32> to vector<128xf32>
    %broadcast_in_dim3A_23 = vector.shape_cast %reduce_sum3A_22 : vector<128xf32> to vector<1x128xf32>
    %mul3A_24 = arith.constant -2.000000e+00 : f32
    %mul3A_25 = vector.broadcast %mul3A_24 : f32 to vector<1024x128xf32>
    %mul3A_26 = arith.mulf %mul3A_25, %dot_general3A_17 : vector<1024x128xf32>
    %neg3A = arith.constant 0.000000e+00 : f32
    %neg3A_27 = vector.broadcast %neg3A : f32 to vector<1x128xf32>
    %neg3A_28 = arith.subf %neg3A_27, %broadcast_in_dim3A_23 : vector<1x128xf32>
    %sub3A = vector.broadcast %neg3A_28 : vector<1x128xf32> to vector<1024x128xf32>
    %sub3A_29 = arith.subf %sub3A, %mul3A_26 : vector<1024x128xf32>
    %sub3A_30 = vector.broadcast %broadcast_in_dim3A : vector<1024x1xf32> to vector<1024x128xf32>
    %sub3A_31 = arith.subf %sub3A_29, %sub3A_30 : vector<1024x128xf32>
    %iota3A = tpu.iota {dimensions = array<i32: 0>} : vector<1024x128xi32>
    %broadcast_in_dim3A_32 = arith.constant 0x7F800000 : f32
    %broadcast_in_dim3A_33 = vector.broadcast %broadcast_in_dim3A_32 : f32 to vector<1x128xf32>
    %scan3A = arith.constant 0 : i32
    %scan3A_34 = arith.constant 20 : i32
    %scan3A_35 = arith.addi %scan3A, %scan3A_34 : i32
    %scan3A_36 = arith.constant 1 : i32
    %scan3A_37 = scf.for %scan3A_300 = %scan3A to %scan3A_35 step %scan3A_36 iter_args(%scan3A_301 = %broadcast_in_dim3A_33) -> (vector<1x128xf32>)  : i32 {
      %lt3A_302 = vector.broadcast %scan3A_301 : vector<1x128xf32> to vector<1024x128xf32>
      %lt3A_303 = arith.cmpf olt, %sub3A_31, %lt3A_302 : vector<1024x128xf32>
      %jit3A = arith.constant 0xFF800000 : f32
      %broadcast_in_dim3A_304 = vector.broadcast %jit3A : f32 to vector<1024x128xf32>
      %select_n3A_305 = arith.select %lt3A_303, %sub3A_31, %broadcast_in_dim3A_304 : vector<1024x128xi1>, vector<1024x128xf32>
      %reduce_max3A = arith.constant dense<0xFF800000> : vector<128xf32>
      %reduce_max3A_306 = vector.multi_reduction <maximumf>, %select_n3A_305, %reduce_max3A [0] : vector<1024x128xf32> to vector<128xf32>
      %broadcast_in_dim3A_307 = vector.shape_cast %reduce_max3A_306 : vector<128xf32> to vector<1x128xf32>
      %eq3A = vector.broadcast %broadcast_in_dim3A_307 : vector<1x128xf32> to vector<1024x128xf32>
      %eq3A_308 = arith.cmpf oeq, %select_n3A_305, %eq3A : vector<1024x128xf32>
      %jit3A_309 = arith.constant 1073741824 : i32
      %broadcast_in_dim3A_310 = vector.broadcast %jit3A_309 : i32 to vector<1024x128xi32>
      %select_n3A_311 = arith.select %eq3A_308, %iota3A, %broadcast_in_dim3A_310 : vector<1024x128xi1>, vector<1024x128xi32>
      %reduce_min3A = arith.constant dense<2147483647> : vector<128xi32>
      %reduce_min3A_312 = vector.multi_reduction <minsi>, %select_n3A_311, %reduce_min3A [0] : vector<1024x128xi32> to vector<128xi32>
      %broadcast_in_dim3A_313 = vector.shape_cast %reduce_min3A_312 : vector<128xi32> to vector<1x128xi32>
      %eq3A_314 = vector.broadcast %broadcast_in_dim3A_313 : vector<1x128xi32> to vector<1024x128xi32>
      %eq3A_315 = arith.cmpi eq, %select_n3A_311, %eq3A_314 : vector<1024x128xi32>
      %convert_element_type3A_316 = arith.extui %eq3A_315 : vector<1024x128xi1> to vector<1024x128xi32>
      %convert_element_type3A_317 = arith.sitofp %convert_element_type3A_316 : vector<1024x128xi32> to vector<1024x128xf32>
      %convert_element_type3A_318 = arith.truncf %convert_element_type3A_317 : vector<1024x128xf32> to vector<1024x128xbf16>
      %mul3A_319 = arith.constant 128 : i32
      %mul3A_320 = arith.muli %scan3A_300, %mul3A_319 : i32
      %swap3A_321 = arith.constant 0 : index
      %swap3A_322 = arith.index_cast %mul3A_320 : i32 to index
      %swap3A_323 = vector.load %arg12[%swap3A_321, %swap3A_322] : memref<1024x2560xbf16, #tpu.memory_space<vmem>>, vector<1024x128xbf16>
      tpu.vector_store %arg12[%swap3A_321, %swap3A_322], %convert_element_type3A_318 {strides = array<i32>} : memref<1024x2560xbf16, #tpu.memory_space<vmem>>, vector<1024x128xbf16>,
      scf.yield %broadcast_in_dim3A_307 : vector<1x128xf32>
    }
    %scan3A_38 = arith.constant 20 : i32
    %get3A_39 = arith.constant 0 : index
    %get3A_40 = arith.constant 0 : index
    %get3A_41 = arith.constant 0 : index
    %get3A_42 = vector.load %arg3[%get3A_39, %get3A_40, %get3A_41] : memref<1x192x1024xf32, #tpu.memory_space<vmem>>, vector<1x192x1024xf32>
    %get3A_43 = vector.shape_cast %get3A_42 : vector<1x192x1024xf32> to vector<192x1024xf32>
    %convert_element_type3A = arith.truncf %get3A_43 : vector<192x1024xf32> to vector<192x1024xbf16>
    %convert_element_type3A_44 = arith.extf %convert_element_type3A : vector<192x1024xbf16> to vector<192x1024xf32>
    %sub3A_45 = arith.subf %get3A_43, %convert_element_type3A_44 : vector<192x1024xf32>
    %convert_element_type3A_46 = arith.truncf %sub3A_45 : vector<192x1024xf32> to vector<192x1024xbf16>
    %convert_element_type3A_47 = arith.extf %convert_element_type3A_46 : vector<192x1024xbf16> to vector<192x1024xf32>
    %sub3A_48 = arith.subf %sub3A_45, %convert_element_type3A_47 : vector<192x1024xf32>
    %convert_element_type3A_49 = arith.truncf %sub3A_48 : vector<192x1024xf32> to vector<192x1024xbf16>
    %get3A_50 = arith.constant 0 : index
    %get3A_51 = arith.constant 0 : index
    %get3A_52 = vector.load %arg12[%get3A_50, %get3A_51] : memref<1024x2560xbf16, #tpu.memory_space<vmem>>, vector<1024x2560xbf16>
    %dot_general3A_53 = arith.constant dense<0.000000e+00> : vector<192x2560xf32>
    %dot_general3A_54 = tpu.matmul %convert_element_type3A, %get3A_52, %dot_general3A_53 {dimension_numbers = #tpu.dot_dimension_numbers<[1], [0], [0], [1], [0, 0, 1, 1], [], []>, transpose_lhs_hint = false} : vector<192x1024xbf16>, vector<1024x2560xbf16>, vector<192x2560xf32> -> vector<192x2560xf32>
    %dot_general3A_55 = arith.constant dense<0.000000e+00> : vector<192x2560xf32>
    %dot_general3A_56 = tpu.matmul %convert_element_type3A_46, %get3A_52, %dot_general3A_55 {dimension_numbers = #tpu.dot_dimension_numbers<[1], [0], [0], [1], [0, 0, 1, 1], [], []>, transpose_lhs_hint = false} : vector<192x1024xbf16>, vector<1024x2560xbf16>, vector<192x2560xf32> -> vector<192x2560xf32>
    %add3A = arith.addf %dot_general3A_54, %dot_general3A_56 : vector<192x2560xf32>
    %dot_general3A_57 = arith.constant dense<0.000000e+00> : vector<192x2560xf32>
    %dot_general3A_58 = tpu.matmul %convert_element_type3A_49, %get3A_52, %dot_general3A_57 {dimension_numbers = #tpu.dot_dimension_numbers<[1], [0], [0], [1], [0, 0, 1, 1], [], []>, transpose_lhs_hint = false} : vector<192x1024xbf16>, vector<1024x2560xbf16>, vector<192x2560xf32> -> vector<192x2560xf32>
    %add3A_59 = arith.addf %add3A, %dot_general3A_58 : vector<192x2560xf32>
    %concatenate3A = tpu.concatenate %get3A_4, %get3A_4, %get3A_4, %get3A_4, %get3A_4, %get3A_4, %get3A_4, %get3A_4, %get3A_4, %get3A_4, %get3A_4, %get3A_4, %get3A_4, %get3A_4, %get3A_4, %get3A_4, %get3A_4, %get3A_4, %get3A_4, %get3A_4 in 1 : vector<192x128xf32>, vector<192x128xf32>, vector<192x128xf32>, vector<192x128xf32>, vector<192x128xf32>, vector<192x128xf32>, vector<192x128xf32>, vector<192x128xf32>, vector<192x128xf32>, vector<192x128xf32>, vector<192x128xf32>, vector<192x128xf32>, vector<192x128xf32>, vector<192x128xf32>, vector<192x128xf32>, vector<192x128xf32>, vector<192x128xf32>, vector<192x128xf32>, vector<192x128xf32>, vector<192x128xf32> -> vector<192x2560xf32>
    %slice3A = vector.extract_strided_slice %add3A_59 {offsets = [0, 0], sizes = [64, 2560], strides = [1, 1]} : vector<192x2560xf32> to vector<64x2560xf32>
    %slice3A_60 = vector.extract_strided_slice %add3A_59 {offsets = [64, 0], sizes = [64, 2560], strides = [1, 1]} : vector<192x2560xf32> to vector<64x2560xf32>
    %slice3A_61 = vector.extract_strided_slice %add3A_59 {offsets = [128, 0], sizes = [64, 2560], strides = [1, 1]} : vector<192x2560xf32> to vector<64x2560xf32>
    %slice3A_62 = vector.extract_strided_slice %concatenate3A {offsets = [0, 0], sizes = [64, 2560], strides = [1, 1]} : vector<192x2560xf32> to vector<64x2560xf32>
    %slice3A_63 = vector.extract_strided_slice %concatenate3A {offsets = [64, 0], sizes = [64, 2560], strides = [1, 1]} : vector<192x2560xf32> to vector<64x2560xf32>
    %slice3A_64 = vector.extract_strided_slice %concatenate3A {offsets = [128, 0], sizes = [64, 2560], strides = [1, 1]} : vector<192x2560xf32> to vector<64x2560xf32>
    %sub3A_65 = arith.subf %slice3A, %slice3A_62 : vector<64x2560xf32>
    %concatenate3A_66 = tpu.concatenate %sub3A_65, %slice3A_62 in 0 : vector<64x2560xf32>, vector<64x2560xf32> -> vector<128x2560xf32>
    %get3A_67 = arith.constant 0 : index
    %get3A_68 = arith.constant 0 : index
    %get3A_69 = vector.load %arg6[%get3A_67, %get3A_68] : memref<128x128xf32, #tpu.memory_space<vmem>>, vector<128x128xf32>
    %dot_general3A_70 = arith.constant dense<0.000000e+00> : vector<128x2560xf32>
    %dot_general3A_71 = tpu.matmul %get3A_69, %concatenate3A_66, %dot_general3A_70 {dimension_numbers = #tpu.dot_dimension_numbers<[1], [0], [0], [1], [0, 0, 1, 1], [], []>, transpose_lhs_hint = false} : vector<128x128xf32>, vector<128x2560xf32>, vector<128x2560xf32> -> vector<128x2560xf32>
    %get3A_72 = arith.constant 0 : index
    %get3A_73 = arith.constant 0 : index
    %get3A_74 = vector.load %arg7[%get3A_72, %get3A_73] : memref<128x128xf32, #tpu.memory_space<vmem>>, vector<128x128xf32>
    %dot_general3A_75 = arith.constant dense<0.000000e+00> : vector<128x2560xf32>
    %dot_general3A_76 = tpu.matmul %get3A_74, %concatenate3A_66, %dot_general3A_75 {dimension_numbers = #tpu.dot_dimension_numbers<[1], [0], [0], [1], [0, 0, 1, 1], [], []>, transpose_lhs_hint = false} : vector<128x128xf32>, vector<128x2560xf32>, vector<128x2560xf32> -> vector<128x2560xf32>
    %sub3A_77 = arith.subf %slice3A_60, %slice3A_63 : vector<64x2560xf32>
    %concatenate3A_78 = tpu.concatenate %sub3A_77, %slice3A_63 in 0 : vector<64x2560xf32>, vector<64x2560xf32> -> vector<128x2560xf32>
    %get3A_79 = arith.constant 0 : index
    %get3A_80 = arith.constant 0 : index
    %get3A_81 = vector.load %arg6[%get3A_79, %get3A_80] : memref<128x128xf32, #tpu.memory_space<vmem>>, vector<128x128xf32>
    %dot_general3A_82 = arith.constant dense<0.000000e+00> : vector<128x2560xf32>
    %dot_general3A_83 = tpu.matmul %get3A_81, %concatenate3A_78, %dot_general3A_82 {dimension_numbers = #tpu.dot_dimension_numbers<[1], [0], [0], [1], [0, 0, 1, 1], [], []>, transpose_lhs_hint = false} : vector<128x128xf32>, vector<128x2560xf32>, vector<128x2560xf32> -> vector<128x2560xf32>
    %get3A_84 = arith.constant 0 : index
    %get3A_85 = arith.constant 0 : index
    %get3A_86 = vector.load %arg7[%get3A_84, %get3A_85] : memref<128x128xf32, #tpu.memory_space<vmem>>, vector<128x128xf32>
    %dot_general3A_87 = arith.constant dense<0.000000e+00> : vector<128x2560xf32>
    %dot_general3A_88 = tpu.matmul %get3A_86, %concatenate3A_78, %dot_general3A_87 {dimension_numbers = #tpu.dot_dimension_numbers<[1], [0], [0], [1], [0, 0, 1, 1], [], []>, transpose_lhs_hint = false} : vector<128x128xf32>, vector<128x2560xf32>, vector<128x2560xf32> -> vector<128x2560xf32>
    %sub3A_89 = arith.subf %slice3A_61, %slice3A_64 : vector<64x2560xf32>
    %concatenate3A_90 = tpu.concatenate %sub3A_89, %slice3A_64 in 0 : vector<64x2560xf32>, vector<64x2560xf32> -> vector<128x2560xf32>
    %get3A_91 = arith.constant 0 : index
    %get3A_92 = arith.constant 0 : index
    %get3A_93 = vector.load %arg6[%get3A_91, %get3A_92] : memref<128x128xf32, #tpu.memory_space<vmem>>, vector<128x128xf32>
    %dot_general3A_94 = arith.constant dense<0.000000e+00> : vector<128x2560xf32>
    %dot_general3A_95 = tpu.matmul %get3A_93, %concatenate3A_90, %dot_general3A_94 {dimension_numbers = #tpu.dot_dimension_numbers<[1], [0], [0], [1], [0, 0, 1, 1], [], []>, transpose_lhs_hint = false} : vector<128x128xf32>, vector<128x2560xf32>, vector<128x2560xf32> -> vector<128x2560xf32>
    %get3A_96 = arith.constant 0 : index
    %get3A_97 = arith.constant 0 : index
    %get3A_98 = vector.load %arg7[%get3A_96, %get3A_97] : memref<128x128xf32, #tpu.memory_space<vmem>>, vector<128x128xf32>
    %dot_general3A_99 = arith.constant dense<0.000000e+00> : vector<128x2560xf32>
    %dot_general3A_100 = tpu.matmul %get3A_98, %concatenate3A_90, %dot_general3A_99 {dimension_numbers = #tpu.dot_dimension_numbers<[1], [0], [0], [1], [0, 0, 1, 1], [], []>, transpose_lhs_hint = false} : vector<128x128xf32>, vector<128x2560xf32>, vector<128x2560xf32> -> vector<128x2560xf32>
    %mul3A_101 = arith.mulf %dot_general3A_71, %dot_general3A_76 : vector<128x2560xf32>
    %mul3A_102 = arith.mulf %dot_general3A_83, %dot_general3A_88 : vector<128x2560xf32>
    %add3A_103 = arith.addf %mul3A_101, %mul3A_102 : vector<128x2560xf32>
    %mul3A_104 = arith.mulf %dot_general3A_95, %dot_general3A_100 : vector<128x2560xf32>
    %add3A_105 = arith.addf %add3A_103, %mul3A_104 : vector<128x2560xf32>
    %mul3A_106 = arith.mulf %dot_general3A_76, %dot_general3A_76 : vector<128x2560xf32>
    %mul3A_107 = arith.mulf %dot_general3A_88, %dot_general3A_88 : vector<128x2560xf32>
    %add3A_108 = arith.addf %mul3A_106, %mul3A_107 : vector<128x2560xf32>
    %mul3A_109 = arith.mulf %dot_general3A_100, %dot_general3A_100 : vector<128x2560xf32>
    %add3A_110 = arith.addf %add3A_108, %mul3A_109 : vector<128x2560xf32>
    %lt3A = arith.constant 0.000000e+00 : f32
    %lt3A_111 = vector.broadcast %lt3A : f32 to vector<128x2560xf32>
    %lt3A_112 = arith.cmpf olt, %add3A_105, %lt3A_111 : vector<128x2560xf32>
    %add3A_113 = arith.constant 9.99999997E-7 : f32
    %add3A_114 = vector.broadcast %add3A_113 : f32 to vector<128x2560xf32>
    %add3A_115 = arith.addf %add3A_110, %add3A_114 : vector<128x2560xf32>
    %div3A = arith.divf %add3A_105, %add3A_115 : vector<128x2560xf32>
    %mul3A_116 = arith.constant 0.000000e+00 : f32
    %mul3A_117 = vector.broadcast %mul3A_116 : f32 to vector<128x2560xf32>
    %mul3A_118 = arith.mulf %mul3A_117, %dot_general3A_71 : vector<128x2560xf32>
    %mul3A_119 = arith.mulf %div3A, %dot_general3A_76 : vector<128x2560xf32>
    %sub3A_120 = arith.subf %dot_general3A_71, %mul3A_119 : vector<128x2560xf32>
    %select_n3A = arith.select %lt3A_112, %sub3A_120, %dot_general3A_71 : vector<128x2560xi1>, vector<128x2560xf32>
    %mul3A_121 = arith.constant 1.000000e+00 : f32
    %mul3A_122 = vector.broadcast %mul3A_121 : f32 to vector<128x2560xf32>
    %mul3A_123 = arith.mulf %mul3A_122, %select_n3A : vector<128x2560xf32>
    %add3A_124 = arith.addf %mul3A_118, %mul3A_123 : vector<128x2560xf32>
    %slice3A_125 = vector.extract_strided_slice %add3A_124 {offsets = [0, 0], sizes = [128, 128], strides = [1, 1]} : vector<128x2560xf32> to vector<128x128xf32>
    %slice3A_126 = vector.extract_strided_slice %add3A_124 {offsets = [0, 128], sizes = [128, 128], strides = [1, 1]} : vector<128x2560xf32> to vector<128x128xf32>
    %add3A_127 = arith.addf %slice3A_125, %slice3A_126 : vector<128x128xf32>
    %slice3A_128 = vector.extract_strided_slice %add3A_124 {offsets = [0, 256], sizes = [128, 128], strides = [1, 1]} : vector<128x2560xf32> to vector<128x128xf32>
    %add3A_129 = arith.addf %add3A_127, %slice3A_128 : vector<128x128xf32>
    %slice3A_130 = vector.extract_strided_slice %add3A_124 {offsets = [0, 384], sizes = [128, 128], strides = [1, 1]} : vector<128x2560xf32> to vector<128x128xf32>
    %add3A_131 = arith.addf %add3A_129, %slice3A_130 : vector<128x128xf32>
    %slice3A_132 = vector.extract_strided_slice %add3A_124 {offsets = [0, 512], sizes = [128, 128], strides = [1, 1]} : vector<128x2560xf32> to vector<128x128xf32>
    %add3A_133 = arith.addf %add3A_131, %slice3A_132 : vector<128x128xf32>
    %slice3A_134 = vector.extract_strided_slice %add3A_124 {offsets = [0, 640], sizes = [128, 128], strides = [1, 1]} : vector<128x2560xf32> to vector<128x128xf32>
    %add3A_135 = arith.addf %add3A_133, %slice3A_134 : vector<128x128xf32>
    %slice3A_136 = vector.extract_strided_slice %add3A_124 {offsets = [0, 768], sizes = [128, 128], strides = [1, 1]} : vector<128x2560xf32> to vector<128x128xf32>
    %add3A_137 = arith.addf %add3A_135, %slice3A_136 : vector<128x128xf32>
    %slice3A_138 = vector.extract_strided_slice %add3A_124 {offsets = [0, 896], sizes = [128, 128], strides = [1, 1]} : vector<128x2560xf32> to vector<128x128xf32>
    %add3A_139 = arith.addf %add3A_137, %slice3A_138 : vector<128x128xf32>
    %slice3A_140 = vector.extract_strided_slice %add3A_124 {offsets = [0, 1024], sizes = [128, 128], strides = [1, 1]} : vector<128x2560xf32> to vector<128x128xf32>
    %add3A_141 = arith.addf %add3A_139, %slice3A_140 : vector<128x128xf32>
    %slice3A_142 = vector.extract_strided_slice %add3A_124 {offsets = [0, 1152], sizes = [128, 128], strides = [1, 1]} : vector<128x2560xf32> to vector<128x128xf32>
    %add3A_143 = arith.addf %add3A_141, %slice3A_142 : vector<128x128xf32>
    %slice3A_144 = vector.extract_strided_slice %add3A_124 {offsets = [0, 1280], sizes = [128, 128], strides = [1, 1]} : vector<128x2560xf32> to vector<128x128xf32>
    %add3A_145 = arith.addf %add3A_143, %slice3A_144 : vector<128x128xf32>
    %slice3A_146 = vector.extract_strided_slice %add3A_124 {offsets = [0, 1408], sizes = [128, 128], strides = [1, 1]} : vector<128x2560xf32> to vector<128x128xf32>
    %add3A_147 = arith.addf %add3A_145, %slice3A_146 : vector<128x128xf32>
    %slice3A_148 = vector.extract_strided_slice %add3A_124 {offsets = [0, 1536], sizes = [128, 128], strides = [1, 1]} : vector<128x2560xf32> to vector<128x128xf32>
    %add3A_149 = arith.addf %add3A_147, %slice3A_148 : vector<128x128xf32>
    %slice3A_150 = vector.extract_strided_slice %add3A_124 {offsets = [0, 1664], sizes = [128, 128], strides = [1, 1]} : vector<128x2560xf32> to vector<128x128xf32>
    %add3A_151 = arith.addf %add3A_149, %slice3A_150 : vector<128x128xf32>
    %slice3A_152 = vector.extract_strided_slice %add3A_124 {offsets = [0, 1792], sizes = [128, 128], strides = [1, 1]} : vector<128x2560xf32> to vector<128x128xf32>
    %add3A_153 = arith.addf %add3A_151, %slice3A_152 : vector<128x128xf32>
    %slice3A_154 = vector.extract_strided_slice %add3A_124 {offsets = [0, 1920], sizes = [128, 128], strides = [1, 1]} : vector<128x2560xf32> to vector<128x128xf32>
    %add3A_155 = arith.addf %add3A_153, %slice3A_154 : vector<128x128xf32>
    %slice3A_156 = vector.extract_strided_slice %add3A_124 {offsets = [0, 2048], sizes = [128, 128], strides = [1, 1]} : vector<128x2560xf32> to vector<128x128xf32>
    %add3A_157 = arith.addf %add3A_155, %slice3A_156 : vector<128x128xf32>
    %slice3A_158 = vector.extract_strided_slice %add3A_124 {offsets = [0, 2176], sizes = [128, 128], strides = [1, 1]} : vector<128x2560xf32> to vector<128x128xf32>
    %add3A_159 = arith.addf %add3A_157, %slice3A_158 : vector<128x128xf32>
    %slice3A_160 = vector.extract_strided_slice %add3A_124 {offsets = [0, 2304], sizes = [128, 128], strides = [1, 1]} : vector<128x2560xf32> to vector<128x128xf32>
    %add3A_161 = arith.addf %add3A_159, %slice3A_160 : vector<128x128xf32>
    %slice3A_162 = vector.extract_strided_slice %add3A_124 {offsets = [0, 2432], sizes = [128, 128], strides = [1, 1]} : vector<128x2560xf32> to vector<128x128xf32>
    %add3A_163 = arith.addf %add3A_161, %slice3A_162 : vector<128x128xf32>
    %mul3A_164 = arith.constant 5.000000e-02 : f32
    %mul3A_165 = vector.broadcast %mul3A_164 : f32 to vector<128x128xf32>
    %mul3A_166 = arith.mulf %add3A_163, %mul3A_165 : vector<128x128xf32>
    %mul3A_167 = arith.constant 0.000000e+00 : f32
    %mul3A_168 = vector.broadcast %mul3A_167 : f32 to vector<128x2560xf32>
    %mul3A_169 = arith.mulf %mul3A_168, %dot_general3A_83 : vector<128x2560xf32>
    %mul3A_170 = arith.mulf %div3A, %dot_general3A_88 : vector<128x2560xf32>
    %sub3A_171 = arith.subf %dot_general3A_83, %mul3A_170 : vector<128x2560xf32>
    %select_n3A_172 = arith.select %lt3A_112, %sub3A_171, %dot_general3A_83 : vector<128x2560xi1>, vector<128x2560xf32>
    %mul3A_173 = arith.constant 1.000000e+00 : f32
    %mul3A_174 = vector.broadcast %mul3A_173 : f32 to vector<128x2560xf32>
    %mul3A_175 = arith.mulf %mul3A_174, %select_n3A_172 : vector<128x2560xf32>
    %add3A_176 = arith.addf %mul3A_169, %mul3A_175 : vector<128x2560xf32>
    %slice3A_177 = vector.extract_strided_slice %add3A_176 {offsets = [0, 0], sizes = [128, 128], strides = [1, 1]} : vector<128x2560xf32> to vector<128x128xf32>
    %slice3A_178 = vector.extract_strided_slice %add3A_176 {offsets = [0, 128], sizes = [128, 128], strides = [1, 1]} : vector<128x2560xf32> to vector<128x128xf32>
    %add3A_179 = arith.addf %slice3A_177, %slice3A_178 : vector<128x128xf32>
    %slice3A_180 = vector.extract_strided_slice %add3A_176 {offsets = [0, 256], sizes = [128, 128], strides = [1, 1]} : vector<128x2560xf32> to vector<128x128xf32>
    %add3A_181 = arith.addf %add3A_179, %slice3A_180 : vector<128x128xf32>
    %slice3A_182 = vector.extract_strided_slice %add3A_176 {offsets = [0, 384], sizes = [128, 128], strides = [1, 1]} : vector<128x2560xf32> to vector<128x128xf32>
    %add3A_183 = arith.addf %add3A_181, %slice3A_182 : vector<128x128xf32>
    %slice3A_184 = vector.extract_strided_slice %add3A_176 {offsets = [0, 512], sizes = [128, 128], strides = [1, 1]} : vector<128x2560xf32> to vector<128x128xf32>
    %add3A_185 = arith.addf %add3A_183, %slice3A_184 : vector<128x128xf32>
    %slice3A_186 = vector.extract_strided_slice %add3A_176 {offsets = [0, 640], sizes = [128, 128], strides = [1, 1]} : vector<128x2560xf32> to vector<128x128xf32>
    %add3A_187 = arith.addf %add3A_185, %slice3A_186 : vector<128x128xf32>
    %slice3A_188 = vector.extract_strided_slice %add3A_176 {offsets = [0, 768], sizes = [128, 128], strides = [1, 1]} : vector<128x2560xf32> to vector<128x128xf32>
    %add3A_189 = arith.addf %add3A_187, %slice3A_188 : vector<128x128xf32>
    %slice3A_190 = vector.extract_strided_slice %add3A_176 {offsets = [0, 896], sizes = [128, 128], strides = [1, 1]} : vector<128x2560xf32> to vector<128x128xf32>
    %add3A_191 = arith.addf %add3A_189, %slice3A_190 : vector<128x128xf32>
    %slice3A_192 = vector.extract_strided_slice %add3A_176 {offsets = [0, 1024], sizes = [128, 128], strides = [1, 1]} : vector<128x2560xf32> to vector<128x128xf32>
    %add3A_193 = arith.addf %add3A_191, %slice3A_192 : vector<128x128xf32>
    %slice3A_194 = vector.extract_strided_slice %add3A_176 {offsets = [0, 1152], sizes = [128, 128], strides = [1, 1]} : vector<128x2560xf32> to vector<128x128xf32>
    %add3A_195 = arith.addf %add3A_193, %slice3A_194 : vector<128x128xf32>
    %slice3A_196 = vector.extract_strided_slice %add3A_176 {offsets = [0, 1280], sizes = [128, 128], strides = [1, 1]} : vector<128x2560xf32> to vector<128x128xf32>
    %add3A_197 = arith.addf %add3A_195, %slice3A_196 : vector<128x128xf32>
    %slice3A_198 = vector.extract_strided_slice %add3A_176 {offsets = [0, 1408], sizes = [128, 128], strides = [1, 1]} : vector<128x2560xf32> to vector<128x128xf32>
    %add3A_199 = arith.addf %add3A_197, %slice3A_198 : vector<128x128xf32>
    %slice3A_200 = vector.extract_strided_slice %add3A_176 {offsets = [0, 1536], sizes = [128, 128], strides = [1, 1]} : vector<128x2560xf32> to vector<128x128xf32>
    %add3A_201 = arith.addf %add3A_199, %slice3A_200 : vector<128x128xf32>
    %slice3A_202 = vector.extract_strided_slice %add3A_176 {offsets = [0, 1664], sizes = [128, 128], strides = [1, 1]} : vector<128x2560xf32> to vector<128x128xf32>
    %add3A_203 = arith.addf %add3A_201, %slice3A_202 : vector<128x128xf32>
    %slice3A_204 = vector.extract_strided_slice %add3A_176 {offsets = [0, 1792], sizes = [128, 128], strides = [1, 1]} : vector<128x2560xf32> to vector<128x128xf32>
    %add3A_205 = arith.addf %add3A_203, %slice3A_204 : vector<128x128xf32>
    %slice3A_206 = vector.extract_strided_slice %add3A_176 {offsets = [0, 1920], sizes = [128, 128], strides = [1, 1]} : vector<128x2560xf32> to vector<128x128xf32>
    %add3A_207 = arith.addf %add3A_205, %slice3A_206 : vector<128x128xf32>
    %slice3A_208 = vector.extract_strided_slice %add3A_176 {offsets = [0, 2048], sizes = [128, 128], strides = [1, 1]} : vector<128x2560xf32> to vector<128x128xf32>
    %add3A_209 = arith.addf %add3A_207, %slice3A_208 : vector<128x128xf32>
    %slice3A_210 = vector.extract_strided_slice %add3A_176 {offsets = [0, 2176], sizes = [128, 128], strides = [1, 1]} : vector<128x2560xf32> to vector<128x128xf32>
    %add3A_211 = arith.addf %add3A_209, %slice3A_210 : vector<128x128xf32>
    %slice3A_212 = vector.extract_strided_slice %add3A_176 {offsets = [0, 2304], sizes = [128, 128], strides = [1, 1]} : vector<128x2560xf32> to vector<128x128xf32>
    %add3A_213 = arith.addf %add3A_211, %slice3A_212 : vector<128x128xf32>
    %slice3A_214 = vector.extract_strided_slice %add3A_176 {offsets = [0, 2432], sizes = [128, 128], strides = [1, 1]} : vector<128x2560xf32> to vector<128x128xf32>
    %add3A_215 = arith.addf %add3A_213, %slice3A_214 : vector<128x128xf32>
    %mul3A_216 = arith.constant 5.000000e-02 : f32
    %mul3A_217 = vector.broadcast %mul3A_216 : f32 to vector<128x128xf32>
    %mul3A_218 = arith.mulf %add3A_215, %mul3A_217 : vector<128x128xf32>
    %mul3A_219 = arith.constant 0.000000e+00 : f32
    %mul3A_220 = vector.broadcast %mul3A_219 : f32 to vector<128x2560xf32>
    %mul3A_221 = arith.mulf %mul3A_220, %dot_general3A_95 : vector<128x2560xf32>
    %mul3A_222 = arith.mulf %div3A, %dot_general3A_100 : vector<128x2560xf32>
    %sub3A_223 = arith.subf %dot_general3A_95, %mul3A_222 : vector<128x2560xf32>
    %select_n3A_224 = arith.select %lt3A_112, %sub3A_223, %dot_general3A_95 : vector<128x2560xi1>, vector<128x2560xf32>
    %mul3A_225 = arith.constant 1.000000e+00 : f32
    %mul3A_226 = vector.broadcast %mul3A_225 : f32 to vector<128x2560xf32>
    %mul3A_227 = arith.mulf %mul3A_226, %select_n3A_224 : vector<128x2560xf32>
    %add3A_228 = arith.addf %mul3A_221, %mul3A_227 : vector<128x2560xf32>
    %slice3A_229 = vector.extract_strided_slice %add3A_228 {offsets = [0, 0], sizes = [128, 128], strides = [1, 1]} : vector<128x2560xf32> to vector<128x128xf32>
    %slice3A_230 = vector.extract_strided_slice %add3A_228 {offsets = [0, 128], sizes = [128, 128], strides = [1, 1]} : vector<128x2560xf32> to vector<128x128xf32>
    %add3A_231 = arith.addf %slice3A_229, %slice3A_230 : vector<128x128xf32>
    %slice3A_232 = vector.extract_strided_slice %add3A_228 {offsets = [0, 256], sizes = [128, 128], strides = [1, 1]} : vector<128x2560xf32> to vector<128x128xf32>
    %add3A_233 = arith.addf %add3A_231, %slice3A_232 : vector<128x128xf32>
    %slice3A_234 = vector.extract_strided_slice %add3A_228 {offsets = [0, 384], sizes = [128, 128], strides = [1, 1]} : vector<128x2560xf32> to vector<128x128xf32>
    %add3A_235 = arith.addf %add3A_233, %slice3A_234 : vector<128x128xf32>
    %slice3A_236 = vector.extract_strided_slice %add3A_228 {offsets = [0, 512], sizes = [128, 128], strides = [1, 1]} : vector<128x2560xf32> to vector<128x128xf32>
    %add3A_237 = arith.addf %add3A_235, %slice3A_236 : vector<128x128xf32>
    %slice3A_238 = vector.extract_strided_slice %add3A_228 {offsets = [0, 640], sizes = [128, 128], strides = [1, 1]} : vector<128x2560xf32> to vector<128x128xf32>
    %add3A_239 = arith.addf %add3A_237, %slice3A_238 : vector<128x128xf32>
    %slice3A_240 = vector.extract_strided_slice %add3A_228 {offsets = [0, 768], sizes = [128, 128], strides = [1, 1]} : vector<128x2560xf32> to vector<128x128xf32>
    %add3A_241 = arith.addf %add3A_239, %slice3A_240 : vector<128x128xf32>
    %slice3A_242 = vector.extract_strided_slice %add3A_228 {offsets = [0, 896], sizes = [128, 128], strides = [1, 1]} : vector<128x2560xf32> to vector<128x128xf32>
    %add3A_243 = arith.addf %add3A_241, %slice3A_242 : vector<128x128xf32>
    %slice3A_244 = vector.extract_strided_slice %add3A_228 {offsets = [0, 1024], sizes = [128, 128], strides = [1, 1]} : vector<128x2560xf32> to vector<128x128xf32>
    %add3A_245 = arith.addf %add3A_243, %slice3A_244 : vector<128x128xf32>
    %slice3A_246 = vector.extract_strided_slice %add3A_228 {offsets = [0, 1152], sizes = [128, 128], strides = [1, 1]} : vector<128x2560xf32> to vector<128x128xf32>
    %add3A_247 = arith.addf %add3A_245, %slice3A_246 : vector<128x128xf32>
    %slice3A_248 = vector.extract_strided_slice %add3A_228 {offsets = [0, 1280], sizes = [128, 128], strides = [1, 1]} : vector<128x2560xf32> to vector<128x128xf32>
    %add3A_249 = arith.addf %add3A_247, %slice3A_248 : vector<128x128xf32>
    %slice3A_250 = vector.extract_strided_slice %add3A_228 {offsets = [0, 1408], sizes = [128, 128], strides = [1, 1]} : vector<128x2560xf32> to vector<128x128xf32>
    %add3A_251 = arith.addf %add3A_249, %slice3A_250 : vector<128x128xf32>
    %slice3A_252 = vector.extract_strided_slice %add3A_228 {offsets = [0, 1536], sizes = [128, 128], strides = [1, 1]} : vector<128x2560xf32> to vector<128x128xf32>
    %add3A_253 = arith.addf %add3A_251, %slice3A_252 : vector<128x128xf32>
    %slice3A_254 = vector.extract_strided_slice %add3A_228 {offsets = [0, 1664], sizes = [128, 128], strides = [1, 1]} : vector<128x2560xf32> to vector<128x128xf32>
    %add3A_255 = arith.addf %add3A_253, %slice3A_254 : vector<128x128xf32>
    %slice3A_256 = vector.extract_strided_slice %add3A_228 {offsets = [0, 1792], sizes = [128, 128], strides = [1, 1]} : vector<128x2560xf32> to vector<128x128xf32>
    %add3A_257 = arith.addf %add3A_255, %slice3A_256 : vector<128x128xf32>
    %slice3A_258 = vector.extract_strided_slice %add3A_228 {offsets = [0, 1920], sizes = [128, 128], strides = [1, 1]} : vector<128x2560xf32> to vector<128x128xf32>
    %add3A_259 = arith.addf %add3A_257, %slice3A_258 : vector<128x128xf32>
    %slice3A_260 = vector.extract_strided_slice %add3A_228 {offsets = [0, 2048], sizes = [128, 128], strides = [1, 1]} : vector<128x2560xf32> to vector<128x128xf32>
    %add3A_261 = arith.addf %add3A_259, %slice3A_260 : vector<128x128xf32>
    %slice3A_262 = vector.extract_strided_slice %add3A_228 {offsets = [0, 2176], sizes = [128, 128], strides = [1, 1]} : vector<128x2560xf32> to vector<128x128xf32>
    %add3A_263 = arith.addf %add3A_261, %slice3A_262 : vector<128x128xf32>
    %slice3A_264 = vector.extract_strided_slice %add3A_228 {offsets = [0, 2304], sizes = [128, 128], strides = [1, 1]} : vector<128x2560xf32> to vector<128x128xf32>
    %add3A_265 = arith.addf %add3A_263, %slice3A_264 : vector<128x128xf32>
    %slice3A_266 = vector.extract_strided_slice %add3A_228 {offsets = [0, 2432], sizes = [128, 128], strides = [1, 1]} : vector<128x2560xf32> to vector<128x128xf32>
    %add3A_267 = arith.addf %add3A_265, %slice3A_266 : vector<128x128xf32>
    %mul3A_268 = arith.constant 5.000000e-02 : f32
    %mul3A_269 = vector.broadcast %mul3A_268 : f32 to vector<128x128xf32>
    %mul3A_270 = arith.mulf %add3A_267, %mul3A_269 : vector<128x128xf32>
    %concatenate3A_271 = tpu.concatenate %mul3A_166, %mul3A_218, %mul3A_270 in 0 : vector<128x128xf32>, vector<128x128xf32>, vector<128x128xf32> -> vector<384x128xf32>
    %swap3A = arith.constant 0 : index
    %swap3A_272 = arith.constant 0 : index
    %swap3A_273 = arith.constant 0 : index
    %swap3A_274 = vector.load %arg9[%swap3A, %swap3A_272, %swap3A_273] : memref<1x384x128xf32, #tpu.memory_space<vmem>>, vector<1x384x128xf32>
    %swap3A_275 = vector.shape_cast %swap3A_274 : vector<1x384x128xf32> to vector<384x128xf32>
    %swap3A_276 = vector.shape_cast %concatenate3A_271 : vector<384x128xf32> to vector<1x384x128xf32>
    tpu.vector_store %arg9[%swap3A, %swap3A_272, %swap3A_273], %swap3A_276 {strides = array<i32>} : memref<1x384x128xf32, #tpu.memory_space<vmem>>, vector<1x384x128xf32>,
    %transpose3A = tpu.transpose %concatenate3A_271, [1, 0] : vector<384x128xf32> -> vector<128x384xf32>
    %swap3A_277 = arith.constant 0 : index
    %swap3A_278 = arith.constant 0 : index
    %swap3A_279 = arith.constant 0 : index
    %swap3A_280 = vector.load %arg8[%swap3A_277, %swap3A_278, %swap3A_279] : memref<1x128x384xf32, #tpu.memory_space<vmem>>, vector<1x128x384xf32>
    %swap3A_281 = vector.shape_cast %swap3A_280 : vector<1x128x384xf32> to vector<128x384xf32>
    %swap3A_282 = vector.shape_cast %transpose3A : vector<128x384xf32> to vector<1x128x384xf32>
    tpu.vector_store %arg8[%swap3A_277, %swap3A_278, %swap3A_279], %swap3A_282 {strides = array<i32>} : memref<1x128x384xf32, #tpu.memory_space<vmem>>, vector<1x128x384xf32>,
    %stack3A = vector.shape_cast %mul3A_166 : vector<128x128xf32> to vector<128x1x128xf32>
    %stack3A_283 = vector.shape_cast %mul3A_218 : vector<128x128xf32> to vector<128x1x128xf32>
    %stack3A_284 = vector.shape_cast %mul3A_270 : vector<128x128xf32> to vector<128x1x128xf32>
    %stack3A_285 = tpu.concatenate %stack3A, %stack3A_283, %stack3A_284 in 1 : vector<128x1x128xf32>, vector<128x1x128xf32>, vector<128x1x128xf32> -> vector<128x3x128xf32>
    %reshape3A = vector.shape_cast %stack3A_285 : vector<128x3x128xf32> to vector<384x128xf32>
    %slice3A_286 = vector.extract_strided_slice %reshape3A {offsets = [0, 0], sizes = [256, 128], strides = [1, 1]} : vector<384x128xf32> to vector<256x128xf32>
    %swap3A_287 = arith.constant 0 : index
    %swap3A_288 = arith.constant 0 : index
    %swap3A_289 = arith.constant 0 : index
    %swap3A_290 = vector.load %arg11[%swap3A_287, %swap3A_288, %swap3A_289] : memref<1x256x128xf32, #tpu.memory_space<vmem>>, vector<1x256x128xf32>
    %swap3A_291 = vector.shape_cast %swap3A_290 : vector<1x256x128xf32> to vector<256x128xf32>
    %swap3A_292 = vector.shape_cast %slice3A_286 : vector<256x128xf32> to vector<1x256x128xf32>
    tpu.vector_store %arg11[%swap3A_287, %swap3A_288, %swap3A_289], %swap3A_292 {strides = array<i32>} : memref<1x256x128xf32, #tpu.memory_space<vmem>>, vector<1x256x128xf32>,
    %transpose3A_293 = tpu.transpose %slice3A_286, [1, 0] : vector<256x128xf32> -> vector<128x256xf32>
    %swap3A_294 = arith.constant 0 : index
    %swap3A_295 = arith.constant 0 : index
    %swap3A_296 = arith.constant 0 : index
    %swap3A_297 = vector.load %arg10[%swap3A_294, %swap3A_295, %swap3A_296] : memref<1x128x256xf32, #tpu.memory_space<vmem>>, vector<1x128x256xf32>
    %swap3A_298 = vector.shape_cast %swap3A_297 : vector<1x128x256xf32> to vector<128x256xf32>
    %swap3A_299 = vector.shape_cast %transpose3A_293 : vector<128x256xf32> to vector<1x128x256xf32>
    tpu.vector_store %arg10[%swap3A_294, %swap3A_295, %swap3A_296], %swap3A_299 {strides = array<i32>} : memref<1x128x256xf32, #tpu.memory_space<vmem>>, vector<1x128x256xf32>,
    return
  }
  func.func @transform_0(%arg0: i32, %arg1: i32) -> (i32, i32, i32) {
    %c0_i32 = arith.constant 0 : i32
    %c0_i32_0 = arith.constant 0 : i32
    %c0_i32_1 = arith.constant 0 : i32
    return %arg0, %c0_i32, %c0_i32_0 : i32, i32, i32
  }
  func.func @transform_1(%arg0: i32, %arg1: i32) -> (i32, i32, i32) {
    %c0_i32 = arith.constant 0 : i32
    %c0_i32_0 = arith.constant 0 : i32
    %c0_i32_1 = arith.constant 0 : i32
    return %arg0, %c0_i32, %c0_i32_0 : i32, i32, i32
  }
  func.func @transform_2(%arg0: i32, %arg1: i32) -> (i32, i32, i32) {
    %c0_i32 = arith.constant 0 : i32
    %c0_i32_0 = arith.constant 0 : i32
    %c0_i32_1 = arith.constant 0 : i32
    return %arg0, %c0_i32, %c0_i32_0 : i32, i32, i32
  }
  func.func @transform_3(%arg0: i32, %arg1: i32) -> (i32, i32, i32) {
    %c0_i32 = arith.constant 0 : i32
    %c0_i32_0 = arith.constant 0 : i32
    %c0_i32_1 = arith.constant 0 : i32
    return %arg0, %c0_i32, %c0_i32_0 : i32, i32, i32
  }
  func.func @transform_4(%arg0: i32, %arg1: i32) -> (i32, i32) {
    %c0_i32 = arith.constant 0 : i32
    %c0_i32_0 = arith.constant 0 : i32
    %c0_i32_1 = arith.constant 0 : i32
    return %c0_i32, %c0_i32_0 : i32, i32
  }
  func.func @transform_5(%arg0: i32, %arg1: i32) -> (i32, i32) {
    %c0_i32 = arith.constant 0 : i32
    %c0_i32_0 = arith.constant 0 : i32
    %c0_i32_1 = arith.constant 0 : i32
    return %c0_i32, %c0_i32_0 : i32, i32
  }
  func.func @transform_6(%arg0: i32, %arg1: i32) -> (i32, i32, i32) {
    %c0_i32 = arith.constant 0 : i32
    %c0_i32_0 = arith.constant 0 : i32
    return %arg0, %arg1, %c0_i32 : i32, i32, i32
  }
  func.func @transform_7(%arg0: i32, %arg1: i32) -> (i32, i32, i32) {
    %c0_i32 = arith.constant 0 : i32
    %c0_i32_0 = arith.constant 0 : i32
    return %arg0, %c0_i32, %arg1 : i32, i32, i32
  }
  func.func @transform_8(%arg0: i32, %arg1: i32) -> (i32, i32, i32) {
    %c0_i32 = arith.constant 0 : i32
    %c0_i32_0 = arith.constant 0 : i32
    return %arg0, %arg1, %c0_i32 : i32, i32, i32
  }
  func.func @transform_9(%arg0: i32, %arg1: i32) -> (i32, i32, i32) {
    %c0_i32 = arith.constant 0 : i32
    %c0_i32_0 = arith.constant 0 : i32
    return %arg0, %c0_i32, %arg1 : i32, i32, i32
  }
}

module attributes {stable_mosaic.version = 14 : i64} {
  func.func @_tail_kernel(%arg0: i32, %arg1: i32, %arg2: memref<1x96x1024xf32, #tpu.memory_space<vmem>>, %arg3: memref<1x96x1024xf32, #tpu.memory_space<vmem>>, %arg4: memref<1x192x1024xf32, #tpu.memory_space<vmem>>, %arg5: memref<1x384x1024xf32, #tpu.memory_space<vmem>>, %arg6: memref<176x256xf32, #tpu.memory_space<vmem>>, %arg7: memref<8x256xf32, #tpu.memory_space<vmem>>, %arg8: memref<176x352xf32, #tpu.memory_space<vmem>>, %arg9: memref<176x352xf32, #tpu.memory_space<vmem>>, %arg10: memref<88x176xf32, #tpu.memory_space<vmem>>, %arg11: memref<88x176xf32, #tpu.memory_space<vmem>>, %arg12: memref<8x88xf32, #tpu.memory_space<vmem>>, %arg13: memref<1020x1056xf32, #tpu.memory_space<vmem>>, %arg14: memref<1020x1020xf32, #tpu.memory_space<vmem>>, %arg15: memref<640x1020xf32, #tpu.memory_space<vmem>>, %arg16: memref<1x1x640xf32, #tpu.memory_space<vmem>>, %arg17: memref<1x640x1024xf32, #tpu.memory_space<vmem>>, %arg18: memref<1x176x128xf32, #tpu.memory_space<vmem>>, %arg19: memref<1020x1024xf32, #tpu.memory_space<vmem>>) attributes {dimension_semantics = [#tpu.dimension_semantics<arbitrary>, #tpu.dimension_semantics<arbitrary>], iteration_bounds = array<i64: 2, 17>, scalar_prefetch = 0 : i64, scratch_operands = 1 : i64, tpu.core_type = #tpu.core_type<tc>, window_params = [{transform_indices = @transform_0, window_bounds = array<i64: 1, 96, 1024>}, {transform_indices = @transform_1, window_bounds = array<i64: 1, 96, 1024>}, {transform_indices = @transform_2, window_bounds = array<i64: 1, 192, 1024>}, {transform_indices = @transform_3, window_bounds = array<i64: 1, 384, 1024>}, {pipeline_mode = #tpu.pipeline_mode<synchronous>, transform_indices = @transform_4, window_bounds = array<i64: 176, 256>}, {pipeline_mode = #tpu.pipeline_mode<synchronous>, transform_indices = @transform_5, window_bounds = array<i64: 8, 256>}, {pipeline_mode = #tpu.pipeline_mode<synchronous>, transform_indices = @transform_6, window_bounds = array<i64: 176, 352>}, {pipeline_mode = #tpu.pipeline_mode<synchronous>, transform_indices = @transform_7, window_bounds = array<i64: 176, 352>}, {pipeline_mode = #tpu.pipeline_mode<synchronous>, transform_indices = @transform_8, window_bounds = array<i64: 88, 176>}, {pipeline_mode = #tpu.pipeline_mode<synchronous>, transform_indices = @transform_9, window_bounds = array<i64: 88, 176>}, {pipeline_mode = #tpu.pipeline_mode<synchronous>, transform_indices = @transform_10, window_bounds = array<i64: 8, 88>}, {pipeline_mode = #tpu.pipeline_mode<synchronous>, transform_indices = @transform_11, window_bounds = array<i64: 1020, 1056>}, {pipeline_mode = #tpu.pipeline_mode<synchronous>, transform_indices = @transform_12, window_bounds = array<i64: 1020, 1020>}, {transform_indices = @transform_13, window_bounds = array<i64: 640, 1020>}, {transform_indices = @transform_14, window_bounds = array<i64: 1, 1, 640>}, {transform_indices = @transform_15, window_bounds = array<i64: 1, 640, 1024>}, {transform_indices = @transform_16, window_bounds = array<i64: 1, 176, 128>}]} {
    %eq3A = arith.constant 0 : i32
    %eq3A_0 = arith.cmpi eq, %arg1, %eq3A : i32
    %convert_element_type3A = arith.extui %eq3A_0 : i1 to i32
    %cond3A = arith.constant 0 : i32
    %cond3A_1 = arith.cmpi ne, %convert_element_type3A, %cond3A : i32
    scf.if %cond3A_1 {
      %get3A_19 = arith.constant 0 : index
      %get3A_20 = arith.constant 0 : index
      %get3A_21 = arith.constant 0 : index
      %get3A_22 = vector.load %arg2[%get3A_19, %get3A_20, %get3A_21] : memref<1x96x1024xf32, #tpu.memory_space<vmem>>, vector<1x32x1024xf32>
      %get3A_23 = vector.shape_cast %get3A_22 : vector<1x32x1024xf32> to vector<32x1024xf32>
      %get3A_24 = arith.constant 0 : index
      %get3A_25 = arith.constant 0 : index
      %get3A_26 = arith.constant 0 : index
      %get3A_27 = vector.load %arg3[%get3A_24, %get3A_25, %get3A_26] : memref<1x96x1024xf32, #tpu.memory_space<vmem>>, vector<1x32x1024xf32>
      %get3A_28 = vector.shape_cast %get3A_27 : vector<1x32x1024xf32> to vector<32x1024xf32>
      %get3A_29 = arith.constant 0 : index
      %get3A_30 = arith.constant 0 : index
      %get3A_31 = arith.constant 0 : index
      %get3A_32 = vector.load %arg4[%get3A_29, %get3A_30, %get3A_31] : memref<1x192x1024xf32, #tpu.memory_space<vmem>>, vector<1x64x1024xf32>
      %get3A_33 = vector.shape_cast %get3A_32 : vector<1x64x1024xf32> to vector<64x1024xf32>
      %get3A_34 = arith.constant 0 : index
      %get3A_35 = arith.constant 0 : index
      %get3A_36 = arith.constant 0 : index
      %get3A_37 = vector.load %arg5[%get3A_34, %get3A_35, %get3A_36] : memref<1x384x1024xf32, #tpu.memory_space<vmem>>, vector<1x128x1024xf32>
      %get3A_38 = vector.shape_cast %get3A_37 : vector<1x128x1024xf32> to vector<128x1024xf32>
      %concatenate3A = tpu.concatenate %get3A_23, %get3A_28, %get3A_33, %get3A_38 in 0 : vector<32x1024xf32>, vector<32x1024xf32>, vector<64x1024xf32>, vector<128x1024xf32> -> vector<256x1024xf32>
      %get3A_39 = arith.constant 0 : index
      %get3A_40 = arith.constant 0 : index
      %get3A_41 = vector.load %arg6[%get3A_39, %get3A_40] : memref<176x256xf32, #tpu.memory_space<vmem>>, vector<176x256xf32>
      %dot_general3A_42 = arith.constant dense<0.000000e+00> : vector<176x1024xf32>
      %dot_general3A_43 = tpu.matmul %get3A_41, %concatenate3A, %dot_general3A_42 {dimension_numbers = #tpu.dot_dimension_numbers<[1], [0], [0], [1], [0, 0, 1, 1], [], []>, transpose_lhs_hint = false} : vector<176x256xf32>, vector<256x1024xf32>, vector<176x1024xf32> -> vector<176x1024xf32>
      %get3A_44 = arith.constant 0 : index
      %get3A_45 = arith.constant 0 : index
      %get3A_46 = vector.load %arg7[%get3A_44, %get3A_45] : memref<8x256xf32, #tpu.memory_space<vmem>>, vector<8x256xf32>
      %dot_general3A_47 = arith.constant dense<0.000000e+00> : vector<8x1024xf32>
      %dot_general3A_48 = tpu.matmul %get3A_46, %concatenate3A, %dot_general3A_47 {dimension_numbers = #tpu.dot_dimension_numbers<[1], [0], [0], [1], [0, 0, 1, 1], [], []>, transpose_lhs_hint = false} : vector<8x256xf32>, vector<256x1024xf32>, vector<8x1024xf32> -> vector<8x1024xf32>
      %slice3A = vector.extract_strided_slice %dot_general3A_48 {offsets = [0, 0], sizes = [1, 1024], strides = [1, 1]} : vector<8x1024xf32> to vector<1x1024xf32>
      %get3A_49 = arith.constant 0 : index
      %get3A_50 = arith.constant 32 : index
      %get3A_51 = arith.constant 0 : index
      %get3A_52 = vector.load %arg2[%get3A_49, %get3A_50, %get3A_51] : memref<1x96x1024xf32, #tpu.memory_space<vmem>>, vector<1x32x1024xf32>
      %get3A_53 = vector.shape_cast %get3A_52 : vector<1x32x1024xf32> to vector<32x1024xf32>
      %get3A_54 = arith.constant 0 : index
      %get3A_55 = arith.constant 32 : index
      %get3A_56 = arith.constant 0 : index
      %get3A_57 = vector.load %arg3[%get3A_54, %get3A_55, %get3A_56] : memref<1x96x1024xf32, #tpu.memory_space<vmem>>, vector<1x32x1024xf32>
      %get3A_58 = vector.shape_cast %get3A_57 : vector<1x32x1024xf32> to vector<32x1024xf32>
      %get3A_59 = arith.constant 0 : index
      %get3A_60 = arith.constant 64 : index
      %get3A_61 = arith.constant 0 : index
      %get3A_62 = vector.load %arg4[%get3A_59, %get3A_60, %get3A_61] : memref<1x192x1024xf32, #tpu.memory_space<vmem>>, vector<1x64x1024xf32>
      %get3A_63 = vector.shape_cast %get3A_62 : vector<1x64x1024xf32> to vector<64x1024xf32>
      %get3A_64 = arith.constant 0 : index
      %get3A_65 = arith.constant 128 : index
      %get3A_66 = arith.constant 0 : index
      %get3A_67 = vector.load %arg5[%get3A_64, %get3A_65, %get3A_66] : memref<1x384x1024xf32, #tpu.memory_space<vmem>>, vector<1x128x1024xf32>
      %get3A_68 = vector.shape_cast %get3A_67 : vector<1x128x1024xf32> to vector<128x1024xf32>
      %concatenate3A_69 = tpu.concatenate %get3A_53, %get3A_58, %get3A_63, %get3A_68 in 0 : vector<32x1024xf32>, vector<32x1024xf32>, vector<64x1024xf32>, vector<128x1024xf32> -> vector<256x1024xf32>
      %get3A_70 = arith.constant 0 : index
      %get3A_71 = arith.constant 0 : index
      %get3A_72 = vector.load %arg6[%get3A_70, %get3A_71] : memref<176x256xf32, #tpu.memory_space<vmem>>, vector<176x256xf32>
      %dot_general3A_73 = arith.constant dense<0.000000e+00> : vector<176x1024xf32>
      %dot_general3A_74 = tpu.matmul %get3A_72, %concatenate3A_69, %dot_general3A_73 {dimension_numbers = #tpu.dot_dimension_numbers<[1], [0], [0], [1], [0, 0, 1, 1], [], []>, transpose_lhs_hint = false} : vector<176x256xf32>, vector<256x1024xf32>, vector<176x1024xf32> -> vector<176x1024xf32>
      %get3A_75 = arith.constant 0 : index
      %get3A_76 = arith.constant 0 : index
      %get3A_77 = vector.load %arg7[%get3A_75, %get3A_76] : memref<8x256xf32, #tpu.memory_space<vmem>>, vector<8x256xf32>
      %dot_general3A_78 = arith.constant dense<0.000000e+00> : vector<8x1024xf32>
      %dot_general3A_79 = tpu.matmul %get3A_77, %concatenate3A_69, %dot_general3A_78 {dimension_numbers = #tpu.dot_dimension_numbers<[1], [0], [0], [1], [0, 0, 1, 1], [], []>, transpose_lhs_hint = false} : vector<8x256xf32>, vector<256x1024xf32>, vector<8x1024xf32> -> vector<8x1024xf32>
      %slice3A_80 = vector.extract_strided_slice %dot_general3A_79 {offsets = [0, 0], sizes = [1, 1024], strides = [1, 1]} : vector<8x1024xf32> to vector<1x1024xf32>
      %get3A_81 = arith.constant 0 : index
      %get3A_82 = arith.constant 64 : index
      %get3A_83 = arith.constant 0 : index
      %get3A_84 = vector.load %arg2[%get3A_81, %get3A_82, %get3A_83] : memref<1x96x1024xf32, #tpu.memory_space<vmem>>, vector<1x32x1024xf32>
      %get3A_85 = vector.shape_cast %get3A_84 : vector<1x32x1024xf32> to vector<32x1024xf32>
      %get3A_86 = arith.constant 0 : index
      %get3A_87 = arith.constant 64 : index
      %get3A_88 = arith.constant 0 : index
      %get3A_89 = vector.load %arg3[%get3A_86, %get3A_87, %get3A_88] : memref<1x96x1024xf32, #tpu.memory_space<vmem>>, vector<1x32x1024xf32>
      %get3A_90 = vector.shape_cast %get3A_89 : vector<1x32x1024xf32> to vector<32x1024xf32>
      %get3A_91 = arith.constant 0 : index
      %get3A_92 = arith.constant 128 : index
      %get3A_93 = arith.constant 0 : index
      %get3A_94 = vector.load %arg4[%get3A_91, %get3A_92, %get3A_93] : memref<1x192x1024xf32, #tpu.memory_space<vmem>>, vector<1x64x1024xf32>
      %get3A_95 = vector.shape_cast %get3A_94 : vector<1x64x1024xf32> to vector<64x1024xf32>
      %get3A_96 = arith.constant 0 : index
      %get3A_97 = arith.constant 256 : index
      %get3A_98 = arith.constant 0 : index
      %get3A_99 = vector.load %arg5[%get3A_96, %get3A_97, %get3A_98] : memref<1x384x1024xf32, #tpu.memory_space<vmem>>, vector<1x128x1024xf32>
      %get3A_100 = vector.shape_cast %get3A_99 : vector<1x128x1024xf32> to vector<128x1024xf32>
      %concatenate3A_101 = tpu.concatenate %get3A_85, %get3A_90, %get3A_95, %get3A_100 in 0 : vector<32x1024xf32>, vector<32x1024xf32>, vector<64x1024xf32>, vector<128x1024xf32> -> vector<256x1024xf32>
      %get3A_102 = arith.constant 0 : index
      %get3A_103 = arith.constant 0 : index
      %get3A_104 = vector.load %arg6[%get3A_102, %get3A_103] : memref<176x256xf32, #tpu.memory_space<vmem>>, vector<176x256xf32>
      %dot_general3A_105 = arith.constant dense<0.000000e+00> : vector<176x1024xf32>
      %dot_general3A_106 = tpu.matmul %get3A_104, %concatenate3A_101, %dot_general3A_105 {dimension_numbers = #tpu.dot_dimension_numbers<[1], [0], [0], [1], [0, 0, 1, 1], [], []>, transpose_lhs_hint = false} : vector<176x256xf32>, vector<256x1024xf32>, vector<176x1024xf32> -> vector<176x1024xf32>
      %get3A_107 = arith.constant 0 : index
      %get3A_108 = arith.constant 0 : index
      %get3A_109 = vector.load %arg7[%get3A_107, %get3A_108] : memref<8x256xf32, #tpu.memory_space<vmem>>, vector<8x256xf32>
      %dot_general3A_110 = arith.constant dense<0.000000e+00> : vector<8x1024xf32>
      %dot_general3A_111 = tpu.matmul %get3A_109, %concatenate3A_101, %dot_general3A_110 {dimension_numbers = #tpu.dot_dimension_numbers<[1], [0], [0], [1], [0, 0, 1, 1], [], []>, transpose_lhs_hint = false} : vector<8x256xf32>, vector<256x1024xf32>, vector<8x1024xf32> -> vector<8x1024xf32>
      %slice3A_112 = vector.extract_strided_slice %dot_general3A_111 {offsets = [0, 0], sizes = [1, 1024], strides = [1, 1]} : vector<8x1024xf32> to vector<1x1024xf32>
      %mul3A = vector.broadcast %slice3A : vector<1x1024xf32> to vector<176x1024xf32>
      %mul3A_113 = arith.mulf %dot_general3A_43, %mul3A : vector<176x1024xf32>
      %mul3A_114 = vector.broadcast %slice3A_80 : vector<1x1024xf32> to vector<176x1024xf32>
      %mul3A_115 = arith.mulf %dot_general3A_74, %mul3A_114 : vector<176x1024xf32>
      %add3A_116 = arith.addf %mul3A_113, %mul3A_115 : vector<176x1024xf32>
      %mul3A_117 = vector.broadcast %slice3A_112 : vector<1x1024xf32> to vector<176x1024xf32>
      %mul3A_118 = arith.mulf %dot_general3A_106, %mul3A_117 : vector<176x1024xf32>
      %add3A_119 = arith.addf %add3A_116, %mul3A_118 : vector<176x1024xf32>
      %mul3A_120 = arith.mulf %slice3A, %slice3A : vector<1x1024xf32>
      %mul3A_121 = arith.mulf %slice3A_80, %slice3A_80 : vector<1x1024xf32>
      %add3A_122 = arith.addf %mul3A_120, %mul3A_121 : vector<1x1024xf32>
      %mul3A_123 = arith.mulf %slice3A_112, %slice3A_112 : vector<1x1024xf32>
      %add3A_124 = arith.addf %add3A_122, %mul3A_123 : vector<1x1024xf32>
      %lt3A = arith.constant 0.000000e+00 : f32
      %lt3A_125 = vector.broadcast %lt3A : f32 to vector<176x1024xf32>
      %lt3A_126 = arith.cmpf olt, %add3A_119, %lt3A_125 : vector<176x1024xf32>
      %add3A_127 = arith.constant 9.99999997E-7 : f32
      %add3A_128 = vector.broadcast %add3A_127 : f32 to vector<1x1024xf32>
      %add3A_129 = arith.addf %add3A_124, %add3A_128 : vector<1x1024xf32>
      %div3A = vector.broadcast %add3A_129 : vector<1x1024xf32> to vector<176x1024xf32>
      %div3A_130 = arith.divf %add3A_119, %div3A : vector<176x1024xf32>
      %mul3A_131 = arith.constant 2.000000e-01 : f32
      %mul3A_132 = vector.broadcast %mul3A_131 : f32 to vector<176x1024xf32>
      %mul3A_133 = arith.mulf %mul3A_132, %dot_general3A_43 : vector<176x1024xf32>
      %mul3A_134 = vector.broadcast %slice3A : vector<1x1024xf32> to vector<176x1024xf32>
      %mul3A_135 = arith.mulf %div3A_130, %mul3A_134 : vector<176x1024xf32>
      %sub3A = arith.subf %dot_general3A_43, %mul3A_135 : vector<176x1024xf32>
      %select_n3A = arith.select %lt3A_126, %sub3A, %dot_general3A_43 : vector<176x1024xi1>, vector<176x1024xf32>
      %mul3A_136 = arith.constant 8.000000e-01 : f32
      %mul3A_137 = vector.broadcast %mul3A_136 : f32 to vector<176x1024xf32>
      %mul3A_138 = arith.mulf %mul3A_137, %select_n3A : vector<176x1024xf32>
      %add3A_139 = arith.addf %mul3A_133, %mul3A_138 : vector<176x1024xf32>
      %mul3A_140 = arith.constant 2.000000e-01 : f32
      %mul3A_141 = vector.broadcast %mul3A_140 : f32 to vector<176x1024xf32>
      %mul3A_142 = arith.mulf %mul3A_141, %dot_general3A_74 : vector<176x1024xf32>
      %mul3A_143 = vector.broadcast %slice3A_80 : vector<1x1024xf32> to vector<176x1024xf32>
      %mul3A_144 = arith.mulf %div3A_130, %mul3A_143 : vector<176x1024xf32>
      %sub3A_145 = arith.subf %dot_general3A_74, %mul3A_144 : vector<176x1024xf32>
      %select_n3A_146 = arith.select %lt3A_126, %sub3A_145, %dot_general3A_74 : vector<176x1024xi1>, vector<176x1024xf32>
      %mul3A_147 = arith.constant 8.000000e-01 : f32
      %mul3A_148 = vector.broadcast %mul3A_147 : f32 to vector<176x1024xf32>
      %mul3A_149 = arith.mulf %mul3A_148, %select_n3A_146 : vector<176x1024xf32>
      %add3A_150 = arith.addf %mul3A_142, %mul3A_149 : vector<176x1024xf32>
      %mul3A_151 = arith.constant 2.000000e-01 : f32
      %mul3A_152 = vector.broadcast %mul3A_151 : f32 to vector<176x1024xf32>
      %mul3A_153 = arith.mulf %mul3A_152, %dot_general3A_106 : vector<176x1024xf32>
      %mul3A_154 = vector.broadcast %slice3A_112 : vector<1x1024xf32> to vector<176x1024xf32>
      %mul3A_155 = arith.mulf %div3A_130, %mul3A_154 : vector<176x1024xf32>
      %sub3A_156 = arith.subf %dot_general3A_106, %mul3A_155 : vector<176x1024xf32>
      %select_n3A_157 = arith.select %lt3A_126, %sub3A_156, %dot_general3A_106 : vector<176x1024xi1>, vector<176x1024xf32>
      %mul3A_158 = arith.constant 8.000000e-01 : f32
      %mul3A_159 = vector.broadcast %mul3A_158 : f32 to vector<176x1024xf32>
      %mul3A_160 = arith.mulf %mul3A_159, %select_n3A_157 : vector<176x1024xf32>
      %add3A_161 = arith.addf %mul3A_153, %mul3A_160 : vector<176x1024xf32>
      %reduce_sum3A = arith.constant dense<0.000000e+00> : vector<176xf32>
      %reduce_sum3A_162 = vector.multi_reduction <add>, %add3A_139, %reduce_sum3A [1] : vector<176x1024xf32> to vector<176xf32>
      %broadcast_in_dim3A = vector.shape_cast %reduce_sum3A_162 : vector<176xf32> to vector<176x1xf32>
      %div3A_163 = arith.constant 1.024000e+03 : f32
      %div3A_164 = vector.broadcast %div3A_163 : f32 to vector<176x1xf32>
      %div3A_165 = arith.divf %broadcast_in_dim3A, %div3A_164 : vector<176x1xf32>
      %reduce_sum3A_166 = arith.constant dense<0.000000e+00> : vector<176xf32>
      %reduce_sum3A_167 = vector.multi_reduction <add>, %add3A_150, %reduce_sum3A_166 [1] : vector<176x1024xf32> to vector<176xf32>
      %broadcast_in_dim3A_168 = vector.shape_cast %reduce_sum3A_167 : vector<176xf32> to vector<176x1xf32>
      %div3A_169 = arith.constant 1.024000e+03 : f32
      %div3A_170 = vector.broadcast %div3A_169 : f32 to vector<176x1xf32>
      %div3A_171 = arith.divf %broadcast_in_dim3A_168, %div3A_170 : vector<176x1xf32>
      %reduce_sum3A_172 = arith.constant dense<0.000000e+00> : vector<176xf32>
      %reduce_sum3A_173 = vector.multi_reduction <add>, %add3A_161, %reduce_sum3A_172 [1] : vector<176x1024xf32> to vector<176xf32>
      %broadcast_in_dim3A_174 = vector.shape_cast %reduce_sum3A_173 : vector<176xf32> to vector<176x1xf32>
      %div3A_175 = arith.constant 1.024000e+03 : f32
      %div3A_176 = vector.broadcast %div3A_175 : f32 to vector<176x1xf32>
      %div3A_177 = arith.divf %broadcast_in_dim3A_174, %div3A_176 : vector<176x1xf32>
      %broadcast_in_dim3A_178 = vector.shape_cast %div3A_165 : vector<176x1xf32> to vector<176x1xf32>
      %broadcast_in_dim3A_179 = vector.broadcast %broadcast_in_dim3A_178 : vector<176x1xf32> to vector<176x1024xf32>
      %concatenate3A_180 = tpu.concatenate %add3A_139, %broadcast_in_dim3A_179 in 0 : vector<176x1024xf32>, vector<176x1024xf32> -> vector<352x1024xf32>
      %broadcast_in_dim3A_181 = vector.shape_cast %div3A_171 : vector<176x1xf32> to vector<176x1xf32>
      %broadcast_in_dim3A_182 = vector.broadcast %broadcast_in_dim3A_181 : vector<176x1xf32> to vector<176x1024xf32>
      %concatenate3A_183 = tpu.concatenate %add3A_150, %broadcast_in_dim3A_182 in 0 : vector<176x1024xf32>, vector<176x1024xf32> -> vector<352x1024xf32>
      %broadcast_in_dim3A_184 = vector.shape_cast %div3A_177 : vector<176x1xf32> to vector<176x1xf32>
      %broadcast_in_dim3A_185 = vector.broadcast %broadcast_in_dim3A_184 : vector<176x1xf32> to vector<176x1024xf32>
      %concatenate3A_186 = tpu.concatenate %add3A_161, %broadcast_in_dim3A_185 in 0 : vector<176x1024xf32>, vector<176x1024xf32> -> vector<352x1024xf32>
      %get3A_187 = arith.constant 0 : index
      %get3A_188 = arith.constant 0 : index
      %get3A_189 = vector.load %arg8[%get3A_187, %get3A_188] : memref<176x352xf32, #tpu.memory_space<vmem>>, vector<176x352xf32>
      %dot_general3A_190 = arith.constant dense<0.000000e+00> : vector<176x1024xf32>
      %dot_general3A_191 = tpu.matmul %get3A_189, %concatenate3A_180, %dot_general3A_190 {dimension_numbers = #tpu.dot_dimension_numbers<[1], [0], [0], [1], [0, 0, 1, 1], [], []>, transpose_lhs_hint = false} : vector<176x352xf32>, vector<352x1024xf32>, vector<176x1024xf32> -> vector<176x1024xf32>
      %get3A_192 = arith.constant 0 : index
      %get3A_193 = arith.constant 0 : index
      %get3A_194 = vector.load %arg8[%get3A_192, %get3A_193] : memref<176x352xf32, #tpu.memory_space<vmem>>, vector<176x352xf32>
      %dot_general3A_195 = arith.constant dense<0.000000e+00> : vector<176x1024xf32>
      %dot_general3A_196 = tpu.matmul %get3A_194, %concatenate3A_183, %dot_general3A_195 {dimension_numbers = #tpu.dot_dimension_numbers<[1], [0], [0], [1], [0, 0, 1, 1], [], []>, transpose_lhs_hint = false} : vector<176x352xf32>, vector<352x1024xf32>, vector<176x1024xf32> -> vector<176x1024xf32>
      %get3A_197 = arith.constant 0 : index
      %get3A_198 = arith.constant 0 : index
      %get3A_199 = vector.load %arg8[%get3A_197, %get3A_198] : memref<176x352xf32, #tpu.memory_space<vmem>>, vector<176x352xf32>
      %dot_general3A_200 = arith.constant dense<0.000000e+00> : vector<176x1024xf32>
      %dot_general3A_201 = tpu.matmul %get3A_199, %concatenate3A_186, %dot_general3A_200 {dimension_numbers = #tpu.dot_dimension_numbers<[1], [0], [0], [1], [0, 0, 1, 1], [], []>, transpose_lhs_hint = false} : vector<176x352xf32>, vector<352x1024xf32>, vector<176x1024xf32> -> vector<176x1024xf32>
      %get3A_202 = arith.constant 0 : index
      %get3A_203 = arith.constant 0 : index
      %get3A_204 = vector.load %arg9[%get3A_202, %get3A_203] : memref<176x352xf32, #tpu.memory_space<vmem>>, vector<176x352xf32>
      %dot_general3A_205 = arith.constant dense<0.000000e+00> : vector<176x1024xf32>
      %dot_general3A_206 = tpu.matmul %get3A_204, %concatenate3A_180, %dot_general3A_205 {dimension_numbers = #tpu.dot_dimension_numbers<[1], [0], [0], [1], [0, 0, 1, 1], [], []>, transpose_lhs_hint = false} : vector<176x352xf32>, vector<352x1024xf32>, vector<176x1024xf32> -> vector<176x1024xf32>
      %get3A_207 = arith.constant 0 : index
      %get3A_208 = arith.constant 0 : index
      %get3A_209 = vector.load %arg9[%get3A_207, %get3A_208] : memref<176x352xf32, #tpu.memory_space<vmem>>, vector<176x352xf32>
      %dot_general3A_210 = arith.constant dense<0.000000e+00> : vector<176x1024xf32>
      %dot_general3A_211 = tpu.matmul %get3A_209, %concatenate3A_183, %dot_general3A_210 {dimension_numbers = #tpu.dot_dimension_numbers<[1], [0], [0], [1], [0, 0, 1, 1], [], []>, transpose_lhs_hint = false} : vector<176x352xf32>, vector<352x1024xf32>, vector<176x1024xf32> -> vector<176x1024xf32>
      %get3A_212 = arith.constant 0 : index
      %get3A_213 = arith.constant 0 : index
      %get3A_214 = vector.load %arg9[%get3A_212, %get3A_213] : memref<176x352xf32, #tpu.memory_space<vmem>>, vector<176x352xf32>
      %dot_general3A_215 = arith.constant dense<0.000000e+00> : vector<176x1024xf32>
      %dot_general3A_216 = tpu.matmul %get3A_214, %concatenate3A_186, %dot_general3A_215 {dimension_numbers = #tpu.dot_dimension_numbers<[1], [0], [0], [1], [0, 0, 1, 1], [], []>, transpose_lhs_hint = false} : vector<176x352xf32>, vector<352x1024xf32>, vector<176x1024xf32> -> vector<176x1024xf32>
      %mul3A_217 = arith.mulf %dot_general3A_191, %dot_general3A_206 : vector<176x1024xf32>
      %mul3A_218 = arith.mulf %dot_general3A_196, %dot_general3A_211 : vector<176x1024xf32>
      %add3A_219 = arith.addf %mul3A_217, %mul3A_218 : vector<176x1024xf32>
      %mul3A_220 = arith.mulf %dot_general3A_201, %dot_general3A_216 : vector<176x1024xf32>
      %add3A_221 = arith.addf %add3A_219, %mul3A_220 : vector<176x1024xf32>
      %mul3A_222 = arith.mulf %dot_general3A_206, %dot_general3A_206 : vector<176x1024xf32>
      %mul3A_223 = arith.mulf %dot_general3A_211, %dot_general3A_211 : vector<176x1024xf32>
      %add3A_224 = arith.addf %mul3A_222, %mul3A_223 : vector<176x1024xf32>
      %mul3A_225 = arith.mulf %dot_general3A_216, %dot_general3A_216 : vector<176x1024xf32>
      %add3A_226 = arith.addf %add3A_224, %mul3A_225 : vector<176x1024xf32>
      %lt3A_227 = arith.constant 0.000000e+00 : f32
      %lt3A_228 = vector.broadcast %lt3A_227 : f32 to vector<176x1024xf32>
      %lt3A_229 = arith.cmpf olt, %add3A_221, %lt3A_228 : vector<176x1024xf32>
      %add3A_230 = arith.constant 9.99999997E-7 : f32
      %add3A_231 = vector.broadcast %add3A_230 : f32 to vector<176x1024xf32>
      %add3A_232 = arith.addf %add3A_226, %add3A_231 : vector<176x1024xf32>
      %div3A_233 = arith.divf %add3A_221, %add3A_232 : vector<176x1024xf32>
      %mul3A_234 = arith.constant 2.000000e-01 : f32
      %mul3A_235 = vector.broadcast %mul3A_234 : f32 to vector<176x1024xf32>
      %mul3A_236 = arith.mulf %mul3A_235, %dot_general3A_191 : vector<176x1024xf32>
      %mul3A_237 = arith.mulf %div3A_233, %dot_general3A_206 : vector<176x1024xf32>
      %sub3A_238 = arith.subf %dot_general3A_191, %mul3A_237 : vector<176x1024xf32>
      %select_n3A_239 = arith.select %lt3A_229, %sub3A_238, %dot_general3A_191 : vector<176x1024xi1>, vector<176x1024xf32>
      %mul3A_240 = arith.constant 8.000000e-01 : f32
      %mul3A_241 = vector.broadcast %mul3A_240 : f32 to vector<176x1024xf32>
      %mul3A_242 = arith.mulf %mul3A_241, %select_n3A_239 : vector<176x1024xf32>
      %add3A_243 = arith.addf %mul3A_236, %mul3A_242 : vector<176x1024xf32>
      %mul3A_244 = arith.constant 2.000000e-01 : f32
      %mul3A_245 = vector.broadcast %mul3A_244 : f32 to vector<176x1024xf32>
      %mul3A_246 = arith.mulf %mul3A_245, %dot_general3A_196 : vector<176x1024xf32>
      %mul3A_247 = arith.mulf %div3A_233, %dot_general3A_211 : vector<176x1024xf32>
      %sub3A_248 = arith.subf %dot_general3A_196, %mul3A_247 : vector<176x1024xf32>
      %select_n3A_249 = arith.select %lt3A_229, %sub3A_248, %dot_general3A_196 : vector<176x1024xi1>, vector<176x1024xf32>
      %mul3A_250 = arith.constant 8.000000e-01 : f32
      %mul3A_251 = vector.broadcast %mul3A_250 : f32 to vector<176x1024xf32>
      %mul3A_252 = arith.mulf %mul3A_251, %select_n3A_249 : vector<176x1024xf32>
      %add3A_253 = arith.addf %mul3A_246, %mul3A_252 : vector<176x1024xf32>
      %mul3A_254 = arith.constant 2.000000e-01 : f32
      %mul3A_255 = vector.broadcast %mul3A_254 : f32 to vector<176x1024xf32>
      %mul3A_256 = arith.mulf %mul3A_255, %dot_general3A_201 : vector<176x1024xf32>
      %mul3A_257 = arith.mulf %div3A_233, %dot_general3A_216 : vector<176x1024xf32>
      %sub3A_258 = arith.subf %dot_general3A_201, %mul3A_257 : vector<176x1024xf32>
      %select_n3A_259 = arith.select %lt3A_229, %sub3A_258, %dot_general3A_201 : vector<176x1024xi1>, vector<176x1024xf32>
      %mul3A_260 = arith.constant 8.000000e-01 : f32
      %mul3A_261 = vector.broadcast %mul3A_260 : f32 to vector<176x1024xf32>
      %mul3A_262 = arith.mulf %mul3A_261, %select_n3A_259 : vector<176x1024xf32>
      %add3A_263 = arith.addf %mul3A_256, %mul3A_262 : vector<176x1024xf32>
      %get3A_264 = arith.constant 0 : index
      %get3A_265 = arith.constant 0 : index
      %get3A_266 = vector.load %arg10[%get3A_264, %get3A_265] : memref<88x176xf32, #tpu.memory_space<vmem>>, vector<88x176xf32>
      %dot_general3A_267 = arith.constant dense<0.000000e+00> : vector<88x1024xf32>
      %dot_general3A_268 = tpu.matmul %get3A_266, %add3A_243, %dot_general3A_267 {dimension_numbers = #tpu.dot_dimension_numbers<[1], [0], [0], [1], [0, 0, 1, 1], [], []>, transpose_lhs_hint = false} : vector<88x176xf32>, vector<176x1024xf32>, vector<88x1024xf32> -> vector<88x1024xf32>
      %get3A_269 = arith.constant 0 : index
      %get3A_270 = arith.constant 0 : index
      %get3A_271 = vector.load %arg10[%get3A_269, %get3A_270] : memref<88x176xf32, #tpu.memory_space<vmem>>, vector<88x176xf32>
      %dot_general3A_272 = arith.constant dense<0.000000e+00> : vector<88x1024xf32>
      %dot_general3A_273 = tpu.matmul %get3A_271, %add3A_253, %dot_general3A_272 {dimension_numbers = #tpu.dot_dimension_numbers<[1], [0], [0], [1], [0, 0, 1, 1], [], []>, transpose_lhs_hint = false} : vector<88x176xf32>, vector<176x1024xf32>, vector<88x1024xf32> -> vector<88x1024xf32>
      %get3A_274 = arith.constant 0 : index
      %get3A_275 = arith.constant 0 : index
      %get3A_276 = vector.load %arg10[%get3A_274, %get3A_275] : memref<88x176xf32, #tpu.memory_space<vmem>>, vector<88x176xf32>
      %dot_general3A_277 = arith.constant dense<0.000000e+00> : vector<88x1024xf32>
      %dot_general3A_278 = tpu.matmul %get3A_276, %add3A_263, %dot_general3A_277 {dimension_numbers = #tpu.dot_dimension_numbers<[1], [0], [0], [1], [0, 0, 1, 1], [], []>, transpose_lhs_hint = false} : vector<88x176xf32>, vector<176x1024xf32>, vector<88x1024xf32> -> vector<88x1024xf32>
      %get3A_279 = arith.constant 0 : index
      %get3A_280 = arith.constant 0 : index
      %get3A_281 = vector.load %arg11[%get3A_279, %get3A_280] : memref<88x176xf32, #tpu.memory_space<vmem>>, vector<88x176xf32>
      %dot_general3A_282 = arith.constant dense<0.000000e+00> : vector<88x1024xf32>
      %dot_general3A_283 = tpu.matmul %get3A_281, %add3A_243, %dot_general3A_282 {dimension_numbers = #tpu.dot_dimension_numbers<[1], [0], [0], [1], [0, 0, 1, 1], [], []>, transpose_lhs_hint = false} : vector<88x176xf32>, vector<176x1024xf32>, vector<88x1024xf32> -> vector<88x1024xf32>
      %get3A_284 = arith.constant 0 : index
      %get3A_285 = arith.constant 0 : index
      %get3A_286 = vector.load %arg11[%get3A_284, %get3A_285] : memref<88x176xf32, #tpu.memory_space<vmem>>, vector<88x176xf32>
      %dot_general3A_287 = arith.constant dense<0.000000e+00> : vector<88x1024xf32>
      %dot_general3A_288 = tpu.matmul %get3A_286, %add3A_253, %dot_general3A_287 {dimension_numbers = #tpu.dot_dimension_numbers<[1], [0], [0], [1], [0, 0, 1, 1], [], []>, transpose_lhs_hint = false} : vector<88x176xf32>, vector<176x1024xf32>, vector<88x1024xf32> -> vector<88x1024xf32>
      %get3A_289 = arith.constant 0 : index
      %get3A_290 = arith.constant 0 : index
      %get3A_291 = vector.load %arg11[%get3A_289, %get3A_290] : memref<88x176xf32, #tpu.memory_space<vmem>>, vector<88x176xf32>
      %dot_general3A_292 = arith.constant dense<0.000000e+00> : vector<88x1024xf32>
      %dot_general3A_293 = tpu.matmul %get3A_291, %add3A_263, %dot_general3A_292 {dimension_numbers = #tpu.dot_dimension_numbers<[1], [0], [0], [1], [0, 0, 1, 1], [], []>, transpose_lhs_hint = false} : vector<88x176xf32>, vector<176x1024xf32>, vector<88x1024xf32> -> vector<88x1024xf32>
      %mul3A_294 = arith.mulf %dot_general3A_268, %dot_general3A_283 : vector<88x1024xf32>
      %mul3A_295 = arith.mulf %dot_general3A_273, %dot_general3A_288 : vector<88x1024xf32>
      %add3A_296 = arith.addf %mul3A_294, %mul3A_295 : vector<88x1024xf32>
      %mul3A_297 = arith.mulf %dot_general3A_278, %dot_general3A_293 : vector<88x1024xf32>
      %add3A_298 = arith.addf %add3A_296, %mul3A_297 : vector<88x1024xf32>
      %mul3A_299 = arith.mulf %dot_general3A_283, %dot_general3A_283 : vector<88x1024xf32>
      %mul3A_300 = arith.mulf %dot_general3A_288, %dot_general3A_288 : vector<88x1024xf32>
      %add3A_301 = arith.addf %mul3A_299, %mul3A_300 : vector<88x1024xf32>
      %mul3A_302 = arith.mulf %dot_general3A_293, %dot_general3A_293 : vector<88x1024xf32>
      %add3A_303 = arith.addf %add3A_301, %mul3A_302 : vector<88x1024xf32>
      %lt3A_304 = arith.constant 0.000000e+00 : f32
      %lt3A_305 = vector.broadcast %lt3A_304 : f32 to vector<88x1024xf32>
      %lt3A_306 = arith.cmpf olt, %add3A_298, %lt3A_305 : vector<88x1024xf32>
      %add3A_307 = arith.constant 9.99999997E-7 : f32
      %add3A_308 = vector.broadcast %add3A_307 : f32 to vector<88x1024xf32>
      %add3A_309 = arith.addf %add3A_303, %add3A_308 : vector<88x1024xf32>
      %div3A_310 = arith.divf %add3A_298, %add3A_309 : vector<88x1024xf32>
      %mul3A_311 = arith.constant 2.000000e-01 : f32
      %mul3A_312 = vector.broadcast %mul3A_311 : f32 to vector<88x1024xf32>
      %mul3A_313 = arith.mulf %mul3A_312, %dot_general3A_268 : vector<88x1024xf32>
      %mul3A_314 = arith.mulf %div3A_310, %dot_general3A_283 : vector<88x1024xf32>
      %sub3A_315 = arith.subf %dot_general3A_268, %mul3A_314 : vector<88x1024xf32>
      %select_n3A_316 = arith.select %lt3A_306, %sub3A_315, %dot_general3A_268 : vector<88x1024xi1>, vector<88x1024xf32>
      %mul3A_317 = arith.constant 8.000000e-01 : f32
      %mul3A_318 = vector.broadcast %mul3A_317 : f32 to vector<88x1024xf32>
      %mul3A_319 = arith.mulf %mul3A_318, %select_n3A_316 : vector<88x1024xf32>
      %add3A_320 = arith.addf %mul3A_313, %mul3A_319 : vector<88x1024xf32>
      %mul3A_321 = arith.constant 2.000000e-01 : f32
      %mul3A_322 = vector.broadcast %mul3A_321 : f32 to vector<88x1024xf32>
      %mul3A_323 = arith.mulf %mul3A_322, %dot_general3A_273 : vector<88x1024xf32>
      %mul3A_324 = arith.mulf %div3A_310, %dot_general3A_288 : vector<88x1024xf32>
      %sub3A_325 = arith.subf %dot_general3A_273, %mul3A_324 : vector<88x1024xf32>
      %select_n3A_326 = arith.select %lt3A_306, %sub3A_325, %dot_general3A_273 : vector<88x1024xi1>, vector<88x1024xf32>
      %mul3A_327 = arith.constant 8.000000e-01 : f32
      %mul3A_328 = vector.broadcast %mul3A_327 : f32 to vector<88x1024xf32>
      %mul3A_329 = arith.mulf %mul3A_328, %select_n3A_326 : vector<88x1024xf32>
      %add3A_330 = arith.addf %mul3A_323, %mul3A_329 : vector<88x1024xf32>
      %mul3A_331 = arith.constant 2.000000e-01 : f32
      %mul3A_332 = vector.broadcast %mul3A_331 : f32 to vector<88x1024xf32>
      %mul3A_333 = arith.mulf %mul3A_332, %dot_general3A_278 : vector<88x1024xf32>
      %mul3A_334 = arith.mulf %div3A_310, %dot_general3A_293 : vector<88x1024xf32>
      %sub3A_335 = arith.subf %dot_general3A_278, %mul3A_334 : vector<88x1024xf32>
      %select_n3A_336 = arith.select %lt3A_306, %sub3A_335, %dot_general3A_278 : vector<88x1024xi1>, vector<88x1024xf32>
      %mul3A_337 = arith.constant 8.000000e-01 : f32
      %mul3A_338 = vector.broadcast %mul3A_337 : f32 to vector<88x1024xf32>
      %mul3A_339 = arith.mulf %mul3A_338, %select_n3A_336 : vector<88x1024xf32>
      %add3A_340 = arith.addf %mul3A_333, %mul3A_339 : vector<88x1024xf32>
      %get3A_341 = arith.constant 0 : index
      %get3A_342 = arith.constant 0 : index
      %get3A_343 = vector.load %arg12[%get3A_341, %get3A_342] : memref<8x88xf32, #tpu.memory_space<vmem>>, vector<8x88xf32>
      %dot_general3A_344 = arith.constant dense<0.000000e+00> : vector<8x1024xf32>
      %dot_general3A_345 = tpu.matmul %get3A_343, %add3A_320, %dot_general3A_344 {dimension_numbers = #tpu.dot_dimension_numbers<[1], [0], [0], [1], [0, 0, 1, 1], [], []>, transpose_lhs_hint = false} : vector<8x88xf32>, vector<88x1024xf32>, vector<8x1024xf32> -> vector<8x1024xf32>
      %get3A_346 = arith.constant 0 : index
      %get3A_347 = arith.constant 0 : index
      %get3A_348 = vector.load %arg12[%get3A_346, %get3A_347] : memref<8x88xf32, #tpu.memory_space<vmem>>, vector<8x88xf32>
      %dot_general3A_349 = arith.constant dense<0.000000e+00> : vector<8x1024xf32>
      %dot_general3A_350 = tpu.matmul %get3A_348, %add3A_330, %dot_general3A_349 {dimension_numbers = #tpu.dot_dimension_numbers<[1], [0], [0], [1], [0, 0, 1, 1], [], []>, transpose_lhs_hint = false} : vector<8x88xf32>, vector<88x1024xf32>, vector<8x1024xf32> -> vector<8x1024xf32>
      %get3A_351 = arith.constant 0 : index
      %get3A_352 = arith.constant 0 : index
      %get3A_353 = vector.load %arg12[%get3A_351, %get3A_352] : memref<8x88xf32, #tpu.memory_space<vmem>>, vector<8x88xf32>
      %dot_general3A_354 = arith.constant dense<0.000000e+00> : vector<8x1024xf32>
      %dot_general3A_355 = tpu.matmul %get3A_353, %add3A_340, %dot_general3A_354 {dimension_numbers = #tpu.dot_dimension_numbers<[1], [0], [0], [1], [0, 0, 1, 1], [], []>, transpose_lhs_hint = false} : vector<8x88xf32>, vector<88x1024xf32>, vector<8x1024xf32> -> vector<8x1024xf32>
      %slice3A_356 = vector.extract_strided_slice %dot_general3A_345 {offsets = [0, 0], sizes = [1, 1024], strides = [1, 1]} : vector<8x1024xf32> to vector<1x1024xf32>
      %mul3A_357 = vector.broadcast %slice3A_356 : vector<1x1024xf32> to vector<352x1024xf32>
      %mul3A_358 = arith.mulf %concatenate3A_180, %mul3A_357 : vector<352x1024xf32>
      %slice3A_359 = vector.extract_strided_slice %dot_general3A_345 {offsets = [1, 0], sizes = [1, 1024], strides = [1, 1]} : vector<8x1024xf32> to vector<1x1024xf32>
      %mul3A_360 = vector.broadcast %slice3A_359 : vector<1x1024xf32> to vector<352x1024xf32>
      %mul3A_361 = arith.mulf %concatenate3A_183, %mul3A_360 : vector<352x1024xf32>
      %add3A_362 = arith.addf %mul3A_358, %mul3A_361 : vector<352x1024xf32>
      %slice3A_363 = vector.extract_strided_slice %dot_general3A_345 {offsets = [2, 0], sizes = [1, 1024], strides = [1, 1]} : vector<8x1024xf32> to vector<1x1024xf32>
      %mul3A_364 = vector.broadcast %slice3A_363 : vector<1x1024xf32> to vector<352x1024xf32>
      %mul3A_365 = arith.mulf %concatenate3A_186, %mul3A_364 : vector<352x1024xf32>
      %add3A_366 = arith.addf %add3A_362, %mul3A_365 : vector<352x1024xf32>
      %slice3A_367 = vector.extract_strided_slice %dot_general3A_350 {offsets = [0, 0], sizes = [1, 1024], strides = [1, 1]} : vector<8x1024xf32> to vector<1x1024xf32>
      %mul3A_368 = vector.broadcast %slice3A_367 : vector<1x1024xf32> to vector<352x1024xf32>
      %mul3A_369 = arith.mulf %concatenate3A_180, %mul3A_368 : vector<352x1024xf32>
      %slice3A_370 = vector.extract_strided_slice %dot_general3A_350 {offsets = [1, 0], sizes = [1, 1024], strides = [1, 1]} : vector<8x1024xf32> to vector<1x1024xf32>
      %mul3A_371 = vector.broadcast %slice3A_370 : vector<1x1024xf32> to vector<352x1024xf32>
      %mul3A_372 = arith.mulf %concatenate3A_183, %mul3A_371 : vector<352x1024xf32>
      %add3A_373 = arith.addf %mul3A_369, %mul3A_372 : vector<352x1024xf32>
      %slice3A_374 = vector.extract_strided_slice %dot_general3A_350 {offsets = [2, 0], sizes = [1, 1024], strides = [1, 1]} : vector<8x1024xf32> to vector<1x1024xf32>
      %mul3A_375 = vector.broadcast %slice3A_374 : vector<1x1024xf32> to vector<352x1024xf32>
      %mul3A_376 = arith.mulf %concatenate3A_186, %mul3A_375 : vector<352x1024xf32>
      %add3A_377 = arith.addf %add3A_373, %mul3A_376 : vector<352x1024xf32>
      %slice3A_378 = vector.extract_strided_slice %dot_general3A_355 {offsets = [0, 0], sizes = [1, 1024], strides = [1, 1]} : vector<8x1024xf32> to vector<1x1024xf32>
      %mul3A_379 = vector.broadcast %slice3A_378 : vector<1x1024xf32> to vector<352x1024xf32>
      %mul3A_380 = arith.mulf %concatenate3A_180, %mul3A_379 : vector<352x1024xf32>
      %slice3A_381 = vector.extract_strided_slice %dot_general3A_355 {offsets = [1, 0], sizes = [1, 1024], strides = [1, 1]} : vector<8x1024xf32> to vector<1x1024xf32>
      %mul3A_382 = vector.broadcast %slice3A_381 : vector<1x1024xf32> to vector<352x1024xf32>
      %mul3A_383 = arith.mulf %concatenate3A_183, %mul3A_382 : vector<352x1024xf32>
      %add3A_384 = arith.addf %mul3A_380, %mul3A_383 : vector<352x1024xf32>
      %slice3A_385 = vector.extract_strided_slice %dot_general3A_355 {offsets = [2, 0], sizes = [1, 1024], strides = [1, 1]} : vector<8x1024xf32> to vector<1x1024xf32>
      %mul3A_386 = vector.broadcast %slice3A_385 : vector<1x1024xf32> to vector<352x1024xf32>
      %mul3A_387 = arith.mulf %concatenate3A_186, %mul3A_386 : vector<352x1024xf32>
      %add3A_388 = arith.addf %add3A_384, %mul3A_387 : vector<352x1024xf32>
      %concatenate3A_389 = tpu.concatenate %add3A_366, %add3A_377, %add3A_388 in 0 : vector<352x1024xf32>, vector<352x1024xf32>, vector<352x1024xf32> -> vector<1056x1024xf32>
      %get3A_390 = arith.constant 0 : index
      %get3A_391 = arith.constant 0 : index
      %get3A_392 = vector.load %arg13[%get3A_390, %get3A_391] : memref<1020x1056xf32, #tpu.memory_space<vmem>>, vector<1020x1056xf32>
      %dot_general3A_393 = arith.constant dense<0.000000e+00> : vector<1020x1024xf32>
      %dot_general3A_394 = tpu.matmul %get3A_392, %concatenate3A_389, %dot_general3A_393 {dimension_numbers = #tpu.dot_dimension_numbers<[1], [0], [0], [1], [0, 0, 1, 1], [], []>, transpose_lhs_hint = false} : vector<1020x1056xf32>, vector<1056x1024xf32>, vector<1020x1024xf32> -> vector<1020x1024xf32>
      %max3A = arith.constant 0.000000e+00 : f32
      %max3A_395 = vector.broadcast %max3A : f32 to vector<1020x1024xf32>
      %max3A_396 = arith.maximumf %dot_general3A_394, %max3A_395 : vector<1020x1024xf32>
      %get3A_397 = arith.constant 0 : index
      %get3A_398 = arith.constant 0 : index
      %get3A_399 = vector.load %arg14[%get3A_397, %get3A_398] : memref<1020x1020xf32, #tpu.memory_space<vmem>>, vector<1020x1020xf32>
      %dot_general3A_400 = arith.constant dense<0.000000e+00> : vector<1020x1024xf32>
      %dot_general3A_401 = tpu.matmul %get3A_399, %max3A_396, %dot_general3A_400 {dimension_numbers = #tpu.dot_dimension_numbers<[1], [0], [0], [1], [0, 0, 1, 1], [], []>, transpose_lhs_hint = false} : vector<1020x1020xf32>, vector<1020x1024xf32>, vector<1020x1024xf32> -> vector<1020x1024xf32>
      %max3A_402 = arith.constant 0.000000e+00 : f32
      %max3A_403 = vector.broadcast %max3A_402 : f32 to vector<1020x1024xf32>
      %max3A_404 = arith.maximumf %dot_general3A_401, %max3A_403 : vector<1020x1024xf32>
      %swap3A_405 = arith.constant 0 : index
      %swap3A_406 = arith.constant 0 : index
      %swap3A_407 = vector.load %arg19[%swap3A_405, %swap3A_406] : memref<1020x1024xf32, #tpu.memory_space<vmem>>, vector<1020x1024xf32>
      tpu.vector_store %arg19[%swap3A_405, %swap3A_406], %max3A_404 {strides = array<i32>} : memref<1020x1024xf32, #tpu.memory_space<vmem>>, vector<1020x1024xf32>,
      %broadcast_in_dim3A_408 = arith.constant 0.000000e+00 : f32
      %broadcast_in_dim3A_409 = vector.broadcast %broadcast_in_dim3A_408 : f32 to vector<176x125xf32>
      %concatenate3A_410 = tpu.concatenate %div3A_165, %div3A_171, %div3A_177, %broadcast_in_dim3A_409 in 1 : vector<176x1xf32>, vector<176x1xf32>, vector<176x1xf32>, vector<176x125xf32> -> vector<176x128xf32>
      %swap3A_411 = arith.constant 0 : index
      %swap3A_412 = arith.constant 0 : index
      %swap3A_413 = arith.constant 0 : index
      %swap3A_414 = vector.load %arg18[%swap3A_411, %swap3A_412, %swap3A_413] : memref<1x176x128xf32, #tpu.memory_space<vmem>>, vector<1x176x128xf32>
      %swap3A_415 = vector.shape_cast %swap3A_414 : vector<1x176x128xf32> to vector<176x128xf32>
      %swap3A_416 = vector.shape_cast %concatenate3A_410 : vector<176x128xf32> to vector<1x176x128xf32>
      tpu.vector_store %arg18[%swap3A_411, %swap3A_412, %swap3A_413], %swap3A_416 {strides = array<i32>} : memref<1x176x128xf32, #tpu.memory_space<vmem>>, vector<1x176x128xf32>,
    } else {
    }
    %get3A = arith.constant 0 : index
    %get3A_2 = arith.constant 0 : index
    %get3A_3 = vector.load %arg15[%get3A, %get3A_2] : memref<640x1020xf32, #tpu.memory_space<vmem>>, vector<640x1020xf32>
    %get3A_4 = arith.constant 0 : index
    %get3A_5 = arith.constant 0 : index
    %get3A_6 = vector.load %arg19[%get3A_4, %get3A_5] : memref<1020x1024xf32, #tpu.memory_space<vmem>>, vector<1020x1024xf32>
    %dot_general3A = arith.constant dense<0.000000e+00> : vector<640x1024xf32>
    %dot_general3A_7 = tpu.matmul %get3A_3, %get3A_6, %dot_general3A {dimension_numbers = #tpu.dot_dimension_numbers<[1], [0], [0], [1], [0, 0, 1, 1], [], []>, transpose_lhs_hint = false} : vector<640x1020xf32>, vector<1020x1024xf32>, vector<640x1024xf32> -> vector<640x1024xf32>
    %get3A_8 = arith.constant 0 : index
    %get3A_9 = arith.constant 0 : index
    %get3A_10 = arith.constant 0 : index
    %get3A_11 = vector.load %arg16[%get3A_8, %get3A_9, %get3A_10] : memref<1x1x640xf32, #tpu.memory_space<vmem>>, vector<1x1x640xf32>
    %get3A_12 = vector.shape_cast %get3A_11 : vector<1x1x640xf32> to vector<640xf32>
    %reshape3A = vector.shape_cast %get3A_12 : vector<640xf32> to vector<640x1xf32>
    %add3A = vector.broadcast %reshape3A : vector<640x1xf32> to vector<640x1024xf32>
    %add3A_13 = arith.addf %dot_general3A_7, %add3A : vector<640x1024xf32>
    %swap3A = arith.constant 0 : index
    %swap3A_14 = arith.constant 0 : index
    %swap3A_15 = arith.constant 0 : index
    %swap3A_16 = vector.load %arg17[%swap3A, %swap3A_14, %swap3A_15] : memref<1x640x1024xf32, #tpu.memory_space<vmem>>, vector<1x640x1024xf32>
    %swap3A_17 = vector.shape_cast %swap3A_16 : vector<1x640x1024xf32> to vector<640x1024xf32>
    %swap3A_18 = vector.shape_cast %add3A_13 : vector<640x1024xf32> to vector<1x640x1024xf32>
    tpu.vector_store %arg17[%swap3A, %swap3A_14, %swap3A_15], %swap3A_18 {strides = array<i32>} : memref<1x640x1024xf32, #tpu.memory_space<vmem>>, vector<1x640x1024xf32>,
    return
  }
  func.func @transform_0(%arg0: i32, %arg1: i32) -> (i32, i32, i32) {
    %c0_i32 = arith.constant 0 : i32
    %c0_i32_0 = arith.constant 0 : i32
    %c0_i32_1 = arith.constant 0 : i32
    return %arg0, %c0_i32, %c0_i32_0 : i32, i32, i32
  }
  func.func @transform_1(%arg0: i32, %arg1: i32) -> (i32, i32, i32) {
    %c0_i32 = arith.constant 0 : i32
    %c0_i32_0 = arith.constant 0 : i32
    %c0_i32_1 = arith.constant 0 : i32
    return %arg0, %c0_i32, %c0_i32_0 : i32, i32, i32
  }
  func.func @transform_2(%arg0: i32, %arg1: i32) -> (i32, i32, i32) {
    %c0_i32 = arith.constant 0 : i32
    %c0_i32_0 = arith.constant 0 : i32
    %c0_i32_1 = arith.constant 0 : i32
    return %arg0, %c0_i32, %c0_i32_0 : i32, i32, i32
  }
  func.func @transform_3(%arg0: i32, %arg1: i32) -> (i32, i32, i32) {
    %c0_i32 = arith.constant 0 : i32
    %c0_i32_0 = arith.constant 0 : i32
    %c0_i32_1 = arith.constant 0 : i32
    return %arg0, %c0_i32, %c0_i32_0 : i32, i32, i32
  }
  func.func @transform_4(%arg0: i32, %arg1: i32) -> (i32, i32) {
    %c0_i32 = arith.constant 0 : i32
    %c0_i32_0 = arith.constant 0 : i32
    %c0_i32_1 = arith.constant 0 : i32
    return %c0_i32, %c0_i32_0 : i32, i32
  }
  func.func @transform_5(%arg0: i32, %arg1: i32) -> (i32, i32) {
    %c0_i32 = arith.constant 0 : i32
    %c0_i32_0 = arith.constant 0 : i32
    %c0_i32_1 = arith.constant 0 : i32
    return %c0_i32, %c0_i32_0 : i32, i32
  }
  func.func @transform_6(%arg0: i32, %arg1: i32) -> (i32, i32) {
    %c0_i32 = arith.constant 0 : i32
    %c0_i32_0 = arith.constant 0 : i32
    %c0_i32_1 = arith.constant 0 : i32
    return %c0_i32, %c0_i32_0 : i32, i32
  }
  func.func @transform_7(%arg0: i32, %arg1: i32) -> (i32, i32) {
    %c0_i32 = arith.constant 0 : i32
    %c0_i32_0 = arith.constant 0 : i32
    %c0_i32_1 = arith.constant 0 : i32
    return %c0_i32, %c0_i32_0 : i32, i32
  }
  func.func @transform_8(%arg0: i32, %arg1: i32) -> (i32, i32) {
    %c0_i32 = arith.constant 0 : i32
    %c0_i32_0 = arith.constant 0 : i32
    %c0_i32_1 = arith.constant 0 : i32
    return %c0_i32, %c0_i32_0 : i32, i32
  }
  func.func @transform_9(%arg0: i32, %arg1: i32) -> (i32, i32) {
    %c0_i32 = arith.constant 0 : i32
    %c0_i32_0 = arith.constant 0 : i32
    %c0_i32_1 = arith.constant 0 : i32
    return %c0_i32, %c0_i32_0 : i32, i32
  }
  func.func @transform_10(%arg0: i32, %arg1: i32) -> (i32, i32) {
    %c0_i32 = arith.constant 0 : i32
    %c0_i32_0 = arith.constant 0 : i32
    %c0_i32_1 = arith.constant 0 : i32
    return %c0_i32, %c0_i32_0 : i32, i32
  }
  func.func @transform_11(%arg0: i32, %arg1: i32) -> (i32, i32) {
    %c0_i32 = arith.constant 0 : i32
    %c0_i32_0 = arith.constant 0 : i32
    %c0_i32_1 = arith.constant 0 : i32
    return %c0_i32, %c0_i32_0 : i32, i32
  }
  func.func @transform_12(%arg0: i32, %arg1: i32) -> (i32, i32) {
    %c0_i32 = arith.constant 0 : i32
    %c0_i32_0 = arith.constant 0 : i32
    %c0_i32_1 = arith.constant 0 : i32
    return %c0_i32, %c0_i32_0 : i32, i32
  }
  func.func @transform_13(%arg0: i32, %arg1: i32) -> (i32, i32) {
    %c0_i32 = arith.constant 0 : i32
    %c0_i32_0 = arith.constant 0 : i32
    return %arg1, %c0_i32 : i32, i32
  }
  func.func @transform_14(%arg0: i32, %arg1: i32) -> (i32, i32, i32) {
    %c0_i32 = arith.constant 0 : i32
    %c0_i32_0 = arith.constant 0 : i32
    %c0_i32_1 = arith.constant 0 : i32
    return %arg1, %c0_i32, %c0_i32_0 : i32, i32, i32
  }
  func.func @transform_15(%arg0: i32, %arg1: i32) -> (i32, i32, i32) {
    %c0_i32 = arith.constant 0 : i32
    %c0_i32_0 = arith.constant 0 : i32
    return %arg0, %arg1, %c0_i32 : i32, i32, i32
  }
  func.func @transform_16(%arg0: i32, %arg1: i32) -> (i32, i32, i32) {
    %c0_i32 = arith.constant 0 : i32
    %c0_i32_0 = arith.constant 0 : i32
    %c0_i32_1 = arith.constant 0 : i32
    return %arg0, %c0_i32, %c0_i32_0 : i32, i32, i32
  }
}

</mosaic_0001>

<sc_bundles>
// kernel: sparse-core-data-format-call.cloned.1.call-start
scs
called_computation_lowered:
.L_overlay_start_0:
0x0: {  	s2 =	sld [smem:$0x3FD9]  }
0x1: {  	s3 =	sld [smem:$0x3FFE];
	_ =	sdelay $0x1  }
0x2: {  	s1 =	srdreg.scid  }
0x3: {  	s0 =	sand.u32 $0x1, s1  }
0x4: {  	s15 =	sshll.u32 s0, $0xA;
	s2 =	sadd.s32 s3, s2  }
0x5: {  	s2 =	sadd.s32 s2, s15  }
0x6: {  	[smem:$0x3FB4] =	sst s2  }
0x7: {  	_ = 	snop  }
0x8: {  	s2 =	sld [smem:$0x3FD0];
	_ =	sdelay $0x2  }
0x9: {  	s16 =	simm.s32 $0xA;
	s4 =	simm.s32 $0x10  }
0xa: {  	[smem:s4], [sflag:s16] =	dma.local [hbm:s2], $0x1  }
0xb: {  	_ =	swait.eq [sflag:s16], $0x1  }
0xc: {  	[sflag:s16] =	ssyncset.done $0x0  }
0xd: {  	[sflag:s16] =	ssyncadd.s32 $0xFFFFFFFF  }
0xe: {  	s17 =	sld [smem:$0x11];
	(tm) =	ssettm $0x1  }
0xf: {  	s18 =	sld [smem:$0x3FFB];
	_ =	sdelay $0x3  }
0x10: {  	_ =	strace s18  }
0x11: {  	s3 =	sld [smem:$0x3FFC];
	_ =	sdelay $0x3  }
0x12: {  	_ =	strace s3  }
0x13: {  	s3 =	sld [smem:$0x3FFD];
	_ =	sdelay $0x3  }
0x14: {  	_ =	strace s3  }
0x15: {  	_ =	strace $0x8FFFFFFF  }
0x16: {  	s19 =	sld [smem:$0x3FDB];
	_ =	sdelay $0x1  }
0x17: {  	s20 =	simm.s32 $_scs_section_size  }
0x18: {  	s5 =	simm.s32 $_size__tile_overlayer_lowered;
	s6 =	simm.s32 $_tile_overlayer_lowered  }
0x19: {  	s23 =	simm.s32 $0x1BFF;
	s22 =	sshll.u32 s6, $0x1;
	s3 =	sadd.s32 s20, s19  }
0x1a: {  	s7 =	simm.s32 $0x0;
	s21 =	sshll.u32 s5, $0x1;
	s5 =	sadd.s32 s22, s3  }
0x1b: {  	[timem:s7], [sflag:s23] =	dma.local [hbm:s5], s21  }
0x1c: {  	_ =	swait.ge [sflag:s23], s21  }
0x1d: {  	s4 =	ssub.s32 $0x0, s21;
	[sflag:s23] =	ssyncset.done $0x0  }
0x1e: {  	[sflag:s23] =	ssyncadd.s32 s4;
	_ =	sdelay $0x1  }
0x1f: {  	s24 =	simm.s32 $0x1B8B  }
0x20: {  	_ =	swait.ge [sflag:s24], $0x1  }
0x21: {  	[sflag:s24] =	ssyncset.done $0x0  }
0x22: {  	s26 =	simm.s32 $0x1B8E;
	s25 =	sld [smem:$0x3FFE];
	[sflag:s24] =	ssyncadd.s32 $0xFFFFFFFF  }
0x23: {  	s27 =	simm.s32 $execute0_lowered;
	[smem:$0x3FD2] =	sst s26  }
0x24: {  	s5 =	sshll.u32 s27, $0x1;
	_ =	strace $0x80000046;
	[dreg:$0x1] =	wrdreg $0xFFFFFFFF  }
0x25: {  	s28 =	simm.s32 $_size_execute0_lowered;
	s3 =	sadd.s32 s3, s5;
	[dreg:$0x0] =	wrdreg $0x0  }
0x26: {  	s5 =	sshll.u32 s28, $0x1;
	[dreg:$0x2] =	wrdreg s3  }
0x27: {  	[dreg:$0x3] =	wrdreg s5  }
0x28: {  	[dreg:$0x4] =	wrdreg $0xC0  }
0x29: {  	_ =	task [dreg:s7], $0x5FFFF  }
0x2a: {  	[dreg:$0x1] =	wrdreg $0xFFFFFFFF  }
0x2b: {  	[dreg:$0x0] =	wrdreg $0x60  }
0x2c: {  	[dreg:$0x2] =	wrdreg s25  }
0x2d: {  	[dreg:$0x3] =	wrdreg s17  }
0x2e: {  	[dreg:$0x4] =	wrdreg $0x9  }
0x2f: {  	_ =	task.clear_ibuf [dreg:s7], $0x5FFFF;
	_ =	strace $0x90000046  }
0x30: {  	s29 =	simm.s32 $0x9;
	_ =	strace $0x80000048  }
0x31: {  	_ =	swait.ge [sflag:s29], $0x1  }
0x32: {  	[sflag:s29] =	ssyncadd.s32 $0xFFFFFFFF  }
0x33: {  	_ =	strace $0x90000048  }
0x34: {  	_ =	sfence  }
0x35: {  	s30 =	sld [smem:$0x0];
	_ =	sdelay $0x2  }
0x36: {  	s31 =	sshll.u32 s1, $0xD;
	s1 =	sshrl.u32 s1, $0x2  }
0x37: {  	s3 =	sand.u32 $0x4000, s31;
	s1 =	sadd.s32 s1, s30  }
0x38: {  	s0 =	sor.u32 s3, s0;
	s1 =	sshll.u32 s1, $0x11  }
0x39: {  	s0 =	sor.u32 s1, s0  }
0x3a: {  	s0 =	sadd.s32 $0x8F2B, s0  }
0x3b: {  	[sflag:s0] =	ssyncadd.remote.s32 $0x1  }
0x3c: {  	_ =	sfence.sel $0xFFFF  }
0x3d: {  	[dreg:$0x0] =	wrdreg $0xFFFFFFFF;
	(pc) =	sbr.abs _section_cstart, $3  }
0x3e: {  	[dreg:$0x1] =	wrdreg $0xFFFFFFFF  }
0x3f: {  	_ =	task.clear_ibuf [dreg:s7], $0x2FFFF;
	_ =	strace $0x9FFFFFFF  }
0x40: {  	(tm) =	ssettm $0x7FFFFFFF  }
0x41: {  	_ =	shalt  }
tec
execute0_lowered:
.L_overlay_start_1:
0x0: {  	(tag) =	ssettag $0x1  }
0x1: {  	s0 =	srdreg.scid;
	s8 =	rddreg [dreg:$0x0]  }
0x2: {  	s2 =	rddreg [dreg:$0x1];
	s10 =	simm.s32 $0x2B;
	s31 =	simm.s32 $0x2  }
0x3: {  	s17 =	simm.s32 $0x0;
	s12 =	simm.s32 $0x2000;
	s18 =	simm.s32 $0x0  }
0x4: {  	s19 =	simm.s32 $0x0;
	s1 =	sshll.u32 s0, $0x4;
	s0 =	stileid.u32  }
0x5: {  	s20 =	simm.s32 $0x0;
	s1 =	sand.u32 $0x10, s1;
	s3 =	sand.u32 $0x1, s0  }
0x6: {  	s14 =	simm.s32 $0x0;
	s9 =	sor.u32 s0, s1;
	s5 =	ssub.s32 $0x2, s3  }
0x7: {  	s16 =	simm.s32 $0x0;
	s4 =	sshll.u32 s9, $0x5;
	s6 =	sshrl.u32 s5, $0x1  }
0x8: {  	s7 =	sand.u32 $0x1, s5;
	s5 =	sand.u32 $0x2, s0;
	s4 =	sand.u32 $0x380, s4  }
0x9: {  	s8 =	sadd.s32 $0x3200, s8;
	p0 =	seq.s32 s5, $0x0;
	s30 =	ssub.s32 $0x400, s4  }
0xa: {  	s6 =	sadd.s32 s7, s6;
	s10 =	simm.s32 @!p0 $0x2A;
	s11 =	sand.u32 $0x380, s30  }
0xb: {  	s10 =	smul.u32 s10, s6;
	p0 =	sne.s32 s11, $0x0;
	s11 =	simm.s32 $0x1  }
.Ltmp0:
0xc: {  	s7 =	sshrl.u32 s30, $0xA;
	s11 =	simm.s32 @!p0 $0x0;
	(pc) =	sbr.rel .LBB1_1-.Ltmp0, $4  }
0xd: {  	s1 =	rddreg [dreg:$0x2];
	_ =	strace $0x80000047;
	s7 =	sadd.s32 s11, s7  }
0xe: {  	s15 =	smov.u32 s3;
	s6 =	simm.s32 $0x1;
	s7 =	smul.u32 s7, s10  }
0xf: {  	s9 =	sshll.u32 s9, $0x8;
	s13 =	smov.u32 s5;
	[sflag:s6] =	ssyncpa.u1 $0x0  }
0x10: {  	[sflag:s31] =	ssyncpa.u1 $0x0;
	s11 =	simm.s32 $0x400;
	s10 =	sadd.s32 $0x1, s7  }
.LBB1_7:
0x11: {  	s21 =	sadd.s32 $0x4, s13  }
0x12: {  	s17 =	sadd.s32 $0x40, s14;
	s22 =	smov.u32 s14;
	p1 =	sgt.s32 s21, $0xA9  }
0x13: {  	s22 =	smov.u32 @p1 s17  }
0x14: {  	s18 =	sadd.s32 $0x2, s15;
	s23 =	smov.u32 s15;
	p2 =	sgt.s32 s22, $0x3F  }
0x15: {  	s23 =	smov.u32 @p2 s18  }
0x16: {  	s21 =	smov.u32 @p1 s5;
	p1 =	sgt.s32 s23, $0x1  }
0x17: {  	p0 =	slt.u32 s16, $0x2;
	s23 =	smov.u32 @p1 s3;
	p1 =	sne.s32 s16, s10  }
.Ltmp1:
0x18: {  	s17 =	simm.s32 @!p0 $0x2;
	(pc) =	sbr.rel @!p1 .LBB1_8-.Ltmp1, $4  }
0x19: {  	s19 =	smov.u32 s14;
	s20 =	smov.u32 s15;
	_ =	swait.ge @!p0 [sflag:s17], $0x4000  }
0x1a: {  	[sflag:s17] =	ssyncset.done @!p0 $0x0;
	s22 =	simm.s32 @p2 $0x0;
	s18 =	smov.u32 s13  }
0x1b: {  	s13 =	smov.u32 s21;
	[sflag:s17] =	ssyncadd.s32 @!p0 $0xFFFFC000;
	s17 =	smov.u32 s4  }
0x1c: {  	s14 =	smov.u32 s22;
	s16 =	sadd.s32 $0x1, s16;
	s15 =	smov.u32 s23  }
.LBB1_1:
0x1d: {  	p0 =	sge.u32 s16, s7  }
0x1e: {  	s21 =	sshll.u32 @!p0 s13, $0xA  }
0x1f: {  	s21 =	sand.u32 @!p0 $0xFFFFE000, s21  }
0x20: {  	s21 =	sor.u32 @!p0 s9, s21  }
0x21: {  	s21 =	sshrl.u32 @!p0 s21, $0xA  }
0x22: {  	s22 =	smulhi.u32 @!p0 $0x1745D18, s21  }
0x23: {  	s23 =	smul.u32 @!p0 $0x160000, s15  }
0x24: {  	s22 =	smul.u32 @!p0 $0xB0, s22  }
0x25: {  	s31 =	sadd.s32 $0xFFFFFFFF, s16;
	s24 =	sxor.u32 @!p0 $0xFFFFFFFF, s16;
	s25 =	smul.u32 @!p0 $0x5800, s14  }
0x26: {  	s23 =	sadd.s32 @!p0 s8, s23;
	s21 =	ssub.s32 @!p0 s21, s22;
	s22 =	sshll.u32 @!p0 s13, $0x4  }
0x27: {  	s24 =	sshll.u32 @!p0 s24, $0xE;
	s23 =	sadd.s32 @!p0 s25, s23;
	s22 =	sand.u32 @!p0 $0x70, s22  }
0x28: {  	s24 =	sand.u32 @!p0 $0x4000, s24;
	s21 =	sshll.u32 @!p0 s21, $0x7;
	s22 =	sadd.s32 @!p0 s22, s23  }
0x29: {  	s23 =	simm.s32 @!p0 $0x2C000;
	s21 =	sadd.s32 @!p0 s21, s22;
	s22 =	simm.s32 @!p0 $0x100  }
0x2a: {  	[tilespmem:s24], [sflag:$0x1] =	stream.strided.gather @!p0 [hbm4b:s21+s22], $0x4000, s23, s22, $0x38;
	[tilespmem:$0x10000] =	vst v63  }
0x2b: {  	p0 =	sge.u32 s31, s7  }
.Ltmp2:
0x2c: {  	_ = 	snop;
	(pc) =	sbr.rel @p0 .LBB1_7-.Ltmp2, $1  }
0x2d: {  	_ =	sdelay $0x3  }
0x2e: {  	_ =	swait.ge [sflag:s6], $0x4000;
	s21 =	sshll.u32 s16, $0xE  }
0x2f: {  	[sflag:s6] =	ssyncset.done $0x0;
	s22 =	sand.u32 $0x4000, s21  }
0x30: {  	s23 =	simm.s32 $0x0;
	[sflag:s6] =	ssyncadd.s32 $0xFFFFC000;
	s21 =	sor.u32 $0x8000, s22  }
.LBB1_3:
0x31: {  	s24 =	sshll.u32 s23, $0x8  }
0x32: {  	s24 =	sand.u32 $0x3FFFFF00, s24  }
0x33: {  	s25 =	sshll.u32 s23, $0x7;
	s24 =	sadd.s32 s24, s22  }
0x34: {  	s25 =	sand.u32 $0x3FFFFF80, s25;
	v0 =	vmov s24  }
0x35: {  	s25 =	sadd.s32 s25, s21  }
0x36: {  	p0 =	por $0x1, $0x1;
	v1 =	vmov s25;
	s24 =	simm.s32 $0x0  }
.LBB1_4:
0x37: {  	s25 =	sshll.u32 s24, $0x7  }
0x38: {  	s25 =	sand.u32 $0x3FFFFF80, s25  }
0x39: {  	v2 =	vld.idx.msk [tilespmem:v0+s25+$0x0 ss:$0x1], $0xffff  }
0x3a: {  	v3 =	vld.idx.msk [tilespmem:v0+s25+$0x10 ss:$0x1], $0xffff  }
0x3b: {  	v4 =	vld.idx.msk [tilespmem:v0+s25+$0x20 ss:$0x1], $0xffff  }
0x3c: {  	s31 =	sshll.u32 s24, $0xD;
	v5 =	vld.idx.msk [tilespmem:v0+s25+$0x30 ss:$0x1], $0xffff  }
0x3d: {  	s24 =	sand.u32 $0x3FFFE000, s31;
	v6 =	vld.idx.msk [tilespmem:v0+s25+$0x40 ss:$0x1], $0xffff  }
0x3e: {  	v63 =	vld.idx.msk [tilespmem:v0+s25+$0x70 ss:$0x1], $0xffff;
	[tilespmem:v1+s24+$0x0 ss:$0x1] =	vst.idx.msk $0xffff, v2  }
0x3f: {  	v2 =	vld.idx.msk [tilespmem:v0+s25+$0x50 ss:$0x1], $0xffff;
	[tilespmem:v1+s24+$0x10 ss:$0x1] =	vst.idx.msk $0xffff, v3  }
0x40: {  	p1 =	por p0, p0;
	v3 =	vld.idx.msk [tilespmem:v0+s25+$0x60 ss:$0x1], $0xffff;
	[tilespmem:v1+s24+$0x20 ss:$0x1] =	vst.idx.msk $0xffff, v4  }
.Ltmp3:
0x41: {  	[tilespmem:v1+s24+$0x30 ss:$0x1] =	vst.idx.msk $0xffff, v5;
	(pc) =	sbr.rel @p1 .LBB1_4-.Ltmp3, $4  }
0x42: {  	[tilespmem:v1+s24+$0x40 ss:$0x1] =	vst.idx.msk $0xffff, v6  }
0x43: {  	[tilespmem:v1+s24+$0x70 ss:$0x1] =	vst.idx.msk $0xffff, v63  }
0x44: {  	[tilespmem:v1+s24+$0x50 ss:$0x1] =	vst.idx.msk $0xffff, v2  }
0x45: {  	p0 =	por $0x0, $0x0;
	[tilespmem:v1+s24+$0x60 ss:$0x1] =	vst.idx.msk $0xffff, v3;
	s24 =	simm.s32 $0x1  }
0x46: {  	s23 =	sadd.s32 $0x1, s23  }
0x47: {  	p0 =	sne.s32 s23, $0x40  }
.Ltmp4:
0x48: {  	_ = 	snop;
	(pc) =	sbr.rel @p0 .LBB1_3-.Ltmp4, $1  }
0x49: {  	_ =	sdelay $0x3  }
0x4a: {  	s20 =	smul.u32 $0x154000, s20  }
0x4b: {  	s22 =	sshll.u32 s19, $0x7;
	s18 =	sshll.u32 s18, $0xD  }
.Ltmp5:
0x4c: {  	s31 =	sshll.u32 s19, $0x4;
	s20 =	sadd.s32 s2, s20;
	(pc) =	sbr.rel .LBB1_7-.Ltmp5, $4  }
0x4d: {  	s22 =	sand.u32 $0x1C00, s22;
	s19 =	sand.u32 $0x70, s31;
	s18 =	sadd.s32 s18, s20  }
0x4e: {  	s17 =	sor.u32 s17, s22;
	s18 =	sadd.s32 s19, s18  }
0x4f: {  	s17 =	sadd.s32 s17, s18  }
0x50: {  	[hbm4b:s17+s11] =	stream.strided.scatter [tilespmem:s21], [sflag:$0x2], $0x4000, s12, s11, $0x38;
	[tilespmem:$0x10000] =	vst v63  }
.LBB1_8:
0x51: {  	_ =	sfence.sel $0x180000  }
0x52: {  	s2 =	simm.s32 $0x1;
	[bflag:$0x0] =	sbarrier.arrive $0xFFFF  }
0x53: {  	s31 =	simm.s32 $0x2;
	[sflag:s2] =	ssyncpa.u1 $0x1  }
0x54: {  	[sflag:s31] =	ssyncpa.u1 $0x1  }
0x55: {  	p0 =	sne.s32 s0, $0x0;
	_ =	strace $0x90000047  }
0x56: {  	s0 =	sadd.s32 @!p0 $0x100000, s1;
	[bflag:$0x2] =	sbarrier.arrive $0xFFFF  }
0x57: {  	[sflag:s0] =	ssyncadd.tile.s32 @!p0 $0x1;
	_ =	shalt  }
.Lfunc_end1:
_tile_overlayer_lowered:
.L_overlay_start_2:
0x58: {  	(tag) =	ssettag $0x2  }
0x59: {  	s0 =	rddreg [dreg:$0x0];
	s2 =	stileid.u32  }
0x5a: {  	s1 =	rddreg [dreg:$0x1];
	p0 =	sne.s32 s2, $0x0  }
0x5b: {  	s3 =	rddreg [dreg:$0x2];
	[bflag:$0x3] =	sbarrier.arrive $0xFFFF;
	s2 =	simm.s32 @!p0 $0x1C01  }
0x5c: {  	[timem:s3], [sflag:s2] =	dma.local @!p0 [hbm:s0], s1  }
0x5d: {  	s0 =	simm.s32 @!p0 $0x1  }
0x5e: {  	_ =	swait.ge @!p0 [sflag:s0], s1  }
0x5f: {  	s1 =	ssub.s32 @!p0 $0x0, s1;
	[sflag:s0] =	ssyncset.done @!p0 $0x0  }
0x60: {  	[sflag:s0] =	ssyncadd.s32 @!p0 s1  }
0x61: {  	[bflag:$0x3] =	sbarrier.arrive $0xFFFF  }
0x62: {  	_ =	shalt  }

</sc_bundles>
